<compile_context>
chip_gen: v7x
topology: tpu7x:2x2x1
jax: 0.10.2.dev20260603
libtpu: 0.0.44.dev20260713+nightly
codegen_flags: <defaults>
</compile_context>

<pallas_src>
import functools
import jax
import jax.numpy as jnp
from jax import lax
from jax.experimental import pallas as pl
from jax.experimental.pallas import tpu as pltpu
from jax.experimental.pallas import tpu_sc as plsc

T = 2048
D = 1024
E = 8
F = 512
NG = 2
NSHARED = 2
SCALE = 2.5
FS = F * NSHARED

BS = 256
NB = (T * 2 - E) // BS + E
P = NB * BS
RC = 256

NC = 2
NS = 16
NW = NC * NS
TOKW = T // NW
CHUNK = 16


def _lane_cumsum(a):
    cols = [a[:, 0:1]]
    for j in range(1, a.shape[1]):
        cols.append(cols[-1] + a[:, j:j + 1])
    return jnp.concatenate(cols, axis=1)


def _sub_cumsum(a):
    rows = [a[0:1]]
    for j in range(1, a.shape[0]):
        rows.append(rows[-1] + a[j:j + 1])
    return jnp.concatenate(rows, axis=0)


def _router_shared_body(x_ref, gw_ref, eb_ref, wsgu_ref, wsdn_ref,
                        meta_ref, be_ref, sh_ref):
    step = pl.program_id(0)

    @pl.when(step == 1)
    def _shared():
        _shared_compute(x_ref, wsgu_ref, wsdn_ref, sh_ref)

    @pl.when(step == 0)
    def _router():
        _router_compute(x_ref, gw_ref, eb_ref, meta_ref, be_ref)


def _router_compute(x_ref, gw_ref, eb_ref, meta_ref, be_ref):
    x = x_ref[...]
    logits = jnp.dot(x, gw_ref[...])
    scores = jax.nn.sigmoid(logits)
    sfc = scores + eb_ref[...]

    def top2sum(grp):
        g1 = jnp.max(grp, axis=-1, keepdims=True)
        eq1 = jnp.where(grp == g1, 1.0, 0.0)
        first1 = (eq1 * _lane_cumsum(eq1)) == 1.0
        g2 = jnp.max(jnp.where(first1, -jnp.inf, grp), axis=-1, keepdims=True)
        return g1 + g2

    gs0 = top2sum(sfc[:, :E // NG])
    gs1 = top2sum(sfc[:, E // NG:])
    gsel_f = jnp.where(gs0 >= gs1, 1.0, 0.0)
    gof = (jax.lax.broadcasted_iota(jnp.int32, (T, E), 1) // (E // NG)
           ).astype(jnp.float32)
    emask_f = gsel_f * (1.0 - gof) + (1.0 - gsel_f) * gof

    masked = jnp.where(emask_f > 0.5, sfc, -1e9)
    m1 = jnp.max(masked, axis=-1, keepdims=True)
    e1 = jnp.where(masked == m1, 1.0, 0.0)
    f1 = (e1 * _lane_cumsum(e1)) == 1.0
    masked2 = jnp.where(f1, -jnp.inf, masked)
    m2 = jnp.max(masked2, axis=-1, keepdims=True)
    e2 = jnp.where(masked2 == m2, 1.0, 0.0)
    f2 = (e2 * _lane_cumsum(e2)) == 1.0

    w1 = jnp.sum(jnp.where(f1, scores, 0.0), axis=-1, keepdims=True)
    w2 = jnp.sum(jnp.where(f2, scores, 0.0), axis=-1, keepdims=True)
    inv = SCALE / (w1 + w2 + 1e-20)
    w1s = w1 * inv
    w2s = w2 * inv

    sel = jnp.where(f1, 1.0, 0.0) + jnp.where(f2, 1.0, 0.0)
    tri = jnp.where(
        jax.lax.broadcasted_iota(jnp.int32, (RC, RC), 0)
        > jax.lax.broadcasted_iota(jnp.int32, (RC, RC), 1), 1.0, 0.0)
    ranks = []
    carry = jnp.zeros((1, E), jnp.float32)
    for i in range(T // RC):
        ch = sel[i * RC:(i + 1) * RC]
        rloc = jnp.dot(tri, ch, preferred_element_type=jnp.float32)
        ranks.append(rloc + carry)
        carry = carry + jnp.sum(ch, axis=0, keepdims=True)
    rank = jnp.concatenate(ranks, axis=0)

    counts_row = carry
    nb_row = jnp.floor(counts_row * (1.0 / BS) + (BS - 1) / BS)
    start_row = (_lane_cumsum(nb_row) - nb_row) * BS
    pos = start_row + rank
    pos1 = jnp.sum(jnp.where(f1, pos, 0.0), axis=-1, keepdims=True)
    pos2 = jnp.sum(jnp.where(f2, pos, 0.0), axis=-1, keepdims=True)

    meta4 = jnp.concatenate([pos1, pos2, w1s, w2s], axis=1)
    meta_ref[...] = jnp.concatenate(
        [lax.transpose(meta4, (1, 0)),
         jnp.zeros((4, T), jnp.float32)], axis=0)

    counts_col = lax.dot_general(sel, jnp.ones((T, 1), jnp.float32),
                                 (((0,), (0,)), ((), ())))
    nb_col = jnp.floor(counts_col * (1.0 / BS) + (BS - 1) / BS)
    end_col = _sub_cumsum(nb_col)
    b_io = jax.lax.broadcasted_iota(jnp.int32, (E, 128), 1).astype(jnp.float32)
    cmp = jnp.where(b_io >= end_col, 1.0, 0.0)
    be_row = jnp.minimum(jnp.sum(cmp, axis=0, keepdims=True), E - 1)
    sub0 = jax.lax.broadcasted_iota(jnp.int32, (8, 128), 0) == 0
    be_ref[...] = jnp.where(sub0, be_row, 0.0).astype(jnp.int32)


def _shared_compute(x_ref, wsgu_ref, wsdn_ref, sh_ref):
    x = x_ref[...]
    for hh in range(NSHARED):
        g = jnp.dot(x, wsgu_ref[:, hh * F:(hh + 1) * F],
                    preferred_element_type=jnp.float32)
        u = jnp.dot(x, wsgu_ref[:, FS + hh * F:FS + (hh + 1) * F],
                    preferred_element_type=jnp.float32)
        hq = g * jax.nn.sigmoid(g) * u
        y = jnp.dot(hq, wsdn_ref[hh * F:(hh + 1) * F, :],
                    preferred_element_type=jnp.float32)
        if hh == 0:
            sh_ref[...] = y
        else:
            sh_ref[...] += y


def _routed_body(be_ref, xs_ref, sw_ref, wgu_ref, wdn_ref, y_ref):
    del be_ref
    xb = xs_ref[...]
    gu = jnp.dot(xb, wgu_ref[0], preferred_element_type=jnp.float32)
    g = gu[:, :F]
    h = g * jax.nn.sigmoid(g) * gu[:, F:]
    y = jnp.dot(h, wdn_ref[0], preferred_element_type=jnp.float32)
    y_ref[...] = y * sw_ref[...]


def _dispatch_body(meta_hbm, x_hbm, xs_hbm, sw_hbm,
                   xrows, mrows, p1i, p2i, wb1, wb2, sem):
    wid = lax.axis_index("s") * NC + lax.axis_index("c")
    base = wid * TOKW

    for r in range(4):
        pltpu.sync_copy(meta_hbm.at[r, pl.ds(base, TOKW)], mrows.at[r])
    pltpu.sync_copy(x_hbm.at[pl.ds(base, TOKW)], xrows)
    for k in range(TOKW // CHUNK):
        sl = pl.ds(k * CHUNK, CHUNK)
        p1i[sl] = mrows[0, sl].astype(jnp.int32)
        p2i[sl] = mrows[1, sl].astype(jnp.int32)
        wb1[sl] = mrows[2, sl]
        wb2[sl] = mrows[3, sl]
    a1 = pltpu.async_copy(xrows, xs_hbm.at[p1i], sem)
    a2 = pltpu.async_copy(xrows, xs_hbm.at[p2i], sem)
    a3 = pltpu.async_copy(wb1, sw_hbm.at[p1i], sem)
    a4 = pltpu.async_copy(wb2, sw_hbm.at[p2i], sem)
    a1.wait()
    a2.wait()
    a3.wait()
    a4.wait()


def _combine_body(y_hbm, sh_hbm, meta_hbm, out_hbm,
                  r1, r2, shv, ob, mrows, p1i, p2i, sem):
    wid = lax.axis_index("s") * NC + lax.axis_index("c")
    base = wid * TOKW

    for r in range(2):
        pltpu.sync_copy(meta_hbm.at[r, pl.ds(base, TOKW)], mrows.at[r])
    for k in range(TOKW // CHUNK):
        sl = pl.ds(k * CHUNK, CHUNK)
        p1i[sl] = mrows[0, sl].astype(jnp.int32)
        p2i[sl] = mrows[1, sl].astype(jnp.int32)

    def chunk(c, _):
        tb = base + c * CHUNK
        csl = pl.ds(c * CHUNK, CHUNK)
        a1 = pltpu.async_copy(y_hbm.at[p1i.at[csl]], r1, sem)
        a2 = pltpu.async_copy(y_hbm.at[p2i.at[csl]], r2, sem)
        a3 = pltpu.async_copy(sh_hbm.at[pl.ds(tb, CHUNK)], shv, sem)
        a1.wait()
        a2.wait()
        a3.wait()

        def row(i, _):
            for v in range(D // 16):
                sv = pl.ds(v * 16, 16)
                ob[i, sv] = r1[i, sv] + r2[i, sv] + shv[i, sv]
            return 0

        lax.fori_loop(0, CHUNK, row, 0)
        pltpu.sync_copy(ob, out_hbm.at[pl.ds(tb, CHUNK)])
        return 0

    lax.fori_loop(0, TOKW // CHUNK, chunk, 0)


def _make_sc_kernels():
    mesh = plsc.VectorSubcoreMesh(core_axis_name="c", subcore_axis_name="s",
                                  num_cores=NC, num_subcores=NS)
    dispatch = pl.kernel(
        _dispatch_body, mesh=mesh,
        out_type=[jax.ShapeDtypeStruct((P, D), jnp.float32),
                  jax.ShapeDtypeStruct((P,), jnp.float32)],
        scratch_types=[
            pltpu.VMEM((TOKW, D), jnp.float32),
            pltpu.VMEM((4, TOKW), jnp.float32),
            pltpu.VMEM((TOKW,), jnp.int32),
            pltpu.VMEM((TOKW,), jnp.int32),
            pltpu.VMEM((TOKW,), jnp.float32),
            pltpu.VMEM((TOKW,), jnp.float32),
            pltpu.SemaphoreType.DMA,
        ])
    combine = pl.kernel(
        _combine_body, mesh=mesh,
        out_type=jax.ShapeDtypeStruct((T, D), jnp.float32),
        scratch_types=[
            pltpu.VMEM((CHUNK, D), jnp.float32),
            pltpu.VMEM((CHUNK, D), jnp.float32),
            pltpu.VMEM((CHUNK, D), jnp.float32),
            pltpu.VMEM((CHUNK, D), jnp.float32),
            pltpu.VMEM((2, TOKW), jnp.float32),
            pltpu.VMEM((TOKW,), jnp.int32),
            pltpu.VMEM((TOKW,), jnp.int32),
            pltpu.SemaphoreType.DMA,
        ])
    return dispatch, combine


@jax.jit
def kernel(hidden_states, gate_w, e_bias, w_gate_up, w_down, ws_gate_up,
           ws_down):
    x = hidden_states.reshape(T, D)

    meta, bearr, sh = pl.pallas_call(
        _router_shared_body,
        grid=(2,),
        in_specs=[
            pl.BlockSpec((T, D), lambda s_: (0, 0)),
            pl.BlockSpec((D, E), lambda s_: (0, 0)),
            pl.BlockSpec((1, E), lambda s_: (0, 0)),
            pl.BlockSpec((D, 2 * FS), lambda s_: (0, 0)),
            pl.BlockSpec((FS, D), lambda s_: (0, 0)),
        ],
        out_specs=[
            pl.BlockSpec((8, T), lambda s_: (0, 0)),
            pl.BlockSpec((8, 128), lambda s_: (0, 0)),
            pl.BlockSpec((T, D), lambda s_: (0, 0)),
        ],
        out_shape=[jax.ShapeDtypeStruct((8, T), jnp.float32),
                   jax.ShapeDtypeStruct((8, 128), jnp.int32),
                   jax.ShapeDtypeStruct((T, D), jnp.float32)],
    )(x, gate_w, e_bias.reshape(1, E), ws_gate_up, ws_down)
    be = bearr[0, :NB]

    _dispatch, _combine = _make_sc_kernels()
    xs, sw = _dispatch(meta, x)

    y = pl.pallas_call(
        _routed_body,
        grid_spec=pltpu.PrefetchScalarGridSpec(
            num_scalar_prefetch=1,
            grid=(NB,),
            in_specs=[
                pl.BlockSpec((BS, D), lambda b, be: (b, 0)),
                pl.BlockSpec((BS, 1), lambda b, be: (b, 0)),
                pl.BlockSpec((1, D, 2 * F), lambda b, be: (be[b], 0, 0)),
                pl.BlockSpec((1, F, D), lambda b, be: (be[b], 0, 0)),
            ],
            out_specs=pl.BlockSpec((BS, D), lambda b, be: (b, 0)),
        ),
        out_shape=jax.ShapeDtypeStruct((P, D), jnp.float32),
    )(be, xs, sw.reshape(P, 1), w_gate_up, w_down)

    out = _combine(y, sh, meta)
    return out

# --- scband reference (transcript-rebuilt; emitter-appended) ---
"""Pipeline reference for scband-megrez-moe-mo-e-77412490543508 (READ-ONLY COPY).

The authoritative reference and input builder live on the scoring server;
editing this copy changes nothing except your own understanding.
"""

import jax, jax.numpy as jnp
import numpy as np

T = 2048
D = 1024
E = 8
F = 512
TOPK = 2
NG = 2
TG = 1
NSHARED = 2
SCALE = 2.5
FS = F * NSHARED


def setup_inputs(seed: int = 0) -> dict:
    key = jax.random.key(seed)
    ks = jax.random.split(key, 7)
    hidden_states = jax.random.normal(ks[0], (T, D), dtype=jnp.float32)
    gate_w = jax.random.normal(ks[1], (D, E), dtype=jnp.float32) * 0.02
    e_bias = jax.random.normal(ks[2], (E,), dtype=jnp.float32) * 0.02
    w_gate_up = jax.random.normal(ks[3], (E, D, 2 * F), dtype=jnp.float32) * 0.02
    w_down = jax.random.normal(ks[4], (E, F, D), dtype=jnp.float32) * 0.02
    ws_gate_up = jax.random.normal(ks[5], (D, 2 * FS), dtype=jnp.float32) * 0.02
    ws_down = jax.random.normal(ks[6], (FS, D), dtype=jnp.float32) * 0.02
    return {
        'hidden_states': hidden_states,
        'gate_w': gate_w,
        'e_bias': e_bias,
        'w_gate_up': w_gate_up,
        'w_down': w_down,
        'ws_gate_up': ws_gate_up,
        'ws_down': ws_down,
    }


def _silu(x):
    return x * jax.nn.sigmoid(x)


def reference(hidden_states, gate_w, e_bias, w_gate_up, w_down, ws_gate_up, ws_down):
    x = hidden_states.reshape(-1, D)
    # shared experts (MegrezMoeMLP: gate_up_proj -> SiluAndMul -> down_proj)
    gu_s = x @ ws_gate_up
    shared = (_silu(gu_s[:, :FS]) * gu_s[:, FS:]) @ ws_down
    # router gate (ReplicatedLinear, no bias)
    logits = x @ gate_w
    # noaux_tc grouped top-k with sigmoid scoring + e_score_correction_bias
    scores = jax.nn.sigmoid(logits)
    sfc = scores + e_bias[None, :]
    grp = sfc.reshape(-1, NG, E // NG)
    grp_scores = jax.lax.top_k(grp, 2)[0].sum(-1)
    _, grp_idx = jax.lax.top_k(grp_scores, TG)
    rows = jnp.arange(x.shape[0])[:, None]
    grp_mask = jnp.zeros((x.shape[0], NG), dtype=jnp.float32).at[rows, grp_idx].set(1.0)
    expert_mask = jnp.repeat(grp_mask, E // NG, axis=1)
    masked = jnp.where(expert_mask > 0, sfc, -1e9)
    _, topk_ids = jax.lax.top_k(masked, TOPK)
    topk_w = jnp.take_along_axis(scores, topk_ids, axis=1)
    # norm_topk_prob=True -> renormalize
    topk_w = topk_w / (topk_w.sum(-1, keepdims=True) + 1e-20)
    combine = jnp.zeros((x.shape[0], E), dtype=jnp.float32).at[rows, topk_ids].add(topk_w)
    # routed experts (dense reference: unselected experts weighted 0)
    gu_e = jnp.einsum('td,edf->etf', x, w_gate_up)
    h = _silu(gu_e[..., :F]) * gu_e[..., F:]
    down = jnp.einsum('etf,efd->etd', h, w_down)
    routed = jnp.einsum('etd,te->td', down, combine)
    # dtype is float32 (!= float16): routed scaled, shared added unscaled
    out = routed * SCALE + shared
    return out.reshape(T, D)

if __name__ == "__main__":
    import jax
    _d = setup_inputs()
    print(jax.jit(kernel)(*tuple(_d.values())))

</pallas_src>

<mosaic_0001>
#map = affine_map<(d0, d1) -> (0, 0)>
#map1 = affine_map<(d0, d1) -> (0)>
module attributes {stable_mosaic.version = 14 : i64} {
  func.func @_dispatch_body(%arg0: i32, %arg1: i32, %arg2: memref<8x2048xf32, #tpu.memory_space<hbm>>, %arg3: memref<2048x1024xf32, #tpu.memory_space<hbm>>, %arg4: memref<5888x1024xf32, #tpu.memory_space<hbm>>, %arg5: memref<5888xf32, #tpu.memory_space<hbm>>, %arg6: memref<64x1024xf32, #tpu.memory_space<vmem>>, %arg7: memref<4x64xf32, #tpu.memory_space<vmem>>, %arg8: memref<64xi32, #tpu.memory_space<vmem>>, %arg9: memref<64xi32, #tpu.memory_space<vmem>>, %arg10: memref<64xf32, #tpu.memory_space<vmem>>, %arg11: memref<64xf32, #tpu.memory_space<vmem>>, %arg12: memref<!tpu.dma_semaphore, #tpu.memory_space<semaphore_mem>>) attributes {dimension_semantics = [#tpu.dimension_semantics<core_parallel>, #tpu.dimension_semantics<subcore_parallel>], iteration_bounds = array<i64: 2, 16>, scalar_prefetch = 0 : i64, scratch_operands = 7 : i64, tpu.core_type = #tpu.core_type<sc_vector_subcore>, window_params = [{transform_indices = #map}, {transform_indices = #map}, {transform_indices = #map}, {transform_indices = #map1}]} {
    %mul3A = arith.constant 2 : i32
    %mul3A_0 = arith.muli %arg1, %mul3A : i32
    %add3A = arith.addi %mul3A_0, %arg0 : i32
    %mul3A_1 = arith.constant 64 : i32
    %mul3A_2 = arith.muli %add3A, %mul3A_1 : i32
    %run_scoped3A = arith.constant 0 : i32
    %run_scoped3A_3 = arith.constant 0 : i32
    "tpu.region"() ({
      %run_scoped3A_177 = tpu.sem_alloc : memref<!tpu.dma_semaphore, #tpu.memory_space<semaphore_mem>>
      %dma_start3A_178 = arith.constant 0 : i32
      %dma_start3A_179 = tpu.memref_slice %arg7[%run_scoped3A_3, %dma_start3A_178] : memref<4x64xf32, #tpu.memory_space<vmem>> -> memref<1x64xf32, #tpu.memory_space<vmem>>
      %dma_start3A_180 = tpu.memref_squeeze %dma_start3A_179 : memref<1x64xf32, #tpu.memory_space<vmem>> -> memref<64xf32, #tpu.memory_space<vmem>>
      %dma_start3A_181 = tpu.memref_slice %arg2[%run_scoped3A, %mul3A_2] : memref<8x2048xf32, #tpu.memory_space<hbm>> -> memref<1x64xf32, #tpu.memory_space<hbm>>
      %dma_start3A_182 = tpu.memref_squeeze %dma_start3A_181 : memref<1x64xf32, #tpu.memory_space<hbm>> -> memref<64xf32, #tpu.memory_space<hbm>>
      %dma_start3A_183 = arith.constant 0 : i32
      %dma_start3A_184 = tpu.memref_slice %arg7[%run_scoped3A_3, %dma_start3A_183] : memref<4x64xf32, #tpu.memory_space<vmem>> -> memref<1x64xf32, #tpu.memory_space<vmem>>
      %dma_start3A_185 = tpu.memref_squeeze %dma_start3A_184 : memref<1x64xf32, #tpu.memory_space<vmem>> -> memref<64xf32, #tpu.memory_space<vmem>>
      %dma_start3A_186 = tpu.memref_slice %arg2[%run_scoped3A, %mul3A_2] : memref<8x2048xf32, #tpu.memory_space<hbm>> -> memref<1x64xf32, #tpu.memory_space<hbm>>
      %dma_start3A_187 = tpu.memref_squeeze %dma_start3A_186 : memref<1x64xf32, #tpu.memory_space<hbm>> -> memref<64xf32, #tpu.memory_space<hbm>>
      tpu.enqueue_dma source(%dma_start3A_187 : memref<64xf32, #tpu.memory_space<hbm>>) target(%dma_start3A_185 : memref<64xf32, #tpu.memory_space<vmem>>) target_semaphore(%run_scoped3A_177 : memref<!tpu.dma_semaphore, #tpu.memory_space<semaphore_mem>>)
      %dma_wait3A_188 = arith.constant 0 : i32
      %dma_wait3A_189 = tpu.memref_slice %arg7[%run_scoped3A_3, %dma_wait3A_188] : memref<4x64xf32, #tpu.memory_space<vmem>> -> memref<1x64xf32, #tpu.memory_space<vmem>>
      %dma_wait3A_190 = tpu.memref_squeeze %dma_wait3A_189 : memref<1x64xf32, #tpu.memory_space<vmem>> -> memref<64xf32, #tpu.memory_space<vmem>>
      %dma_wait3A_191 = tpu.memref_slice %arg2[%run_scoped3A, %mul3A_2] : memref<8x2048xf32, #tpu.memory_space<hbm>> -> memref<1x64xf32, #tpu.memory_space<hbm>>
      %dma_wait3A_192 = tpu.memref_squeeze %dma_wait3A_191 : memref<1x64xf32, #tpu.memory_space<hbm>> -> memref<64xf32, #tpu.memory_space<hbm>>
      %dma_wait3A_193 = arith.constant 0 : i32
      %dma_wait3A_194 = tpu.memref_slice %arg7[%run_scoped3A_3, %dma_wait3A_193] : memref<4x64xf32, #tpu.memory_space<vmem>> -> memref<1x64xf32, #tpu.memory_space<vmem>>
      %dma_wait3A_195 = tpu.memref_squeeze %dma_wait3A_194 : memref<1x64xf32, #tpu.memory_space<vmem>> -> memref<64xf32, #tpu.memory_space<vmem>>
      %dma_wait3A_196 = tpu.memref_slice %arg2[%run_scoped3A, %mul3A_2] : memref<8x2048xf32, #tpu.memory_space<hbm>> -> memref<1x64xf32, #tpu.memory_space<hbm>>
      %dma_wait3A_197 = tpu.memref_squeeze %dma_wait3A_196 : memref<1x64xf32, #tpu.memory_space<hbm>> -> memref<64xf32, #tpu.memory_space<hbm>>
      tpu.wait_dma2 semaphore(%run_scoped3A_177 : memref<!tpu.dma_semaphore, #tpu.memory_space<semaphore_mem>>) src(%dma_wait3A_197 : memref<64xf32, #tpu.memory_space<hbm>>) dst(%dma_wait3A_195 : memref<64xf32, #tpu.memory_space<vmem>>)
      tpu.yield
    }) : () -> ()
    %run_scoped3A_4 = arith.constant 1 : i32
    %run_scoped3A_5 = arith.constant 1 : i32
    "tpu.region"() ({
      %run_scoped3A_177 = tpu.sem_alloc : memref<!tpu.dma_semaphore, #tpu.memory_space<semaphore_mem>>
      %dma_start3A_178 = arith.constant 0 : i32
      %dma_start3A_179 = tpu.memref_slice %arg7[%run_scoped3A_5, %dma_start3A_178] : memref<4x64xf32, #tpu.memory_space<vmem>> -> memref<1x64xf32, #tpu.memory_space<vmem>>
      %dma_start3A_180 = tpu.memref_squeeze %dma_start3A_179 : memref<1x64xf32, #tpu.memory_space<vmem>> -> memref<64xf32, #tpu.memory_space<vmem>>
      %dma_start3A_181 = tpu.memref_slice %arg2[%run_scoped3A_4, %mul3A_2] : memref<8x2048xf32, #tpu.memory_space<hbm>> -> memref<1x64xf32, #tpu.memory_space<hbm>>
      %dma_start3A_182 = tpu.memref_squeeze %dma_start3A_181 : memref<1x64xf32, #tpu.memory_space<hbm>> -> memref<64xf32, #tpu.memory_space<hbm>>
      %dma_start3A_183 = arith.constant 0 : i32
      %dma_start3A_184 = tpu.memref_slice %arg7[%run_scoped3A_5, %dma_start3A_183] : memref<4x64xf32, #tpu.memory_space<vmem>> -> memref<1x64xf32, #tpu.memory_space<vmem>>
      %dma_start3A_185 = tpu.memref_squeeze %dma_start3A_184 : memref<1x64xf32, #tpu.memory_space<vmem>> -> memref<64xf32, #tpu.memory_space<vmem>>
      %dma_start3A_186 = tpu.memref_slice %arg2[%run_scoped3A_4, %mul3A_2] : memref<8x2048xf32, #tpu.memory_space<hbm>> -> memref<1x64xf32, #tpu.memory_space<hbm>>
      %dma_start3A_187 = tpu.memref_squeeze %dma_start3A_186 : memref<1x64xf32, #tpu.memory_space<hbm>> -> memref<64xf32, #tpu.memory_space<hbm>>
      tpu.enqueue_dma source(%dma_start3A_187 : memref<64xf32, #tpu.memory_space<hbm>>) target(%dma_start3A_185 : memref<64xf32, #tpu.memory_space<vmem>>) target_semaphore(%run_scoped3A_177 : memref<!tpu.dma_semaphore, #tpu.memory_space<semaphore_mem>>)
      %dma_wait3A_188 = arith.constant 0 : i32
      %dma_wait3A_189 = tpu.memref_slice %arg7[%run_scoped3A_5, %dma_wait3A_188] : memref<4x64xf32, #tpu.memory_space<vmem>> -> memref<1x64xf32, #tpu.memory_space<vmem>>
      %dma_wait3A_190 = tpu.memref_squeeze %dma_wait3A_189 : memref<1x64xf32, #tpu.memory_space<vmem>> -> memref<64xf32, #tpu.memory_space<vmem>>
      %dma_wait3A_191 = tpu.memref_slice %arg2[%run_scoped3A_4, %mul3A_2] : memref<8x2048xf32, #tpu.memory_space<hbm>> -> memref<1x64xf32, #tpu.memory_space<hbm>>
      %dma_wait3A_192 = tpu.memref_squeeze %dma_wait3A_191 : memref<1x64xf32, #tpu.memory_space<hbm>> -> memref<64xf32, #tpu.memory_space<hbm>>
      %dma_wait3A_193 = arith.constant 0 : i32
      %dma_wait3A_194 = tpu.memref_slice %arg7[%run_scoped3A_5, %dma_wait3A_193] : memref<4x64xf32, #tpu.memory_space<vmem>> -> memref<1x64xf32, #tpu.memory_space<vmem>>
      %dma_wait3A_195 = tpu.memref_squeeze %dma_wait3A_194 : memref<1x64xf32, #tpu.memory_space<vmem>> -> memref<64xf32, #tpu.memory_space<vmem>>
      %dma_wait3A_196 = tpu.memref_slice %arg2[%run_scoped3A_4, %mul3A_2] : memref<8x2048xf32, #tpu.memory_space<hbm>> -> memref<1x64xf32, #tpu.memory_space<hbm>>
      %dma_wait3A_197 = tpu.memref_squeeze %dma_wait3A_196 : memref<1x64xf32, #tpu.memory_space<hbm>> -> memref<64xf32, #tpu.memory_space<hbm>>
      tpu.wait_dma2 semaphore(%run_scoped3A_177 : memref<!tpu.dma_semaphore, #tpu.memory_space<semaphore_mem>>) src(%dma_wait3A_197 : memref<64xf32, #tpu.memory_space<hbm>>) dst(%dma_wait3A_195 : memref<64xf32, #tpu.memory_space<vmem>>)
      tpu.yield
    }) : () -> ()
    %run_scoped3A_6 = arith.constant 2 : i32
    %run_scoped3A_7 = arith.constant 2 : i32
    "tpu.region"() ({
      %run_scoped3A_177 = tpu.sem_alloc : memref<!tpu.dma_semaphore, #tpu.memory_space<semaphore_mem>>
      %dma_start3A_178 = arith.constant 0 : i32
      %dma_start3A_179 = tpu.memref_slice %arg7[%run_scoped3A_7, %dma_start3A_178] : memref<4x64xf32, #tpu.memory_space<vmem>> -> memref<1x64xf32, #tpu.memory_space<vmem>>
      %dma_start3A_180 = tpu.memref_squeeze %dma_start3A_179 : memref<1x64xf32, #tpu.memory_space<vmem>> -> memref<64xf32, #tpu.memory_space<vmem>>
      %dma_start3A_181 = tpu.memref_slice %arg2[%run_scoped3A_6, %mul3A_2] : memref<8x2048xf32, #tpu.memory_space<hbm>> -> memref<1x64xf32, #tpu.memory_space<hbm>>
      %dma_start3A_182 = tpu.memref_squeeze %dma_start3A_181 : memref<1x64xf32, #tpu.memory_space<hbm>> -> memref<64xf32, #tpu.memory_space<hbm>>
      %dma_start3A_183 = arith.constant 0 : i32
      %dma_start3A_184 = tpu.memref_slice %arg7[%run_scoped3A_7, %dma_start3A_183] : memref<4x64xf32, #tpu.memory_space<vmem>> -> memref<1x64xf32, #tpu.memory_space<vmem>>
      %dma_start3A_185 = tpu.memref_squeeze %dma_start3A_184 : memref<1x64xf32, #tpu.memory_space<vmem>> -> memref<64xf32, #tpu.memory_space<vmem>>
      %dma_start3A_186 = tpu.memref_slice %arg2[%run_scoped3A_6, %mul3A_2] : memref<8x2048xf32, #tpu.memory_space<hbm>> -> memref<1x64xf32, #tpu.memory_space<hbm>>
      %dma_start3A_187 = tpu.memref_squeeze %dma_start3A_186 : memref<1x64xf32, #tpu.memory_space<hbm>> -> memref<64xf32, #tpu.memory_space<hbm>>
      tpu.enqueue_dma source(%dma_start3A_187 : memref<64xf32, #tpu.memory_space<hbm>>) target(%dma_start3A_185 : memref<64xf32, #tpu.memory_space<vmem>>) target_semaphore(%run_scoped3A_177 : memref<!tpu.dma_semaphore, #tpu.memory_space<semaphore_mem>>)
      %dma_wait3A_188 = arith.constant 0 : i32
      %dma_wait3A_189 = tpu.memref_slice %arg7[%run_scoped3A_7, %dma_wait3A_188] : memref<4x64xf32, #tpu.memory_space<vmem>> -> memref<1x64xf32, #tpu.memory_space<vmem>>
      %dma_wait3A_190 = tpu.memref_squeeze %dma_wait3A_189 : memref<1x64xf32, #tpu.memory_space<vmem>> -> memref<64xf32, #tpu.memory_space<vmem>>
      %dma_wait3A_191 = tpu.memref_slice %arg2[%run_scoped3A_6, %mul3A_2] : memref<8x2048xf32, #tpu.memory_space<hbm>> -> memref<1x64xf32, #tpu.memory_space<hbm>>
      %dma_wait3A_192 = tpu.memref_squeeze %dma_wait3A_191 : memref<1x64xf32, #tpu.memory_space<hbm>> -> memref<64xf32, #tpu.memory_space<hbm>>
      %dma_wait3A_193 = arith.constant 0 : i32
      %dma_wait3A_194 = tpu.memref_slice %arg7[%run_scoped3A_7, %dma_wait3A_193] : memref<4x64xf32, #tpu.memory_space<vmem>> -> memref<1x64xf32, #tpu.memory_space<vmem>>
      %dma_wait3A_195 = tpu.memref_squeeze %dma_wait3A_194 : memref<1x64xf32, #tpu.memory_space<vmem>> -> memref<64xf32, #tpu.memory_space<vmem>>
      %dma_wait3A_196 = tpu.memref_slice %arg2[%run_scoped3A_6, %mul3A_2] : memref<8x2048xf32, #tpu.memory_space<hbm>> -> memref<1x64xf32, #tpu.memory_space<hbm>>
      %dma_wait3A_197 = tpu.memref_squeeze %dma_wait3A_196 : memref<1x64xf32, #tpu.memory_space<hbm>> -> memref<64xf32, #tpu.memory_space<hbm>>
      tpu.wait_dma2 semaphore(%run_scoped3A_177 : memref<!tpu.dma_semaphore, #tpu.memory_space<semaphore_mem>>) src(%dma_wait3A_197 : memref<64xf32, #tpu.memory_space<hbm>>) dst(%dma_wait3A_195 : memref<64xf32, #tpu.memory_space<vmem>>)
      tpu.yield
    }) : () -> ()
    %run_scoped3A_8 = arith.constant 3 : i32
    %run_scoped3A_9 = arith.constant 3 : i32
    "tpu.region"() ({
      %run_scoped3A_177 = tpu.sem_alloc : memref<!tpu.dma_semaphore, #tpu.memory_space<semaphore_mem>>
      %dma_start3A_178 = arith.constant 0 : i32
      %dma_start3A_179 = tpu.memref_slice %arg7[%run_scoped3A_9, %dma_start3A_178] : memref<4x64xf32, #tpu.memory_space<vmem>> -> memref<1x64xf32, #tpu.memory_space<vmem>>
      %dma_start3A_180 = tpu.memref_squeeze %dma_start3A_179 : memref<1x64xf32, #tpu.memory_space<vmem>> -> memref<64xf32, #tpu.memory_space<vmem>>
      %dma_start3A_181 = tpu.memref_slice %arg2[%run_scoped3A_8, %mul3A_2] : memref<8x2048xf32, #tpu.memory_space<hbm>> -> memref<1x64xf32, #tpu.memory_space<hbm>>
      %dma_start3A_182 = tpu.memref_squeeze %dma_start3A_181 : memref<1x64xf32, #tpu.memory_space<hbm>> -> memref<64xf32, #tpu.memory_space<hbm>>
      %dma_start3A_183 = arith.constant 0 : i32
      %dma_start3A_184 = tpu.memref_slice %arg7[%run_scoped3A_9, %dma_start3A_183] : memref<4x64xf32, #tpu.memory_space<vmem>> -> memref<1x64xf32, #tpu.memory_space<vmem>>
      %dma_start3A_185 = tpu.memref_squeeze %dma_start3A_184 : memref<1x64xf32, #tpu.memory_space<vmem>> -> memref<64xf32, #tpu.memory_space<vmem>>
      %dma_start3A_186 = tpu.memref_slice %arg2[%run_scoped3A_8, %mul3A_2] : memref<8x2048xf32, #tpu.memory_space<hbm>> -> memref<1x64xf32, #tpu.memory_space<hbm>>
      %dma_start3A_187 = tpu.memref_squeeze %dma_start3A_186 : memref<1x64xf32, #tpu.memory_space<hbm>> -> memref<64xf32, #tpu.memory_space<hbm>>
      tpu.enqueue_dma source(%dma_start3A_187 : memref<64xf32, #tpu.memory_space<hbm>>) target(%dma_start3A_185 : memref<64xf32, #tpu.memory_space<vmem>>) target_semaphore(%run_scoped3A_177 : memref<!tpu.dma_semaphore, #tpu.memory_space<semaphore_mem>>)
      %dma_wait3A_188 = arith.constant 0 : i32
      %dma_wait3A_189 = tpu.memref_slice %arg7[%run_scoped3A_9, %dma_wait3A_188] : memref<4x64xf32, #tpu.memory_space<vmem>> -> memref<1x64xf32, #tpu.memory_space<vmem>>
      %dma_wait3A_190 = tpu.memref_squeeze %dma_wait3A_189 : memref<1x64xf32, #tpu.memory_space<vmem>> -> memref<64xf32, #tpu.memory_space<vmem>>
      %dma_wait3A_191 = tpu.memref_slice %arg2[%run_scoped3A_8, %mul3A_2] : memref<8x2048xf32, #tpu.memory_space<hbm>> -> memref<1x64xf32, #tpu.memory_space<hbm>>
      %dma_wait3A_192 = tpu.memref_squeeze %dma_wait3A_191 : memref<1x64xf32, #tpu.memory_space<hbm>> -> memref<64xf32, #tpu.memory_space<hbm>>
      %dma_wait3A_193 = arith.constant 0 : i32
      %dma_wait3A_194 = tpu.memref_slice %arg7[%run_scoped3A_9, %dma_wait3A_193] : memref<4x64xf32, #tpu.memory_space<vmem>> -> memref<1x64xf32, #tpu.memory_space<vmem>>
      %dma_wait3A_195 = tpu.memref_squeeze %dma_wait3A_194 : memref<1x64xf32, #tpu.memory_space<vmem>> -> memref<64xf32, #tpu.memory_space<vmem>>
      %dma_wait3A_196 = tpu.memref_slice %arg2[%run_scoped3A_8, %mul3A_2] : memref<8x2048xf32, #tpu.memory_space<hbm>> -> memref<1x64xf32, #tpu.memory_space<hbm>>
      %dma_wait3A_197 = tpu.memref_squeeze %dma_wait3A_196 : memref<1x64xf32, #tpu.memory_space<hbm>> -> memref<64xf32, #tpu.memory_space<hbm>>
      tpu.wait_dma2 semaphore(%run_scoped3A_177 : memref<!tpu.dma_semaphore, #tpu.memory_space<semaphore_mem>>) src(%dma_wait3A_197 : memref<64xf32, #tpu.memory_space<hbm>>) dst(%dma_wait3A_195 : memref<64xf32, #tpu.memory_space<vmem>>)
      tpu.yield
    }) : () -> ()
    "tpu.region"() ({
      %run_scoped3A_177 = tpu.sem_alloc : memref<!tpu.dma_semaphore, #tpu.memory_space<semaphore_mem>>
      %dma_start3A_178 = arith.constant 0 : i32
      %dma_start3A_179 = tpu.memref_slice %arg3[%mul3A_2, %dma_start3A_178] : memref<2048x1024xf32, #tpu.memory_space<hbm>> -> memref<64x1024xf32, #tpu.memory_space<hbm>>
      %dma_start3A_180 = arith.constant 0 : i32
      %dma_start3A_181 = tpu.memref_slice %arg3[%mul3A_2, %dma_start3A_180] : memref<2048x1024xf32, #tpu.memory_space<hbm>> -> memref<64x1024xf32, #tpu.memory_space<hbm>>
      tpu.enqueue_dma source(%dma_start3A_181 : memref<64x1024xf32, #tpu.memory_space<hbm>>) target(%arg6 : memref<64x1024xf32, #tpu.memory_space<vmem>>) target_semaphore(%run_scoped3A_177 : memref<!tpu.dma_semaphore, #tpu.memory_space<semaphore_mem>>)
      %dma_wait3A_182 = arith.constant 0 : i32
      %dma_wait3A_183 = tpu.memref_slice %arg3[%mul3A_2, %dma_wait3A_182] : memref<2048x1024xf32, #tpu.memory_space<hbm>> -> memref<64x1024xf32, #tpu.memory_space<hbm>>
      %dma_wait3A_184 = arith.constant 0 : i32
      %dma_wait3A_185 = tpu.memref_slice %arg3[%mul3A_2, %dma_wait3A_184] : memref<2048x1024xf32, #tpu.memory_space<hbm>> -> memref<64x1024xf32, #tpu.memory_space<hbm>>
      tpu.wait_dma2 semaphore(%run_scoped3A_177 : memref<!tpu.dma_semaphore, #tpu.memory_space<semaphore_mem>>) src(%dma_wait3A_185 : memref<64x1024xf32, #tpu.memory_space<hbm>>) dst(%arg6 : memref<64x1024xf32, #tpu.memory_space<vmem>>)
      tpu.yield
    }) : () -> ()
    %get3A = arith.constant 0 : i32
    %get3A_10 = arith.index_cast %get3A : i32 to index
    %get3A_11 = arith.constant 0 : index
    %get3A_12 = tpu.vector_load %arg7[%get3A_10, %get3A_11] {strides = array<i32>} : memref<4x64xf32, #tpu.memory_space<vmem>>, vector<1x16xf32>,
    %get3A_13 = vector.shape_cast %get3A_12 : vector<1x16xf32> to vector<16xf32>
    %convert_element_type3A = arith.fptosi %get3A_13 : vector<16xf32> to vector<16xi32>
    %swap3A = arith.constant 0 : index
    %swap3A_14 = tpu.vector_load %arg8[%swap3A] {strides = array<i32>} : memref<64xi32, #tpu.memory_space<vmem>>, vector<16xi32>,
    %swap3A_15 = vector.shape_cast %swap3A_14 : vector<16xi32> to vector<16xi32>
    %swap3A_16 = vector.shape_cast %convert_element_type3A : vector<16xi32> to vector<16xi32>
    tpu.vector_store %arg8[%swap3A], %swap3A_16 {strides = array<i32>} : memref<64xi32, #tpu.memory_space<vmem>>, vector<16xi32>,
    %get3A_17 = arith.constant 1 : i32
    %get3A_18 = arith.index_cast %get3A_17 : i32 to index
    %get3A_19 = arith.constant 0 : index
    %get3A_20 = tpu.vector_load %arg7[%get3A_18, %get3A_19] {strides = array<i32>} : memref<4x64xf32, #tpu.memory_space<vmem>>, vector<1x16xf32>,
    %get3A_21 = vector.shape_cast %get3A_20 : vector<1x16xf32> to vector<16xf32>
    %convert_element_type3A_22 = arith.fptosi %get3A_21 : vector<16xf32> to vector<16xi32>
    %swap3A_23 = arith.constant 0 : index
    %swap3A_24 = tpu.vector_load %arg9[%swap3A_23] {strides = array<i32>} : memref<64xi32, #tpu.memory_space<vmem>>, vector<16xi32>,
    %swap3A_25 = vector.shape_cast %swap3A_24 : vector<16xi32> to vector<16xi32>
    %swap3A_26 = vector.shape_cast %convert_element_type3A_22 : vector<16xi32> to vector<16xi32>
    tpu.vector_store %arg9[%swap3A_23], %swap3A_26 {strides = array<i32>} : memref<64xi32, #tpu.memory_space<vmem>>, vector<16xi32>,
    %get3A_27 = arith.constant 2 : i32
    %get3A_28 = arith.index_cast %get3A_27 : i32 to index
    %get3A_29 = arith.constant 0 : index
    %get3A_30 = tpu.vector_load %arg7[%get3A_28, %get3A_29] {strides = array<i32>} : memref<4x64xf32, #tpu.memory_space<vmem>>, vector<1x16xf32>,
    %get3A_31 = vector.shape_cast %get3A_30 : vector<1x16xf32> to vector<16xf32>
    %swap3A_32 = arith.constant 0 : index
    %swap3A_33 = tpu.vector_load %arg10[%swap3A_32] {strides = array<i32>} : memref<64xf32, #tpu.memory_space<vmem>>, vector<16xf32>,
    %swap3A_34 = vector.shape_cast %swap3A_33 : vector<16xf32> to vector<16xf32>
    %swap3A_35 = vector.shape_cast %get3A_31 : vector<16xf32> to vector<16xf32>
    tpu.vector_store %arg10[%swap3A_32], %swap3A_35 {strides = array<i32>} : memref<64xf32, #tpu.memory_space<vmem>>, vector<16xf32>,
    %get3A_36 = arith.constant 3 : i32
    %get3A_37 = arith.index_cast %get3A_36 : i32 to index
    %get3A_38 = arith.constant 0 : index
    %get3A_39 = tpu.vector_load %arg7[%get3A_37, %get3A_38] {strides = array<i32>} : memref<4x64xf32, #tpu.memory_space<vmem>>, vector<1x16xf32>,
    %get3A_40 = vector.shape_cast %get3A_39 : vector<1x16xf32> to vector<16xf32>
    %swap3A_41 = arith.constant 0 : index
    %swap3A_42 = tpu.vector_load %arg11[%swap3A_41] {strides = array<i32>} : memref<64xf32, #tpu.memory_space<vmem>>, vector<16xf32>,
    %swap3A_43 = vector.shape_cast %swap3A_42 : vector<16xf32> to vector<16xf32>
    %swap3A_44 = vector.shape_cast %get3A_40 : vector<16xf32> to vector<16xf32>
    tpu.vector_store %arg11[%swap3A_41], %swap3A_44 {strides = array<i32>} : memref<64xf32, #tpu.memory_space<vmem>>, vector<16xf32>,
    %get3A_45 = arith.constant 0 : i32
    %get3A_46 = arith.index_cast %get3A_45 : i32 to index
    %get3A_47 = arith.constant 16 : index
    %get3A_48 = tpu.vector_load %arg7[%get3A_46, %get3A_47] {strides = array<i32>} : memref<4x64xf32, #tpu.memory_space<vmem>>, vector<1x16xf32>,
    %get3A_49 = vector.shape_cast %get3A_48 : vector<1x16xf32> to vector<16xf32>
    %convert_element_type3A_50 = arith.fptosi %get3A_49 : vector<16xf32> to vector<16xi32>
    %swap3A_51 = arith.constant 16 : index
    %swap3A_52 = tpu.vector_load %arg8[%swap3A_51] {strides = array<i32>} : memref<64xi32, #tpu.memory_space<vmem>>, vector<16xi32>,
    %swap3A_53 = vector.shape_cast %swap3A_52 : vector<16xi32> to vector<16xi32>
    %swap3A_54 = vector.shape_cast %convert_element_type3A_50 : vector<16xi32> to vector<16xi32>
    tpu.vector_store %arg8[%swap3A_51], %swap3A_54 {strides = array<i32>} : memref<64xi32, #tpu.memory_space<vmem>>, vector<16xi32>,
    %get3A_55 = arith.constant 1 : i32
    %get3A_56 = arith.index_cast %get3A_55 : i32 to index
    %get3A_57 = arith.constant 16 : index
    %get3A_58 = tpu.vector_load %arg7[%get3A_56, %get3A_57] {strides = array<i32>} : memref<4x64xf32, #tpu.memory_space<vmem>>, vector<1x16xf32>,
    %get3A_59 = vector.shape_cast %get3A_58 : vector<1x16xf32> to vector<16xf32>
    %convert_element_type3A_60 = arith.fptosi %get3A_59 : vector<16xf32> to vector<16xi32>
    %swap3A_61 = arith.constant 16 : index
    %swap3A_62 = tpu.vector_load %arg9[%swap3A_61] {strides = array<i32>} : memref<64xi32, #tpu.memory_space<vmem>>, vector<16xi32>,
    %swap3A_63 = vector.shape_cast %swap3A_62 : vector<16xi32> to vector<16xi32>
    %swap3A_64 = vector.shape_cast %convert_element_type3A_60 : vector<16xi32> to vector<16xi32>
    tpu.vector_store %arg9[%swap3A_61], %swap3A_64 {strides = array<i32>} : memref<64xi32, #tpu.memory_space<vmem>>, vector<16xi32>,
    %get3A_65 = arith.constant 2 : i32
    %get3A_66 = arith.index_cast %get3A_65 : i32 to index
    %get3A_67 = arith.constant 16 : index
    %get3A_68 = tpu.vector_load %arg7[%get3A_66, %get3A_67] {strides = array<i32>} : memref<4x64xf32, #tpu.memory_space<vmem>>, vector<1x16xf32>,
    %get3A_69 = vector.shape_cast %get3A_68 : vector<1x16xf32> to vector<16xf32>
    %swap3A_70 = arith.constant 16 : index
    %swap3A_71 = tpu.vector_load %arg10[%swap3A_70] {strides = array<i32>} : memref<64xf32, #tpu.memory_space<vmem>>, vector<16xf32>,
    %swap3A_72 = vector.shape_cast %swap3A_71 : vector<16xf32> to vector<16xf32>
    %swap3A_73 = vector.shape_cast %get3A_69 : vector<16xf32> to vector<16xf32>
    tpu.vector_store %arg10[%swap3A_70], %swap3A_73 {strides = array<i32>} : memref<64xf32, #tpu.memory_space<vmem>>, vector<16xf32>,
    %get3A_74 = arith.constant 3 : i32
    %get3A_75 = arith.index_cast %get3A_74 : i32 to index
    %get3A_76 = arith.constant 16 : index
    %get3A_77 = tpu.vector_load %arg7[%get3A_75, %get3A_76] {strides = array<i32>} : memref<4x64xf32, #tpu.memory_space<vmem>>, vector<1x16xf32>,
    %get3A_78 = vector.shape_cast %get3A_77 : vector<1x16xf32> to vector<16xf32>
    %swap3A_79 = arith.constant 16 : index
    %swap3A_80 = tpu.vector_load %arg11[%swap3A_79] {strides = array<i32>} : memref<64xf32, #tpu.memory_space<vmem>>, vector<16xf32>,
    %swap3A_81 = vector.shape_cast %swap3A_80 : vector<16xf32> to vector<16xf32>
    %swap3A_82 = vector.shape_cast %get3A_78 : vector<16xf32> to vector<16xf32>
    tpu.vector_store %arg11[%swap3A_79], %swap3A_82 {strides = array<i32>} : memref<64xf32, #tpu.memory_space<vmem>>, vector<16xf32>,
    %get3A_83 = arith.constant 0 : i32
    %get3A_84 = arith.index_cast %get3A_83 : i32 to index
    %get3A_85 = arith.constant 32 : index
    %get3A_86 = tpu.vector_load %arg7[%get3A_84, %get3A_85] {strides = array<i32>} : memref<4x64xf32, #tpu.memory_space<vmem>>, vector<1x16xf32>,
    %get3A_87 = vector.shape_cast %get3A_86 : vector<1x16xf32> to vector<16xf32>
    %convert_element_type3A_88 = arith.fptosi %get3A_87 : vector<16xf32> to vector<16xi32>
    %swap3A_89 = arith.constant 32 : index
    %swap3A_90 = tpu.vector_load %arg8[%swap3A_89] {strides = array<i32>} : memref<64xi32, #tpu.memory_space<vmem>>, vector<16xi32>,
    %swap3A_91 = vector.shape_cast %swap3A_90 : vector<16xi32> to vector<16xi32>
    %swap3A_92 = vector.shape_cast %convert_element_type3A_88 : vector<16xi32> to vector<16xi32>
    tpu.vector_store %arg8[%swap3A_89], %swap3A_92 {strides = array<i32>} : memref<64xi32, #tpu.memory_space<vmem>>, vector<16xi32>,
    %get3A_93 = arith.constant 1 : i32
    %get3A_94 = arith.index_cast %get3A_93 : i32 to index
    %get3A_95 = arith.constant 32 : index
    %get3A_96 = tpu.vector_load %arg7[%get3A_94, %get3A_95] {strides = array<i32>} : memref<4x64xf32, #tpu.memory_space<vmem>>, vector<1x16xf32>,
    %get3A_97 = vector.shape_cast %get3A_96 : vector<1x16xf32> to vector<16xf32>
    %convert_element_type3A_98 = arith.fptosi %get3A_97 : vector<16xf32> to vector<16xi32>
    %swap3A_99 = arith.constant 32 : index
    %swap3A_100 = tpu.vector_load %arg9[%swap3A_99] {strides = array<i32>} : memref<64xi32, #tpu.memory_space<vmem>>, vector<16xi32>,
    %swap3A_101 = vector.shape_cast %swap3A_100 : vector<16xi32> to vector<16xi32>
    %swap3A_102 = vector.shape_cast %convert_element_type3A_98 : vector<16xi32> to vector<16xi32>
    tpu.vector_store %arg9[%swap3A_99], %swap3A_102 {strides = array<i32>} : memref<64xi32, #tpu.memory_space<vmem>>, vector<16xi32>,
    %get3A_103 = arith.constant 2 : i32
    %get3A_104 = arith.index_cast %get3A_103 : i32 to index
    %get3A_105 = arith.constant 32 : index
    %get3A_106 = tpu.vector_load %arg7[%get3A_104, %get3A_105] {strides = array<i32>} : memref<4x64xf32, #tpu.memory_space<vmem>>, vector<1x16xf32>,
    %get3A_107 = vector.shape_cast %get3A_106 : vector<1x16xf32> to vector<16xf32>
    %swap3A_108 = arith.constant 32 : index
    %swap3A_109 = tpu.vector_load %arg10[%swap3A_108] {strides = array<i32>} : memref<64xf32, #tpu.memory_space<vmem>>, vector<16xf32>,
    %swap3A_110 = vector.shape_cast %swap3A_109 : vector<16xf32> to vector<16xf32>
    %swap3A_111 = vector.shape_cast %get3A_107 : vector<16xf32> to vector<16xf32>
    tpu.vector_store %arg10[%swap3A_108], %swap3A_111 {strides = array<i32>} : memref<64xf32, #tpu.memory_space<vmem>>, vector<16xf32>,
    %get3A_112 = arith.constant 3 : i32
    %get3A_113 = arith.index_cast %get3A_112 : i32 to index
    %get3A_114 = arith.constant 32 : index
    %get3A_115 = tpu.vector_load %arg7[%get3A_113, %get3A_114] {strides = array<i32>} : memref<4x64xf32, #tpu.memory_space<vmem>>, vector<1x16xf32>,
    %get3A_116 = vector.shape_cast %get3A_115 : vector<1x16xf32> to vector<16xf32>
    %swap3A_117 = arith.constant 32 : index
    %swap3A_118 = tpu.vector_load %arg11[%swap3A_117] {strides = array<i32>} : memref<64xf32, #tpu.memory_space<vmem>>, vector<16xf32>,
    %swap3A_119 = vector.shape_cast %swap3A_118 : vector<16xf32> to vector<16xf32>
    %swap3A_120 = vector.shape_cast %get3A_116 : vector<16xf32> to vector<16xf32>
    tpu.vector_store %arg11[%swap3A_117], %swap3A_120 {strides = array<i32>} : memref<64xf32, #tpu.memory_space<vmem>>, vector<16xf32>,
    %get3A_121 = arith.constant 0 : i32
    %get3A_122 = arith.index_cast %get3A_121 : i32 to index
    %get3A_123 = arith.constant 48 : index
    %get3A_124 = tpu.vector_load %arg7[%get3A_122, %get3A_123] {strides = array<i32>} : memref<4x64xf32, #tpu.memory_space<vmem>>, vector<1x16xf32>,
    %get3A_125 = vector.shape_cast %get3A_124 : vector<1x16xf32> to vector<16xf32>
    %convert_element_type3A_126 = arith.fptosi %get3A_125 : vector<16xf32> to vector<16xi32>
    %swap3A_127 = arith.constant 48 : index
    %swap3A_128 = tpu.vector_load %arg8[%swap3A_127] {strides = array<i32>} : memref<64xi32, #tpu.memory_space<vmem>>, vector<16xi32>,
    %swap3A_129 = vector.shape_cast %swap3A_128 : vector<16xi32> to vector<16xi32>
    %swap3A_130 = vector.shape_cast %convert_element_type3A_126 : vector<16xi32> to vector<16xi32>
    tpu.vector_store %arg8[%swap3A_127], %swap3A_130 {strides = array<i32>} : memref<64xi32, #tpu.memory_space<vmem>>, vector<16xi32>,
    %get3A_131 = arith.constant 1 : i32
    %get3A_132 = arith.index_cast %get3A_131 : i32 to index
    %get3A_133 = arith.constant 48 : index
    %get3A_134 = tpu.vector_load %arg7[%get3A_132, %get3A_133] {strides = array<i32>} : memref<4x64xf32, #tpu.memory_space<vmem>>, vector<1x16xf32>,
    %get3A_135 = vector.shape_cast %get3A_134 : vector<1x16xf32> to vector<16xf32>
    %convert_element_type3A_136 = arith.fptosi %get3A_135 : vector<16xf32> to vector<16xi32>
    %swap3A_137 = arith.constant 48 : index
    %swap3A_138 = tpu.vector_load %arg9[%swap3A_137] {strides = array<i32>} : memref<64xi32, #tpu.memory_space<vmem>>, vector<16xi32>,
    %swap3A_139 = vector.shape_cast %swap3A_138 : vector<16xi32> to vector<16xi32>
    %swap3A_140 = vector.shape_cast %convert_element_type3A_136 : vector<16xi32> to vector<16xi32>
    tpu.vector_store %arg9[%swap3A_137], %swap3A_140 {strides = array<i32>} : memref<64xi32, #tpu.memory_space<vmem>>, vector<16xi32>,
    %get3A_141 = arith.constant 2 : i32
    %get3A_142 = arith.index_cast %get3A_141 : i32 to index
    %get3A_143 = arith.constant 48 : index
    %get3A_144 = tpu.vector_load %arg7[%get3A_142, %get3A_143] {strides = array<i32>} : memref<4x64xf32, #tpu.memory_space<vmem>>, vector<1x16xf32>,
    %get3A_145 = vector.shape_cast %get3A_144 : vector<1x16xf32> to vector<16xf32>
    %swap3A_146 = arith.constant 48 : index
    %swap3A_147 = tpu.vector_load %arg10[%swap3A_146] {strides = array<i32>} : memref<64xf32, #tpu.memory_space<vmem>>, vector<16xf32>,
    %swap3A_148 = vector.shape_cast %swap3A_147 : vector<16xf32> to vector<16xf32>
    %swap3A_149 = vector.shape_cast %get3A_145 : vector<16xf32> to vector<16xf32>
    tpu.vector_store %arg10[%swap3A_146], %swap3A_149 {strides = array<i32>} : memref<64xf32, #tpu.memory_space<vmem>>, vector<16xf32>,
    %get3A_150 = arith.constant 3 : i32
    %get3A_151 = arith.index_cast %get3A_150 : i32 to index
    %get3A_152 = arith.constant 48 : index
    %get3A_153 = tpu.vector_load %arg7[%get3A_151, %get3A_152] {strides = array<i32>} : memref<4x64xf32, #tpu.memory_space<vmem>>, vector<1x16xf32>,
    %get3A_154 = vector.shape_cast %get3A_153 : vector<1x16xf32> to vector<16xf32>
    %swap3A_155 = arith.constant 48 : index
    %swap3A_156 = tpu.vector_load %arg11[%swap3A_155] {strides = array<i32>} : memref<64xf32, #tpu.memory_space<vmem>>, vector<16xf32>,
    %swap3A_157 = vector.shape_cast %swap3A_156 : vector<16xf32> to vector<16xf32>
    %swap3A_158 = vector.shape_cast %get3A_154 : vector<16xf32> to vector<16xf32>
    tpu.vector_store %arg11[%swap3A_155], %swap3A_158 {strides = array<i32>} : memref<64xf32, #tpu.memory_space<vmem>>, vector<16xf32>,
    %dma_start3A = arith.constant 0 : i32
    %dma_start3A_159 = arith.constant 0 : i32
    %dma_start3A_160 = tpu.memref_slice %arg4[%dma_start3A, %dma_start3A_159] : memref<5888x1024xf32, #tpu.memory_space<hbm>> -> memref<5888x1024xf32, #tpu.memory_space<hbm>>
    tpu.enqueue_indirect_dma source(%arg6 : memref<64x1024xf32, #tpu.memory_space<vmem>>) target(%dma_start3A_160 : memref<5888x1024xf32, #tpu.memory_space<hbm>>) offsets(%arg8 : memref<64xi32, #tpu.memory_space<vmem>>) semaphore(%arg12 : memref<!tpu.dma_semaphore, #tpu.memory_space<semaphore_mem>>)
    %dma_start3A_161 = arith.constant 0 : i32
    %dma_start3A_162 = arith.constant 0 : i32
    %dma_start3A_163 = tpu.memref_slice %arg4[%dma_start3A_161, %dma_start3A_162] : memref<5888x1024xf32, #tpu.memory_space<hbm>> -> memref<5888x1024xf32, #tpu.memory_space<hbm>>
    tpu.enqueue_indirect_dma source(%arg6 : memref<64x1024xf32, #tpu.memory_space<vmem>>) target(%dma_start3A_163 : memref<5888x1024xf32, #tpu.memory_space<hbm>>) offsets(%arg9 : memref<64xi32, #tpu.memory_space<vmem>>) semaphore(%arg12 : memref<!tpu.dma_semaphore, #tpu.memory_space<semaphore_mem>>)
    %dma_start3A_164 = arith.constant 0 : i32
    %dma_start3A_165 = tpu.memref_slice %arg5[%dma_start3A_164] : memref<5888xf32, #tpu.memory_space<hbm>> -> memref<5888xf32, #tpu.memory_space<hbm>>
    tpu.enqueue_indirect_dma source(%arg10 : memref<64xf32, #tpu.memory_space<vmem>>) target(%dma_start3A_165 : memref<5888xf32, #tpu.memory_space<hbm>>) offsets(%arg8 : memref<64xi32, #tpu.memory_space<vmem>>) semaphore(%arg12 : memref<!tpu.dma_semaphore, #tpu.memory_space<semaphore_mem>>)
    %dma_start3A_166 = arith.constant 0 : i32
    %dma_start3A_167 = tpu.memref_slice %arg5[%dma_start3A_166] : memref<5888xf32, #tpu.memory_space<hbm>> -> memref<5888xf32, #tpu.memory_space<hbm>>
    tpu.enqueue_indirect_dma source(%arg11 : memref<64xf32, #tpu.memory_space<vmem>>) target(%dma_start3A_167 : memref<5888xf32, #tpu.memory_space<hbm>>) offsets(%arg9 : memref<64xi32, #tpu.memory_space<vmem>>) semaphore(%arg12 : memref<!tpu.dma_semaphore, #tpu.memory_space<semaphore_mem>>)
    %dma_wait3A = arith.constant 0 : i32
    %dma_wait3A_168 = arith.constant 0 : i32
    %dma_wait3A_169 = tpu.memref_slice %arg4[%dma_wait3A, %dma_wait3A_168] : memref<5888x1024xf32, #tpu.memory_space<hbm>> -> memref<5888x1024xf32, #tpu.memory_space<hbm>>
    tpu.wait_indirect_dma semaphore(%arg12 : memref<!tpu.dma_semaphore, #tpu.memory_space<semaphore_mem>>) src(%arg6 : memref<64x1024xf32, #tpu.memory_space<vmem>>) dst(%dma_wait3A_169 : memref<5888x1024xf32, #tpu.memory_space<hbm>>)
    %dma_wait3A_170 = arith.constant 0 : i32
    %dma_wait3A_171 = arith.constant 0 : i32
    %dma_wait3A_172 = tpu.memref_slice %arg4[%dma_wait3A_170, %dma_wait3A_171] : memref<5888x1024xf32, #tpu.memory_space<hbm>> -> memref<5888x1024xf32, #tpu.memory_space<hbm>>
    tpu.wait_indirect_dma semaphore(%arg12 : memref<!tpu.dma_semaphore, #tpu.memory_space<semaphore_mem>>) src(%arg6 : memref<64x1024xf32, #tpu.memory_space<vmem>>) dst(%dma_wait3A_172 : memref<5888x1024xf32, #tpu.memory_space<hbm>>)
    %dma_wait3A_173 = arith.constant 0 : i32
    %dma_wait3A_174 = tpu.memref_slice %arg5[%dma_wait3A_173] : memref<5888xf32, #tpu.memory_space<hbm>> -> memref<5888xf32, #tpu.memory_space<hbm>>
    tpu.wait_indirect_dma semaphore(%arg12 : memref<!tpu.dma_semaphore, #tpu.memory_space<semaphore_mem>>) src(%arg10 : memref<64xf32, #tpu.memory_space<vmem>>) dst(%dma_wait3A_174 : memref<5888xf32, #tpu.memory_space<hbm>>)
    %dma_wait3A_175 = arith.constant 0 : i32
    %dma_wait3A_176 = tpu.memref_slice %arg5[%dma_wait3A_175] : memref<5888xf32, #tpu.memory_space<hbm>> -> memref<5888xf32, #tpu.memory_space<hbm>>
    tpu.wait_indirect_dma semaphore(%arg12 : memref<!tpu.dma_semaphore, #tpu.memory_space<semaphore_mem>>) src(%arg11 : memref<64xf32, #tpu.memory_space<vmem>>) dst(%dma_wait3A_176 : memref<5888xf32, #tpu.memory_space<hbm>>)
    return
  }
}

#map = affine_map<(d0, d1) -> (0, 0)>
module attributes {stable_mosaic.version = 14 : i64} {
  func.func @_combine_body(%arg0: i32, %arg1: i32, %arg2: memref<5888x1024xf32, #tpu.memory_space<hbm>>, %arg3: memref<2048x1024xf32, #tpu.memory_space<hbm>>, %arg4: memref<8x2048xf32, #tpu.memory_space<hbm>>, %arg5: memref<2048x1024xf32, #tpu.memory_space<hbm>>, %arg6: memref<16x1024xf32, #tpu.memory_space<vmem>>, %arg7: memref<16x1024xf32, #tpu.memory_space<vmem>>, %arg8: memref<16x1024xf32, #tpu.memory_space<vmem>>, %arg9: memref<16x1024xf32, #tpu.memory_space<vmem>>, %arg10: memref<2x64xf32, #tpu.memory_space<vmem>>, %arg11: memref<64xi32, #tpu.memory_space<vmem>>, %arg12: memref<64xi32, #tpu.memory_space<vmem>>, %arg13: memref<!tpu.dma_semaphore, #tpu.memory_space<semaphore_mem>>) attributes {dimension_semantics = [#tpu.dimension_semantics<core_parallel>, #tpu.dimension_semantics<subcore_parallel>], iteration_bounds = array<i64: 2, 16>, scalar_prefetch = 0 : i64, scratch_operands = 8 : i64, tpu.core_type = #tpu.core_type<sc_vector_subcore>, window_params = [{transform_indices = #map}, {transform_indices = #map}, {transform_indices = #map}, {transform_indices = #map}]} {
    %mul3A = arith.constant 2 : i32
    %mul3A_0 = arith.muli %arg1, %mul3A : i32
    %add3A = arith.addi %mul3A_0, %arg0 : i32
    %mul3A_1 = arith.constant 64 : i32
    %mul3A_2 = arith.muli %add3A, %mul3A_1 : i32
    %run_scoped3A = arith.constant 0 : i32
    %run_scoped3A_3 = arith.constant 0 : i32
    "tpu.region"() ({
      %run_scoped3A_89 = tpu.sem_alloc : memref<!tpu.dma_semaphore, #tpu.memory_space<semaphore_mem>>
      %dma_start3A = arith.constant 0 : i32
      %dma_start3A_90 = tpu.memref_slice %arg10[%run_scoped3A_3, %dma_start3A] : memref<2x64xf32, #tpu.memory_space<vmem>> -> memref<1x64xf32, #tpu.memory_space<vmem>>
      %dma_start3A_91 = tpu.memref_squeeze %dma_start3A_90 : memref<1x64xf32, #tpu.memory_space<vmem>> -> memref<64xf32, #tpu.memory_space<vmem>>
      %dma_start3A_92 = tpu.memref_slice %arg4[%run_scoped3A, %mul3A_2] : memref<8x2048xf32, #tpu.memory_space<hbm>> -> memref<1x64xf32, #tpu.memory_space<hbm>>
      %dma_start3A_93 = tpu.memref_squeeze %dma_start3A_92 : memref<1x64xf32, #tpu.memory_space<hbm>> -> memref<64xf32, #tpu.memory_space<hbm>>
      %dma_start3A_94 = arith.constant 0 : i32
      %dma_start3A_95 = tpu.memref_slice %arg10[%run_scoped3A_3, %dma_start3A_94] : memref<2x64xf32, #tpu.memory_space<vmem>> -> memref<1x64xf32, #tpu.memory_space<vmem>>
      %dma_start3A_96 = tpu.memref_squeeze %dma_start3A_95 : memref<1x64xf32, #tpu.memory_space<vmem>> -> memref<64xf32, #tpu.memory_space<vmem>>
      %dma_start3A_97 = tpu.memref_slice %arg4[%run_scoped3A, %mul3A_2] : memref<8x2048xf32, #tpu.memory_space<hbm>> -> memref<1x64xf32, #tpu.memory_space<hbm>>
      %dma_start3A_98 = tpu.memref_squeeze %dma_start3A_97 : memref<1x64xf32, #tpu.memory_space<hbm>> -> memref<64xf32, #tpu.memory_space<hbm>>
      tpu.enqueue_dma source(%dma_start3A_98 : memref<64xf32, #tpu.memory_space<hbm>>) target(%dma_start3A_96 : memref<64xf32, #tpu.memory_space<vmem>>) target_semaphore(%run_scoped3A_89 : memref<!tpu.dma_semaphore, #tpu.memory_space<semaphore_mem>>)
      %dma_wait3A = arith.constant 0 : i32
      %dma_wait3A_99 = tpu.memref_slice %arg10[%run_scoped3A_3, %dma_wait3A] : memref<2x64xf32, #tpu.memory_space<vmem>> -> memref<1x64xf32, #tpu.memory_space<vmem>>
      %dma_wait3A_100 = tpu.memref_squeeze %dma_wait3A_99 : memref<1x64xf32, #tpu.memory_space<vmem>> -> memref<64xf32, #tpu.memory_space<vmem>>
      %dma_wait3A_101 = tpu.memref_slice %arg4[%run_scoped3A, %mul3A_2] : memref<8x2048xf32, #tpu.memory_space<hbm>> -> memref<1x64xf32, #tpu.memory_space<hbm>>
      %dma_wait3A_102 = tpu.memref_squeeze %dma_wait3A_101 : memref<1x64xf32, #tpu.memory_space<hbm>> -> memref<64xf32, #tpu.memory_space<hbm>>
      %dma_wait3A_103 = arith.constant 0 : i32
      %dma_wait3A_104 = tpu.memref_slice %arg10[%run_scoped3A_3, %dma_wait3A_103] : memref<2x64xf32, #tpu.memory_space<vmem>> -> memref<1x64xf32, #tpu.memory_space<vmem>>
      %dma_wait3A_105 = tpu.memref_squeeze %dma_wait3A_104 : memref<1x64xf32, #tpu.memory_space<vmem>> -> memref<64xf32, #tpu.memory_space<vmem>>
      %dma_wait3A_106 = tpu.memref_slice %arg4[%run_scoped3A, %mul3A_2] : memref<8x2048xf32, #tpu.memory_space<hbm>> -> memref<1x64xf32, #tpu.memory_space<hbm>>
      %dma_wait3A_107 = tpu.memref_squeeze %dma_wait3A_106 : memref<1x64xf32, #tpu.memory_space<hbm>> -> memref<64xf32, #tpu.memory_space<hbm>>
      tpu.wait_dma2 semaphore(%run_scoped3A_89 : memref<!tpu.dma_semaphore, #tpu.memory_space<semaphore_mem>>) src(%dma_wait3A_107 : memref<64xf32, #tpu.memory_space<hbm>>) dst(%dma_wait3A_105 : memref<64xf32, #tpu.memory_space<vmem>>)
      tpu.yield
    }) : () -> ()
    %run_scoped3A_4 = arith.constant 1 : i32
    %run_scoped3A_5 = arith.constant 1 : i32
    "tpu.region"() ({
      %run_scoped3A_89 = tpu.sem_alloc : memref<!tpu.dma_semaphore, #tpu.memory_space<semaphore_mem>>
      %dma_start3A = arith.constant 0 : i32
      %dma_start3A_90 = tpu.memref_slice %arg10[%run_scoped3A_5, %dma_start3A] : memref<2x64xf32, #tpu.memory_space<vmem>> -> memref<1x64xf32, #tpu.memory_space<vmem>>
      %dma_start3A_91 = tpu.memref_squeeze %dma_start3A_90 : memref<1x64xf32, #tpu.memory_space<vmem>> -> memref<64xf32, #tpu.memory_space<vmem>>
      %dma_start3A_92 = tpu.memref_slice %arg4[%run_scoped3A_4, %mul3A_2] : memref<8x2048xf32, #tpu.memory_space<hbm>> -> memref<1x64xf32, #tpu.memory_space<hbm>>
      %dma_start3A_93 = tpu.memref_squeeze %dma_start3A_92 : memref<1x64xf32, #tpu.memory_space<hbm>> -> memref<64xf32, #tpu.memory_space<hbm>>
      %dma_start3A_94 = arith.constant 0 : i32
      %dma_start3A_95 = tpu.memref_slice %arg10[%run_scoped3A_5, %dma_start3A_94] : memref<2x64xf32, #tpu.memory_space<vmem>> -> memref<1x64xf32, #tpu.memory_space<vmem>>
      %dma_start3A_96 = tpu.memref_squeeze %dma_start3A_95 : memref<1x64xf32, #tpu.memory_space<vmem>> -> memref<64xf32, #tpu.memory_space<vmem>>
      %dma_start3A_97 = tpu.memref_slice %arg4[%run_scoped3A_4, %mul3A_2] : memref<8x2048xf32, #tpu.memory_space<hbm>> -> memref<1x64xf32, #tpu.memory_space<hbm>>
      %dma_start3A_98 = tpu.memref_squeeze %dma_start3A_97 : memref<1x64xf32, #tpu.memory_space<hbm>> -> memref<64xf32, #tpu.memory_space<hbm>>
      tpu.enqueue_dma source(%dma_start3A_98 : memref<64xf32, #tpu.memory_space<hbm>>) target(%dma_start3A_96 : memref<64xf32, #tpu.memory_space<vmem>>) target_semaphore(%run_scoped3A_89 : memref<!tpu.dma_semaphore, #tpu.memory_space<semaphore_mem>>)
      %dma_wait3A = arith.constant 0 : i32
      %dma_wait3A_99 = tpu.memref_slice %arg10[%run_scoped3A_5, %dma_wait3A] : memref<2x64xf32, #tpu.memory_space<vmem>> -> memref<1x64xf32, #tpu.memory_space<vmem>>
      %dma_wait3A_100 = tpu.memref_squeeze %dma_wait3A_99 : memref<1x64xf32, #tpu.memory_space<vmem>> -> memref<64xf32, #tpu.memory_space<vmem>>
      %dma_wait3A_101 = tpu.memref_slice %arg4[%run_scoped3A_4, %mul3A_2] : memref<8x2048xf32, #tpu.memory_space<hbm>> -> memref<1x64xf32, #tpu.memory_space<hbm>>
      %dma_wait3A_102 = tpu.memref_squeeze %dma_wait3A_101 : memref<1x64xf32, #tpu.memory_space<hbm>> -> memref<64xf32, #tpu.memory_space<hbm>>
      %dma_wait3A_103 = arith.constant 0 : i32
      %dma_wait3A_104 = tpu.memref_slice %arg10[%run_scoped3A_5, %dma_wait3A_103] : memref<2x64xf32, #tpu.memory_space<vmem>> -> memref<1x64xf32, #tpu.memory_space<vmem>>
      %dma_wait3A_105 = tpu.memref_squeeze %dma_wait3A_104 : memref<1x64xf32, #tpu.memory_space<vmem>> -> memref<64xf32, #tpu.memory_space<vmem>>
      %dma_wait3A_106 = tpu.memref_slice %arg4[%run_scoped3A_4, %mul3A_2] : memref<8x2048xf32, #tpu.memory_space<hbm>> -> memref<1x64xf32, #tpu.memory_space<hbm>>
      %dma_wait3A_107 = tpu.memref_squeeze %dma_wait3A_106 : memref<1x64xf32, #tpu.memory_space<hbm>> -> memref<64xf32, #tpu.memory_space<hbm>>
      tpu.wait_dma2 semaphore(%run_scoped3A_89 : memref<!tpu.dma_semaphore, #tpu.memory_space<semaphore_mem>>) src(%dma_wait3A_107 : memref<64xf32, #tpu.memory_space<hbm>>) dst(%dma_wait3A_105 : memref<64xf32, #tpu.memory_space<vmem>>)
      tpu.yield
    }) : () -> ()
    %get3A = arith.constant 0 : i32
    %get3A_6 = arith.index_cast %get3A : i32 to index
    %get3A_7 = arith.constant 0 : index
    %get3A_8 = tpu.vector_load %arg10[%get3A_6, %get3A_7] {strides = array<i32>} : memref<2x64xf32, #tpu.memory_space<vmem>>, vector<1x16xf32>,
    %get3A_9 = vector.shape_cast %get3A_8 : vector<1x16xf32> to vector<16xf32>
    %convert_element_type3A = arith.fptosi %get3A_9 : vector<16xf32> to vector<16xi32>
    %swap3A = arith.constant 0 : index
    %swap3A_10 = tpu.vector_load %arg11[%swap3A] {strides = array<i32>} : memref<64xi32, #tpu.memory_space<vmem>>, vector<16xi32>,
    %swap3A_11 = vector.shape_cast %swap3A_10 : vector<16xi32> to vector<16xi32>
    %swap3A_12 = vector.shape_cast %convert_element_type3A : vector<16xi32> to vector<16xi32>
    tpu.vector_store %arg11[%swap3A], %swap3A_12 {strides = array<i32>} : memref<64xi32, #tpu.memory_space<vmem>>, vector<16xi32>,
    %get3A_13 = arith.constant 1 : i32
    %get3A_14 = arith.index_cast %get3A_13 : i32 to index
    %get3A_15 = arith.constant 0 : index
    %get3A_16 = tpu.vector_load %arg10[%get3A_14, %get3A_15] {strides = array<i32>} : memref<2x64xf32, #tpu.memory_space<vmem>>, vector<1x16xf32>,
    %get3A_17 = vector.shape_cast %get3A_16 : vector<1x16xf32> to vector<16xf32>
    %convert_element_type3A_18 = arith.fptosi %get3A_17 : vector<16xf32> to vector<16xi32>
    %swap3A_19 = arith.constant 0 : index
    %swap3A_20 = tpu.vector_load %arg12[%swap3A_19] {strides = array<i32>} : memref<64xi32, #tpu.memory_space<vmem>>, vector<16xi32>,
    %swap3A_21 = vector.shape_cast %swap3A_20 : vector<16xi32> to vector<16xi32>
    %swap3A_22 = vector.shape_cast %convert_element_type3A_18 : vector<16xi32> to vector<16xi32>
    tpu.vector_store %arg12[%swap3A_19], %swap3A_22 {strides = array<i32>} : memref<64xi32, #tpu.memory_space<vmem>>, vector<16xi32>,
    %get3A_23 = arith.constant 0 : i32
    %get3A_24 = arith.index_cast %get3A_23 : i32 to index
    %get3A_25 = arith.constant 16 : index
    %get3A_26 = tpu.vector_load %arg10[%get3A_24, %get3A_25] {strides = array<i32>} : memref<2x64xf32, #tpu.memory_space<vmem>>, vector<1x16xf32>,
    %get3A_27 = vector.shape_cast %get3A_26 : vector<1x16xf32> to vector<16xf32>
    %convert_element_type3A_28 = arith.fptosi %get3A_27 : vector<16xf32> to vector<16xi32>
    %swap3A_29 = arith.constant 16 : index
    %swap3A_30 = tpu.vector_load %arg11[%swap3A_29] {strides = array<i32>} : memref<64xi32, #tpu.memory_space<vmem>>, vector<16xi32>,
    %swap3A_31 = vector.shape_cast %swap3A_30 : vector<16xi32> to vector<16xi32>
    %swap3A_32 = vector.shape_cast %convert_element_type3A_28 : vector<16xi32> to vector<16xi32>
    tpu.vector_store %arg11[%swap3A_29], %swap3A_32 {strides = array<i32>} : memref<64xi32, #tpu.memory_space<vmem>>, vector<16xi32>,
    %get3A_33 = arith.constant 1 : i32
    %get3A_34 = arith.index_cast %get3A_33 : i32 to index
    %get3A_35 = arith.constant 16 : index
    %get3A_36 = tpu.vector_load %arg10[%get3A_34, %get3A_35] {strides = array<i32>} : memref<2x64xf32, #tpu.memory_space<vmem>>, vector<1x16xf32>,
    %get3A_37 = vector.shape_cast %get3A_36 : vector<1x16xf32> to vector<16xf32>
    %convert_element_type3A_38 = arith.fptosi %get3A_37 : vector<16xf32> to vector<16xi32>
    %swap3A_39 = arith.constant 16 : index
    %swap3A_40 = tpu.vector_load %arg12[%swap3A_39] {strides = array<i32>} : memref<64xi32, #tpu.memory_space<vmem>>, vector<16xi32>,
    %swap3A_41 = vector.shape_cast %swap3A_40 : vector<16xi32> to vector<16xi32>
    %swap3A_42 = vector.shape_cast %convert_element_type3A_38 : vector<16xi32> to vector<16xi32>
    tpu.vector_store %arg12[%swap3A_39], %swap3A_42 {strides = array<i32>} : memref<64xi32, #tpu.memory_space<vmem>>, vector<16xi32>,
    %get3A_43 = arith.constant 0 : i32
    %get3A_44 = arith.index_cast %get3A_43 : i32 to index
    %get3A_45 = arith.constant 32 : index
    %get3A_46 = tpu.vector_load %arg10[%get3A_44, %get3A_45] {strides = array<i32>} : memref<2x64xf32, #tpu.memory_space<vmem>>, vector<1x16xf32>,
    %get3A_47 = vector.shape_cast %get3A_46 : vector<1x16xf32> to vector<16xf32>
    %convert_element_type3A_48 = arith.fptosi %get3A_47 : vector<16xf32> to vector<16xi32>
    %swap3A_49 = arith.constant 32 : index
    %swap3A_50 = tpu.vector_load %arg11[%swap3A_49] {strides = array<i32>} : memref<64xi32, #tpu.memory_space<vmem>>, vector<16xi32>,
    %swap3A_51 = vector.shape_cast %swap3A_50 : vector<16xi32> to vector<16xi32>
    %swap3A_52 = vector.shape_cast %convert_element_type3A_48 : vector<16xi32> to vector<16xi32>
    tpu.vector_store %arg11[%swap3A_49], %swap3A_52 {strides = array<i32>} : memref<64xi32, #tpu.memory_space<vmem>>, vector<16xi32>,
    %get3A_53 = arith.constant 1 : i32
    %get3A_54 = arith.index_cast %get3A_53 : i32 to index
    %get3A_55 = arith.constant 32 : index
    %get3A_56 = tpu.vector_load %arg10[%get3A_54, %get3A_55] {strides = array<i32>} : memref<2x64xf32, #tpu.memory_space<vmem>>, vector<1x16xf32>,
    %get3A_57 = vector.shape_cast %get3A_56 : vector<1x16xf32> to vector<16xf32>
    %convert_element_type3A_58 = arith.fptosi %get3A_57 : vector<16xf32> to vector<16xi32>
    %swap3A_59 = arith.constant 32 : index
    %swap3A_60 = tpu.vector_load %arg12[%swap3A_59] {strides = array<i32>} : memref<64xi32, #tpu.memory_space<vmem>>, vector<16xi32>,
    %swap3A_61 = vector.shape_cast %swap3A_60 : vector<16xi32> to vector<16xi32>
    %swap3A_62 = vector.shape_cast %convert_element_type3A_58 : vector<16xi32> to vector<16xi32>
    tpu.vector_store %arg12[%swap3A_59], %swap3A_62 {strides = array<i32>} : memref<64xi32, #tpu.memory_space<vmem>>, vector<16xi32>,
    %get3A_63 = arith.constant 0 : i32
    %get3A_64 = arith.index_cast %get3A_63 : i32 to index
    %get3A_65 = arith.constant 48 : index
    %get3A_66 = tpu.vector_load %arg10[%get3A_64, %get3A_65] {strides = array<i32>} : memref<2x64xf32, #tpu.memory_space<vmem>>, vector<1x16xf32>,
    %get3A_67 = vector.shape_cast %get3A_66 : vector<1x16xf32> to vector<16xf32>
    %convert_element_type3A_68 = arith.fptosi %get3A_67 : vector<16xf32> to vector<16xi32>
    %swap3A_69 = arith.constant 48 : index
    %swap3A_70 = tpu.vector_load %arg11[%swap3A_69] {strides = array<i32>} : memref<64xi32, #tpu.memory_space<vmem>>, vector<16xi32>,
    %swap3A_71 = vector.shape_cast %swap3A_70 : vector<16xi32> to vector<16xi32>
    %swap3A_72 = vector.shape_cast %convert_element_type3A_68 : vector<16xi32> to vector<16xi32>
    tpu.vector_store %arg11[%swap3A_69], %swap3A_72 {strides = array<i32>} : memref<64xi32, #tpu.memory_space<vmem>>, vector<16xi32>,
    %get3A_73 = arith.constant 1 : i32
    %get3A_74 = arith.index_cast %get3A_73 : i32 to index
    %get3A_75 = arith.constant 48 : index
    %get3A_76 = tpu.vector_load %arg10[%get3A_74, %get3A_75] {strides = array<i32>} : memref<2x64xf32, #tpu.memory_space<vmem>>, vector<1x16xf32>,
    %get3A_77 = vector.shape_cast %get3A_76 : vector<1x16xf32> to vector<16xf32>
    %convert_element_type3A_78 = arith.fptosi %get3A_77 : vector<16xf32> to vector<16xi32>
    %swap3A_79 = arith.constant 48 : index
    %swap3A_80 = tpu.vector_load %arg12[%swap3A_79] {strides = array<i32>} : memref<64xi32, #tpu.memory_space<vmem>>, vector<16xi32>,
    %swap3A_81 = vector.shape_cast %swap3A_80 : vector<16xi32> to vector<16xi32>
    %swap3A_82 = vector.shape_cast %convert_element_type3A_78 : vector<16xi32> to vector<16xi32>
    tpu.vector_store %arg12[%swap3A_79], %swap3A_82 {strides = array<i32>} : memref<64xi32, #tpu.memory_space<vmem>>, vector<16xi32>,
    %scan3A = arith.constant 0 : i32
    %scan3A_83 = arith.constant 0 : i32
    %scan3A_84 = arith.constant 4 : i32
    %scan3A_85 = arith.addi %scan3A_83, %scan3A_84 : i32
    %scan3A_86 = arith.constant 1 : i32
    %scan3A_87 = scf.for %scan3A_89 = %scan3A_83 to %scan3A_85 step %scan3A_86 iter_args(%scan3A_90 = %scan3A) -> (i32)  : i32 {
      %mul3A_91 = arith.constant 16 : i32
      %mul3A_92 = arith.muli %scan3A_89, %mul3A_91 : i32
      %add3A_93 = arith.addi %mul3A_2, %mul3A_92 : i32
      %mul3A_94 = arith.constant 16 : i32
      %mul3A_95 = arith.muli %scan3A_89, %mul3A_94 : i32
      %dma_start3A = tpu.memref_slice %arg11[%mul3A_95] : memref<64xi32, #tpu.memory_space<vmem>> -> memref<16xi32, #tpu.memory_space<vmem>>
      %dma_start3A_96 = arith.constant 0 : i32
      %dma_start3A_97 = arith.constant 0 : i32
      %dma_start3A_98 = tpu.memref_slice %arg2[%dma_start3A_96, %dma_start3A_97] : memref<5888x1024xf32, #tpu.memory_space<hbm>> -> memref<5888x1024xf32, #tpu.memory_space<hbm>>
      tpu.enqueue_indirect_dma source(%dma_start3A_98 : memref<5888x1024xf32, #tpu.memory_space<hbm>>) target(%arg6 : memref<16x1024xf32, #tpu.memory_space<vmem>>) offsets(%dma_start3A : memref<16xi32, #tpu.memory_space<vmem>>) semaphore(%arg13 : memref<!tpu.dma_semaphore, #tpu.memory_space<semaphore_mem>>)
      %dma_start3A_99 = tpu.memref_slice %arg12[%mul3A_95] : memref<64xi32, #tpu.memory_space<vmem>> -> memref<16xi32, #tpu.memory_space<vmem>>
      %dma_start3A_100 = arith.constant 0 : i32
      %dma_start3A_101 = arith.constant 0 : i32
      %dma_start3A_102 = tpu.memref_slice %arg2[%dma_start3A_100, %dma_start3A_101] : memref<5888x1024xf32, #tpu.memory_space<hbm>> -> memref<5888x1024xf32, #tpu.memory_space<hbm>>
      tpu.enqueue_indirect_dma source(%dma_start3A_102 : memref<5888x1024xf32, #tpu.memory_space<hbm>>) target(%arg7 : memref<16x1024xf32, #tpu.memory_space<vmem>>) offsets(%dma_start3A_99 : memref<16xi32, #tpu.memory_space<vmem>>) semaphore(%arg13 : memref<!tpu.dma_semaphore, #tpu.memory_space<semaphore_mem>>)
      %dma_start3A_103 = arith.constant 0 : i32
      %dma_start3A_104 = tpu.memref_slice %arg3[%add3A_93, %dma_start3A_103] : memref<2048x1024xf32, #tpu.memory_space<hbm>> -> memref<16x1024xf32, #tpu.memory_space<hbm>>
      %dma_start3A_105 = arith.constant 0 : i32
      %dma_start3A_106 = tpu.memref_slice %arg3[%add3A_93, %dma_start3A_105] : memref<2048x1024xf32, #tpu.memory_space<hbm>> -> memref<16x1024xf32, #tpu.memory_space<hbm>>
      tpu.enqueue_dma source(%dma_start3A_106 : memref<16x1024xf32, #tpu.memory_space<hbm>>) target(%arg8 : memref<16x1024xf32, #tpu.memory_space<vmem>>) target_semaphore(%arg13 : memref<!tpu.dma_semaphore, #tpu.memory_space<semaphore_mem>>)
      %dma_wait3A = tpu.memref_slice %arg11[%mul3A_95] : memref<64xi32, #tpu.memory_space<vmem>> -> memref<16xi32, #tpu.memory_space<vmem>>
      %dma_wait3A_107 = arith.constant 0 : i32
      %dma_wait3A_108 = arith.constant 0 : i32
      %dma_wait3A_109 = tpu.memref_slice %arg2[%dma_wait3A_107, %dma_wait3A_108] : memref<5888x1024xf32, #tpu.memory_space<hbm>> -> memref<5888x1024xf32, #tpu.memory_space<hbm>>
      tpu.wait_indirect_dma semaphore(%arg13 : memref<!tpu.dma_semaphore, #tpu.memory_space<semaphore_mem>>) src(%dma_wait3A_109 : memref<5888x1024xf32, #tpu.memory_space<hbm>>) dst(%arg6 : memref<16x1024xf32, #tpu.memory_space<vmem>>)
      %dma_wait3A_110 = tpu.memref_slice %arg12[%mul3A_95] : memref<64xi32, #tpu.memory_space<vmem>> -> memref<16xi32, #tpu.memory_space<vmem>>
      %dma_wait3A_111 = arith.constant 0 : i32
      %dma_wait3A_112 = arith.constant 0 : i32
      %dma_wait3A_113 = tpu.memref_slice %arg2[%dma_wait3A_111, %dma_wait3A_112] : memref<5888x1024xf32, #tpu.memory_space<hbm>> -> memref<5888x1024xf32, #tpu.memory_space<hbm>>
      tpu.wait_indirect_dma semaphore(%arg13 : memref<!tpu.dma_semaphore, #tpu.memory_space<semaphore_mem>>) src(%dma_wait3A_113 : memref<5888x1024xf32, #tpu.memory_space<hbm>>) dst(%arg7 : memref<16x1024xf32, #tpu.memory_space<vmem>>)
      %dma_wait3A_114 = arith.constant 0 : i32
      %dma_wait3A_115 = tpu.memref_slice %arg3[%add3A_93, %dma_wait3A_114] : memref<2048x1024xf32, #tpu.memory_space<hbm>> -> memref<16x1024xf32, #tpu.memory_space<hbm>>
      %dma_wait3A_116 = arith.constant 0 : i32
      %dma_wait3A_117 = tpu.memref_slice %arg3[%add3A_93, %dma_wait3A_116] : memref<2048x1024xf32, #tpu.memory_space<hbm>> -> memref<16x1024xf32, #tpu.memory_space<hbm>>
      tpu.wait_dma2 semaphore(%arg13 : memref<!tpu.dma_semaphore, #tpu.memory_space<semaphore_mem>>) src(%dma_wait3A_117 : memref<16x1024xf32, #tpu.memory_space<hbm>>) dst(%arg8 : memref<16x1024xf32, #tpu.memory_space<vmem>>)
      %scan3A_118 = arith.constant 0 : i32
      %scan3A_119 = arith.constant 0 : i32
      %scan3A_120 = arith.constant 16 : i32
      %scan3A_121 = arith.addi %scan3A_119, %scan3A_120 : i32
      %scan3A_122 = arith.constant 1 : i32
      %scan3A_123 = scf.for %scan3A_126 = %scan3A_119 to %scan3A_121 step %scan3A_122 iter_args(%scan3A_127 = %scan3A_118) -> (i32)  : i32 {
        %get3A_128 = arith.index_cast %scan3A_126 : i32 to index
        %get3A_129 = arith.constant 0 : index
        %get3A_130 = tpu.vector_load %arg6[%get3A_128, %get3A_129] {strides = array<i32>} : memref<16x1024xf32, #tpu.memory_space<vmem>>, vector<1x16xf32>,
        %get3A_131 = vector.shape_cast %get3A_130 : vector<1x16xf32> to vector<16xf32>
        %get3A_132 = arith.index_cast %scan3A_126 : i32 to index
        %get3A_133 = arith.constant 0 : index
        %get3A_134 = tpu.vector_load %arg7[%get3A_132, %get3A_133] {strides = array<i32>} : memref<16x1024xf32, #tpu.memory_space<vmem>>, vector<1x16xf32>,
        %get3A_135 = vector.shape_cast %get3A_134 : vector<1x16xf32> to vector<16xf32>
        %add3A_136 = arith.addf %get3A_131, %get3A_135 : vector<16xf32>
        %get3A_137 = arith.index_cast %scan3A_126 : i32 to index
        %get3A_138 = arith.constant 0 : index
        %get3A_139 = tpu.vector_load %arg8[%get3A_137, %get3A_138] {strides = array<i32>} : memref<16x1024xf32, #tpu.memory_space<vmem>>, vector<1x16xf32>,
        %get3A_140 = vector.shape_cast %get3A_139 : vector<1x16xf32> to vector<16xf32>
        %add3A_141 = arith.addf %add3A_136, %get3A_140 : vector<16xf32>
        %swap3A_142 = arith.index_cast %scan3A_126 : i32 to index
        %swap3A_143 = arith.constant 0 : index
        %swap3A_144 = tpu.vector_load %arg9[%swap3A_142, %swap3A_143] {strides = array<i32>} : memref<16x1024xf32, #tpu.memory_space<vmem>>, vector<1x16xf32>,
        %swap3A_145 = vector.shape_cast %swap3A_144 : vector<1x16xf32> to vector<16xf32>
        %swap3A_146 = vector.shape_cast %add3A_141 : vector<16xf32> to vector<1x16xf32>
        tpu.vector_store %arg9[%swap3A_142, %swap3A_143], %swap3A_146 {strides = array<i32>} : memref<16x1024xf32, #tpu.memory_space<vmem>>, vector<1x16xf32>,
        %get3A_147 = arith.index_cast %scan3A_126 : i32 to index
        %get3A_148 = arith.constant 16 : index
        %get3A_149 = tpu.vector_load %arg6[%get3A_147, %get3A_148] {strides = array<i32>} : memref<16x1024xf32, #tpu.memory_space<vmem>>, vector<1x16xf32>,
        %get3A_150 = vector.shape_cast %get3A_149 : vector<1x16xf32> to vector<16xf32>
        %get3A_151 = arith.index_cast %scan3A_126 : i32 to index
        %get3A_152 = arith.constant 16 : index
        %get3A_153 = tpu.vector_load %arg7[%get3A_151, %get3A_152] {strides = array<i32>} : memref<16x1024xf32, #tpu.memory_space<vmem>>, vector<1x16xf32>,
        %get3A_154 = vector.shape_cast %get3A_153 : vector<1x16xf32> to vector<16xf32>
        %add3A_155 = arith.addf %get3A_150, %get3A_154 : vector<16xf32>
        %get3A_156 = arith.index_cast %scan3A_126 : i32 to index
        %get3A_157 = arith.constant 16 : index
        %get3A_158 = tpu.vector_load %arg8[%get3A_156, %get3A_157] {strides = array<i32>} : memref<16x1024xf32, #tpu.memory_space<vmem>>, vector<1x16xf32>,
        %get3A_159 = vector.shape_cast %get3A_158 : vector<1x16xf32> to vector<16xf32>
        %add3A_160 = arith.addf %add3A_155, %get3A_159 : vector<16xf32>
        %swap3A_161 = arith.index_cast %scan3A_126 : i32 to index
        %swap3A_162 = arith.constant 16 : index
        %swap3A_163 = tpu.vector_load %arg9[%swap3A_161, %swap3A_162] {strides = array<i32>} : memref<16x1024xf32, #tpu.memory_space<vmem>>, vector<1x16xf32>,
        %swap3A_164 = vector.shape_cast %swap3A_163 : vector<1x16xf32> to vector<16xf32>
        %swap3A_165 = vector.shape_cast %add3A_160 : vector<16xf32> to vector<1x16xf32>
        tpu.vector_store %arg9[%swap3A_161, %swap3A_162], %swap3A_165 {strides = array<i32>} : memref<16x1024xf32, #tpu.memory_space<vmem>>, vector<1x16xf32>,
        %get3A_166 = arith.index_cast %scan3A_126 : i32 to index
        %get3A_167 = arith.constant 32 : index
        %get3A_168 = tpu.vector_load %arg6[%get3A_166, %get3A_167] {strides = array<i32>} : memref<16x1024xf32, #tpu.memory_space<vmem>>, vector<1x16xf32>,
        %get3A_169 = vector.shape_cast %get3A_168 : vector<1x16xf32> to vector<16xf32>
        %get3A_170 = arith.index_cast %scan3A_126 : i32 to index
        %get3A_171 = arith.constant 32 : index
        %get3A_172 = tpu.vector_load %arg7[%get3A_170, %get3A_171] {strides = array<i32>} : memref<16x1024xf32, #tpu.memory_space<vmem>>, vector<1x16xf32>,
        %get3A_173 = vector.shape_cast %get3A_172 : vector<1x16xf32> to vector<16xf32>
        %add3A_174 = arith.addf %get3A_169, %get3A_173 : vector<16xf32>
        %get3A_175 = arith.index_cast %scan3A_126 : i32 to index
        %get3A_176 = arith.constant 32 : index
        %get3A_177 = tpu.vector_load %arg8[%get3A_175, %get3A_176] {strides = array<i32>} : memref<16x1024xf32, #tpu.memory_space<vmem>>, vector<1x16xf32>,
        %get3A_178 = vector.shape_cast %get3A_177 : vector<1x16xf32> to vector<16xf32>
        %add3A_179 = arith.addf %add3A_174, %get3A_178 : vector<16xf32>
        %swap3A_180 = arith.index_cast %scan3A_126 : i32 to index
        %swap3A_181 = arith.constant 32 : index
        %swap3A_182 = tpu.vector_load %arg9[%swap3A_180, %swap3A_181] {strides = array<i32>} : memref<16x1024xf32, #tpu.memory_space<vmem>>, vector<1x16xf32>,
        %swap3A_183 = vector.shape_cast %swap3A_182 : vector<1x16xf32> to vector<16xf32>
        %swap3A_184 = vector.shape_cast %add3A_179 : vector<16xf32> to vector<1x16xf32>
        tpu.vector_store %arg9[%swap3A_180, %swap3A_181], %swap3A_184 {strides = array<i32>} : memref<16x1024xf32, #tpu.memory_space<vmem>>, vector<1x16xf32>,
        %get3A_185 = arith.index_cast %scan3A_126 : i32 to index
        %get3A_186 = arith.constant 48 : index
        %get3A_187 = tpu.vector_load %arg6[%get3A_185, %get3A_186] {strides = array<i32>} : memref<16x1024xf32, #tpu.memory_space<vmem>>, vector<1x16xf32>,
        %get3A_188 = vector.shape_cast %get3A_187 : vector<1x16xf32> to vector<16xf32>
        %get3A_189 = arith.index_cast %scan3A_126 : i32 to index
        %get3A_190 = arith.constant 48 : index
        %get3A_191 = tpu.vector_load %arg7[%get3A_189, %get3A_190] {strides = array<i32>} : memref<16x1024xf32, #tpu.memory_space<vmem>>, vector<1x16xf32>,
        %get3A_192 = vector.shape_cast %get3A_191 : vector<1x16xf32> to vector<16xf32>
        %add3A_193 = arith.addf %get3A_188, %get3A_192 : vector<16xf32>
        %get3A_194 = arith.index_cast %scan3A_126 : i32 to index
        %get3A_195 = arith.constant 48 : index
        %get3A_196 = tpu.vector_load %arg8[%get3A_194, %get3A_195] {strides = array<i32>} : memref<16x1024xf32, #tpu.memory_space<vmem>>, vector<1x16xf32>,
        %get3A_197 = vector.shape_cast %get3A_196 : vector<1x16xf32> to vector<16xf32>
        %add3A_198 = arith.addf %add3A_193, %get3A_197 : vector<16xf32>
        %swap3A_199 = arith.index_cast %scan3A_126 : i32 to index
        %swap3A_200 = arith.constant 48 : index
        %swap3A_201 = tpu.vector_load %arg9[%swap3A_199, %swap3A_200] {strides = array<i32>} : memref<16x1024xf32, #tpu.memory_space<vmem>>, vector<1x16xf32>,
        %swap3A_202 = vector.shape_cast %swap3A_201 : vector<1x16xf32> to vector<16xf32>
        %swap3A_203 = vector.shape_cast %add3A_198 : vector<16xf32> to vector<1x16xf32>
        tpu.vector_store %arg9[%swap3A_199, %swap3A_200], %swap3A_203 {strides = array<i32>} : memref<16x1024xf32, #tpu.memory_space<vmem>>, vector<1x16xf32>,
        %get3A_204 = arith.index_cast %scan3A_126 : i32 to index
        %get3A_205 = arith.constant 64 : index
        %get3A_206 = tpu.vector_load %arg6[%get3A_204, %get3A_205] {strides = array<i32>} : memref<16x1024xf32, #tpu.memory_space<vmem>>, vector<1x16xf32>,
        %get3A_207 = vector.shape_cast %get3A_206 : vector<1x16xf32> to vector<16xf32>
        %get3A_208 = arith.index_cast %scan3A_126 : i32 to index
        %get3A_209 = arith.constant 64 : index
        %get3A_210 = tpu.vector_load %arg7[%get3A_208, %get3A_209] {strides = array<i32>} : memref<16x1024xf32, #tpu.memory_space<vmem>>, vector<1x16xf32>,
        %get3A_211 = vector.shape_cast %get3A_210 : vector<1x16xf32> to vector<16xf32>
        %add3A_212 = arith.addf %get3A_207, %get3A_211 : vector<16xf32>
        %get3A_213 = arith.index_cast %scan3A_126 : i32 to index
        %get3A_214 = arith.constant 64 : index
        %get3A_215 = tpu.vector_load %arg8[%get3A_213, %get3A_214] {strides = array<i32>} : memref<16x1024xf32, #tpu.memory_space<vmem>>, vector<1x16xf32>,
        %get3A_216 = vector.shape_cast %get3A_215 : vector<1x16xf32> to vector<16xf32>
        %add3A_217 = arith.addf %add3A_212, %get3A_216 : vector<16xf32>
        %swap3A_218 = arith.index_cast %scan3A_126 : i32 to index
        %swap3A_219 = arith.constant 64 : index
        %swap3A_220 = tpu.vector_load %arg9[%swap3A_218, %swap3A_219] {strides = array<i32>} : memref<16x1024xf32, #tpu.memory_space<vmem>>, vector<1x16xf32>,
        %swap3A_221 = vector.shape_cast %swap3A_220 : vector<1x16xf32> to vector<16xf32>
        %swap3A_222 = vector.shape_cast %add3A_217 : vector<16xf32> to vector<1x16xf32>
        tpu.vector_store %arg9[%swap3A_218, %swap3A_219], %swap3A_222 {strides = array<i32>} : memref<16x1024xf32, #tpu.memory_space<vmem>>, vector<1x16xf32>,
        %get3A_223 = arith.index_cast %scan3A_126 : i32 to index
        %get3A_224 = arith.constant 80 : index
        %get3A_225 = tpu.vector_load %arg6[%get3A_223, %get3A_224] {strides = array<i32>} : memref<16x1024xf32, #tpu.memory_space<vmem>>, vector<1x16xf32>,
        %get3A_226 = vector.shape_cast %get3A_225 : vector<1x16xf32> to vector<16xf32>
        %get3A_227 = arith.index_cast %scan3A_126 : i32 to index
        %get3A_228 = arith.constant 80 : index
        %get3A_229 = tpu.vector_load %arg7[%get3A_227, %get3A_228] {strides = array<i32>} : memref<16x1024xf32, #tpu.memory_space<vmem>>, vector<1x16xf32>,
        %get3A_230 = vector.shape_cast %get3A_229 : vector<1x16xf32> to vector<16xf32>
        %add3A_231 = arith.addf %get3A_226, %get3A_230 : vector<16xf32>
        %get3A_232 = arith.index_cast %scan3A_126 : i32 to index
        %get3A_233 = arith.constant 80 : index
        %get3A_234 = tpu.vector_load %arg8[%get3A_232, %get3A_233] {strides = array<i32>} : memref<16x1024xf32, #tpu.memory_space<vmem>>, vector<1x16xf32>,
        %get3A_235 = vector.shape_cast %get3A_234 : vector<1x16xf32> to vector<16xf32>
        %add3A_236 = arith.addf %add3A_231, %get3A_235 : vector<16xf32>
        %swap3A_237 = arith.index_cast %scan3A_126 : i32 to index
        %swap3A_238 = arith.constant 80 : index
        %swap3A_239 = tpu.vector_load %arg9[%swap3A_237, %swap3A_238] {strides = array<i32>} : memref<16x1024xf32, #tpu.memory_space<vmem>>, vector<1x16xf32>,
        %swap3A_240 = vector.shape_cast %swap3A_239 : vector<1x16xf32> to vector<16xf32>
        %swap3A_241 = vector.shape_cast %add3A_236 : vector<16xf32> to vector<1x16xf32>
        tpu.vector_store %arg9[%swap3A_237, %swap3A_238], %swap3A_241 {strides = array<i32>} : memref<16x1024xf32, #tpu.memory_space<vmem>>, vector<1x16xf32>,
        %get3A_242 = arith.index_cast %scan3A_126 : i32 to index
        %get3A_243 = arith.constant 96 : index
        %get3A_244 = tpu.vector_load %arg6[%get3A_242, %get3A_243] {strides = array<i32>} : memref<16x1024xf32, #tpu.memory_space<vmem>>, vector<1x16xf32>,
        %get3A_245 = vector.shape_cast %get3A_244 : vector<1x16xf32> to vector<16xf32>
        %get3A_246 = arith.index_cast %scan3A_126 : i32 to index
        %get3A_247 = arith.constant 96 : index
        %get3A_248 = tpu.vector_load %arg7[%get3A_246, %get3A_247] {strides = array<i32>} : memref<16x1024xf32, #tpu.memory_space<vmem>>, vector<1x16xf32>,
        %get3A_249 = vector.shape_cast %get3A_248 : vector<1x16xf32> to vector<16xf32>
        %add3A_250 = arith.addf %get3A_245, %get3A_249 : vector<16xf32>
        %get3A_251 = arith.index_cast %scan3A_126 : i32 to index
        %get3A_252 = arith.constant 96 : index
        %get3A_253 = tpu.vector_load %arg8[%get3A_251, %get3A_252] {strides = array<i32>} : memref<16x1024xf32, #tpu.memory_space<vmem>>, vector<1x16xf32>,
        %get3A_254 = vector.shape_cast %get3A_253 : vector<1x16xf32> to vector<16xf32>
        %add3A_255 = arith.addf %add3A_250, %get3A_254 : vector<16xf32>
        %swap3A_256 = arith.index_cast %scan3A_126 : i32 to index
        %swap3A_257 = arith.constant 96 : index
        %swap3A_258 = tpu.vector_load %arg9[%swap3A_256, %swap3A_257] {strides = array<i32>} : memref<16x1024xf32, #tpu.memory_space<vmem>>, vector<1x16xf32>,
        %swap3A_259 = vector.shape_cast %swap3A_258 : vector<1x16xf32> to vector<16xf32>
        %swap3A_260 = vector.shape_cast %add3A_255 : vector<16xf32> to vector<1x16xf32>
        tpu.vector_store %arg9[%swap3A_256, %swap3A_257], %swap3A_260 {strides = array<i32>} : memref<16x1024xf32, #tpu.memory_space<vmem>>, vector<1x16xf32>,
        %get3A_261 = arith.index_cast %scan3A_126 : i32 to index
        %get3A_262 = arith.constant 112 : index
        %get3A_263 = tpu.vector_load %arg6[%get3A_261, %get3A_262] {strides = array<i32>} : memref<16x1024xf32, #tpu.memory_space<vmem>>, vector<1x16xf32>,
        %get3A_264 = vector.shape_cast %get3A_263 : vector<1x16xf32> to vector<16xf32>
        %get3A_265 = arith.index_cast %scan3A_126 : i32 to index
        %get3A_266 = arith.constant 112 : index
        %get3A_267 = tpu.vector_load %arg7[%get3A_265, %get3A_266] {strides = array<i32>} : memref<16x1024xf32, #tpu.memory_space<vmem>>, vector<1x16xf32>,
        %get3A_268 = vector.shape_cast %get3A_267 : vector<1x16xf32> to vector<16xf32>
        %add3A_269 = arith.addf %get3A_264, %get3A_268 : vector<16xf32>
        %get3A_270 = arith.index_cast %scan3A_126 : i32 to index
        %get3A_271 = arith.constant 112 : index
        %get3A_272 = tpu.vector_load %arg8[%get3A_270, %get3A_271] {strides = array<i32>} : memref<16x1024xf32, #tpu.memory_space<vmem>>, vector<1x16xf32>,
        %get3A_273 = vector.shape_cast %get3A_272 : vector<1x16xf32> to vector<16xf32>
        %add3A_274 = arith.addf %add3A_269, %get3A_273 : vector<16xf32>
        %swap3A_275 = arith.index_cast %scan3A_126 : i32 to index
        %swap3A_276 = arith.constant 112 : index
        %swap3A_277 = tpu.vector_load %arg9[%swap3A_275, %swap3A_276] {strides = array<i32>} : memref<16x1024xf32, #tpu.memory_space<vmem>>, vector<1x16xf32>,
        %swap3A_278 = vector.shape_cast %swap3A_277 : vector<1x16xf32> to vector<16xf32>
        %swap3A_279 = vector.shape_cast %add3A_274 : vector<16xf32> to vector<1x16xf32>
        tpu.vector_store %arg9[%swap3A_275, %swap3A_276], %swap3A_279 {strides = array<i32>} : memref<16x1024xf32, #tpu.memory_space<vmem>>, vector<1x16xf32>,
        %get3A_280 = arith.index_cast %scan3A_126 : i32 to index
        %get3A_281 = arith.constant 128 : index
        %get3A_282 = tpu.vector_load %arg6[%get3A_280, %get3A_281] {strides = array<i32>} : memref<16x1024xf32, #tpu.memory_space<vmem>>, vector<1x16xf32>,
        %get3A_283 = vector.shape_cast %get3A_282 : vector<1x16xf32> to vector<16xf32>
        %get3A_284 = arith.index_cast %scan3A_126 : i32 to index
        %get3A_285 = arith.constant 128 : index
        %get3A_286 = tpu.vector_load %arg7[%get3A_284, %get3A_285] {strides = array<i32>} : memref<16x1024xf32, #tpu.memory_space<vmem>>, vector<1x16xf32>,
        %get3A_287 = vector.shape_cast %get3A_286 : vector<1x16xf32> to vector<16xf32>
        %add3A_288 = arith.addf %get3A_283, %get3A_287 : vector<16xf32>
        %get3A_289 = arith.index_cast %scan3A_126 : i32 to index
        %get3A_290 = arith.constant 128 : index
        %get3A_291 = tpu.vector_load %arg8[%get3A_289, %get3A_290] {strides = array<i32>} : memref<16x1024xf32, #tpu.memory_space<vmem>>, vector<1x16xf32>,
        %get3A_292 = vector.shape_cast %get3A_291 : vector<1x16xf32> to vector<16xf32>
        %add3A_293 = arith.addf %add3A_288, %get3A_292 : vector<16xf32>
        %swap3A_294 = arith.index_cast %scan3A_126 : i32 to index
        %swap3A_295 = arith.constant 128 : index
        %swap3A_296 = tpu.vector_load %arg9[%swap3A_294, %swap3A_295] {strides = array<i32>} : memref<16x1024xf32, #tpu.memory_space<vmem>>, vector<1x16xf32>,
        %swap3A_297 = vector.shape_cast %swap3A_296 : vector<1x16xf32> to vector<16xf32>
        %swap3A_298 = vector.shape_cast %add3A_293 : vector<16xf32> to vector<1x16xf32>
        tpu.vector_store %arg9[%swap3A_294, %swap3A_295], %swap3A_298 {strides = array<i32>} : memref<16x1024xf32, #tpu.memory_space<vmem>>, vector<1x16xf32>,
        %get3A_299 = arith.index_cast %scan3A_126 : i32 to index
        %get3A_300 = arith.constant 144 : index
        %get3A_301 = tpu.vector_load %arg6[%get3A_299, %get3A_300] {strides = array<i32>} : memref<16x1024xf32, #tpu.memory_space<vmem>>, vector<1x16xf32>,
        %get3A_302 = vector.shape_cast %get3A_301 : vector<1x16xf32> to vector<16xf32>
        %get3A_303 = arith.index_cast %scan3A_126 : i32 to index
        %get3A_304 = arith.constant 144 : index
        %get3A_305 = tpu.vector_load %arg7[%get3A_303, %get3A_304] {strides = array<i32>} : memref<16x1024xf32, #tpu.memory_space<vmem>>, vector<1x16xf32>,
        %get3A_306 = vector.shape_cast %get3A_305 : vector<1x16xf32> to vector<16xf32>
        %add3A_307 = arith.addf %get3A_302, %get3A_306 : vector<16xf32>
        %get3A_308 = arith.index_cast %scan3A_126 : i32 to index
        %get3A_309 = arith.constant 144 : index
        %get3A_310 = tpu.vector_load %arg8[%get3A_308, %get3A_309] {strides = array<i32>} : memref<16x1024xf32, #tpu.memory_space<vmem>>, vector<1x16xf32>,
        %get3A_311 = vector.shape_cast %get3A_310 : vector<1x16xf32> to vector<16xf32>
        %add3A_312 = arith.addf %add3A_307, %get3A_311 : vector<16xf32>
        %swap3A_313 = arith.index_cast %scan3A_126 : i32 to index
        %swap3A_314 = arith.constant 144 : index
        %swap3A_315 = tpu.vector_load %arg9[%swap3A_313, %swap3A_314] {strides = array<i32>} : memref<16x1024xf32, #tpu.memory_space<vmem>>, vector<1x16xf32>,
        %swap3A_316 = vector.shape_cast %swap3A_315 : vector<1x16xf32> to vector<16xf32>
        %swap3A_317 = vector.shape_cast %add3A_312 : vector<16xf32> to vector<1x16xf32>
        tpu.vector_store %arg9[%swap3A_313, %swap3A_314], %swap3A_317 {strides = array<i32>} : memref<16x1024xf32, #tpu.memory_space<vmem>>, vector<1x16xf32>,
        %get3A_318 = arith.index_cast %scan3A_126 : i32 to index
        %get3A_319 = arith.constant 160 : index
        %get3A_320 = tpu.vector_load %arg6[%get3A_318, %get3A_319] {strides = array<i32>} : memref<16x1024xf32, #tpu.memory_space<vmem>>, vector<1x16xf32>,
        %get3A_321 = vector.shape_cast %get3A_320 : vector<1x16xf32> to vector<16xf32>
        %get3A_322 = arith.index_cast %scan3A_126 : i32 to index
        %get3A_323 = arith.constant 160 : index
        %get3A_324 = tpu.vector_load %arg7[%get3A_322, %get3A_323] {strides = array<i32>} : memref<16x1024xf32, #tpu.memory_space<vmem>>, vector<1x16xf32>,
        %get3A_325 = vector.shape_cast %get3A_324 : vector<1x16xf32> to vector<16xf32>
        %add3A_326 = arith.addf %get3A_321, %get3A_325 : vector<16xf32>
        %get3A_327 = arith.index_cast %scan3A_126 : i32 to index
        %get3A_328 = arith.constant 160 : index
        %get3A_329 = tpu.vector_load %arg8[%get3A_327, %get3A_328] {strides = array<i32>} : memref<16x1024xf32, #tpu.memory_space<vmem>>, vector<1x16xf32>,
        %get3A_330 = vector.shape_cast %get3A_329 : vector<1x16xf32> to vector<16xf32>
        %add3A_331 = arith.addf %add3A_326, %get3A_330 : vector<16xf32>
        %swap3A_332 = arith.index_cast %scan3A_126 : i32 to index
        %swap3A_333 = arith.constant 160 : index
        %swap3A_334 = tpu.vector_load %arg9[%swap3A_332, %swap3A_333] {strides = array<i32>} : memref<16x1024xf32, #tpu.memory_space<vmem>>, vector<1x16xf32>,
        %swap3A_335 = vector.shape_cast %swap3A_334 : vector<1x16xf32> to vector<16xf32>
        %swap3A_336 = vector.shape_cast %add3A_331 : vector<16xf32> to vector<1x16xf32>
        tpu.vector_store %arg9[%swap3A_332, %swap3A_333], %swap3A_336 {strides = array<i32>} : memref<16x1024xf32, #tpu.memory_space<vmem>>, vector<1x16xf32>,
        %get3A_337 = arith.index_cast %scan3A_126 : i32 to index
        %get3A_338 = arith.constant 176 : index
        %get3A_339 = tpu.vector_load %arg6[%get3A_337, %get3A_338] {strides = array<i32>} : memref<16x1024xf32, #tpu.memory_space<vmem>>, vector<1x16xf32>,
        %get3A_340 = vector.shape_cast %get3A_339 : vector<1x16xf32> to vector<16xf32>
        %get3A_341 = arith.index_cast %scan3A_126 : i32 to index
        %get3A_342 = arith.constant 176 : index
        %get3A_343 = tpu.vector_load %arg7[%get3A_341, %get3A_342] {strides = array<i32>} : memref<16x1024xf32, #tpu.memory_space<vmem>>, vector<1x16xf32>,
        %get3A_344 = vector.shape_cast %get3A_343 : vector<1x16xf32> to vector<16xf32>
        %add3A_345 = arith.addf %get3A_340, %get3A_344 : vector<16xf32>
        %get3A_346 = arith.index_cast %scan3A_126 : i32 to index
        %get3A_347 = arith.constant 176 : index
        %get3A_348 = tpu.vector_load %arg8[%get3A_346, %get3A_347] {strides = array<i32>} : memref<16x1024xf32, #tpu.memory_space<vmem>>, vector<1x16xf32>,
        %get3A_349 = vector.shape_cast %get3A_348 : vector<1x16xf32> to vector<16xf32>
        %add3A_350 = arith.addf %add3A_345, %get3A_349 : vector<16xf32>
        %swap3A_351 = arith.index_cast %scan3A_126 : i32 to index
        %swap3A_352 = arith.constant 176 : index
        %swap3A_353 = tpu.vector_load %arg9[%swap3A_351, %swap3A_352] {strides = array<i32>} : memref<16x1024xf32, #tpu.memory_space<vmem>>, vector<1x16xf32>,
        %swap3A_354 = vector.shape_cast %swap3A_353 : vector<1x16xf32> to vector<16xf32>
        %swap3A_355 = vector.shape_cast %add3A_350 : vector<16xf32> to vector<1x16xf32>
        tpu.vector_store %arg9[%swap3A_351, %swap3A_352], %swap3A_355 {strides = array<i32>} : memref<16x1024xf32, #tpu.memory_space<vmem>>, vector<1x16xf32>,
        %get3A_356 = arith.index_cast %scan3A_126 : i32 to index
        %get3A_357 = arith.constant 192 : index
        %get3A_358 = tpu.vector_load %arg6[%get3A_356, %get3A_357] {strides = array<i32>} : memref<16x1024xf32, #tpu.memory_space<vmem>>, vector<1x16xf32>,
        %get3A_359 = vector.shape_cast %get3A_358 : vector<1x16xf32> to vector<16xf32>
        %get3A_360 = arith.index_cast %scan3A_126 : i32 to index
        %get3A_361 = arith.constant 192 : index
        %get3A_362 = tpu.vector_load %arg7[%get3A_360, %get3A_361] {strides = array<i32>} : memref<16x1024xf32, #tpu.memory_space<vmem>>, vector<1x16xf32>,
        %get3A_363 = vector.shape_cast %get3A_362 : vector<1x16xf32> to vector<16xf32>
        %add3A_364 = arith.addf %get3A_359, %get3A_363 : vector<16xf32>
        %get3A_365 = arith.index_cast %scan3A_126 : i32 to index
        %get3A_366 = arith.constant 192 : index
        %get3A_367 = tpu.vector_load %arg8[%get3A_365, %get3A_366] {strides = array<i32>} : memref<16x1024xf32, #tpu.memory_space<vmem>>, vector<1x16xf32>,
        %get3A_368 = vector.shape_cast %get3A_367 : vector<1x16xf32> to vector<16xf32>
        %add3A_369 = arith.addf %add3A_364, %get3A_368 : vector<16xf32>
        %swap3A_370 = arith.index_cast %scan3A_126 : i32 to index
        %swap3A_371 = arith.constant 192 : index
        %swap3A_372 = tpu.vector_load %arg9[%swap3A_370, %swap3A_371] {strides = array<i32>} : memref<16x1024xf32, #tpu.memory_space<vmem>>, vector<1x16xf32>,
        %swap3A_373 = vector.shape_cast %swap3A_372 : vector<1x16xf32> to vector<16xf32>
        %swap3A_374 = vector.shape_cast %add3A_369 : vector<16xf32> to vector<1x16xf32>
        tpu.vector_store %arg9[%swap3A_370, %swap3A_371], %swap3A_374 {strides = array<i32>} : memref<16x1024xf32, #tpu.memory_space<vmem>>, vector<1x16xf32>,
        %get3A_375 = arith.index_cast %scan3A_126 : i32 to index
        %get3A_376 = arith.constant 208 : index
        %get3A_377 = tpu.vector_load %arg6[%get3A_375, %get3A_376] {strides = array<i32>} : memref<16x1024xf32, #tpu.memory_space<vmem>>, vector<1x16xf32>,
        %get3A_378 = vector.shape_cast %get3A_377 : vector<1x16xf32> to vector<16xf32>
        %get3A_379 = arith.index_cast %scan3A_126 : i32 to index
        %get3A_380 = arith.constant 208 : index
        %get3A_381 = tpu.vector_load %arg7[%get3A_379, %get3A_380] {strides = array<i32>} : memref<16x1024xf32, #tpu.memory_space<vmem>>, vector<1x16xf32>,
        %get3A_382 = vector.shape_cast %get3A_381 : vector<1x16xf32> to vector<16xf32>
        %add3A_383 = arith.addf %get3A_378, %get3A_382 : vector<16xf32>
        %get3A_384 = arith.index_cast %scan3A_126 : i32 to index
        %get3A_385 = arith.constant 208 : index
        %get3A_386 = tpu.vector_load %arg8[%get3A_384, %get3A_385] {strides = array<i32>} : memref<16x1024xf32, #tpu.memory_space<vmem>>, vector<1x16xf32>,
        %get3A_387 = vector.shape_cast %get3A_386 : vector<1x16xf32> to vector<16xf32>
        %add3A_388 = arith.addf %add3A_383, %get3A_387 : vector<16xf32>
        %swap3A_389 = arith.index_cast %scan3A_126 : i32 to index
        %swap3A_390 = arith.constant 208 : index
        %swap3A_391 = tpu.vector_load %arg9[%swap3A_389, %swap3A_390] {strides = array<i32>} : memref<16x1024xf32, #tpu.memory_space<vmem>>, vector<1x16xf32>,
        %swap3A_392 = vector.shape_cast %swap3A_391 : vector<1x16xf32> to vector<16xf32>
        %swap3A_393 = vector.shape_cast %add3A_388 : vector<16xf32> to vector<1x16xf32>
        tpu.vector_store %arg9[%swap3A_389, %swap3A_390], %swap3A_393 {strides = array<i32>} : memref<16x1024xf32, #tpu.memory_space<vmem>>, vector<1x16xf32>,
        %get3A_394 = arith.index_cast %scan3A_126 : i32 to index
        %get3A_395 = arith.constant 224 : index
        %get3A_396 = tpu.vector_load %arg6[%get3A_394, %get3A_395] {strides = array<i32>} : memref<16x1024xf32, #tpu.memory_space<vmem>>, vector<1x16xf32>,
        %get3A_397 = vector.shape_cast %get3A_396 : vector<1x16xf32> to vector<16xf32>
        %get3A_398 = arith.index_cast %scan3A_126 : i32 to index
        %get3A_399 = arith.constant 224 : index
        %get3A_400 = tpu.vector_load %arg7[%get3A_398, %get3A_399] {strides = array<i32>} : memref<16x1024xf32, #tpu.memory_space<vmem>>, vector<1x16xf32>,
        %get3A_401 = vector.shape_cast %get3A_400 : vector<1x16xf32> to vector<16xf32>
        %add3A_402 = arith.addf %get3A_397, %get3A_401 : vector<16xf32>
        %get3A_403 = arith.index_cast %scan3A_126 : i32 to index
        %get3A_404 = arith.constant 224 : index
        %get3A_405 = tpu.vector_load %arg8[%get3A_403, %get3A_404] {strides = array<i32>} : memref<16x1024xf32, #tpu.memory_space<vmem>>, vector<1x16xf32>,
        %get3A_406 = vector.shape_cast %get3A_405 : vector<1x16xf32> to vector<16xf32>
        %add3A_407 = arith.addf %add3A_402, %get3A_406 : vector<16xf32>
        %swap3A_408 = arith.index_cast %scan3A_126 : i32 to index
        %swap3A_409 = arith.constant 224 : index
        %swap3A_410 = tpu.vector_load %arg9[%swap3A_408, %swap3A_409] {strides = array<i32>} : memref<16x1024xf32, #tpu.memory_space<vmem>>, vector<1x16xf32>,
        %swap3A_411 = vector.shape_cast %swap3A_410 : vector<1x16xf32> to vector<16xf32>
        %swap3A_412 = vector.shape_cast %add3A_407 : vector<16xf32> to vector<1x16xf32>
        tpu.vector_store %arg9[%swap3A_408, %swap3A_409], %swap3A_412 {strides = array<i32>} : memref<16x1024xf32, #tpu.memory_space<vmem>>, vector<1x16xf32>,
        %get3A_413 = arith.index_cast %scan3A_126 : i32 to index
        %get3A_414 = arith.constant 240 : index
        %get3A_415 = tpu.vector_load %arg6[%get3A_413, %get3A_414] {strides = array<i32>} : memref<16x1024xf32, #tpu.memory_space<vmem>>, vector<1x16xf32>,
        %get3A_416 = vector.shape_cast %get3A_415 : vector<1x16xf32> to vector<16xf32>
        %get3A_417 = arith.index_cast %scan3A_126 : i32 to index
        %get3A_418 = arith.constant 240 : index
        %get3A_419 = tpu.vector_load %arg7[%get3A_417, %get3A_418] {strides = array<i32>} : memref<16x1024xf32, #tpu.memory_space<vmem>>, vector<1x16xf32>,
        %get3A_420 = vector.shape_cast %get3A_419 : vector<1x16xf32> to vector<16xf32>
        %add3A_421 = arith.addf %get3A_416, %get3A_420 : vector<16xf32>
        %get3A_422 = arith.index_cast %scan3A_126 : i32 to index
        %get3A_423 = arith.constant 240 : index
        %get3A_424 = tpu.vector_load %arg8[%get3A_422, %get3A_423] {strides = array<i32>} : memref<16x1024xf32, #tpu.memory_space<vmem>>, vector<1x16xf32>,
        %get3A_425 = vector.shape_cast %get3A_424 : vector<1x16xf32> to vector<16xf32>
        %add3A_426 = arith.addf %add3A_421, %get3A_425 : vector<16xf32>
        %swap3A_427 = arith.index_cast %scan3A_126 : i32 to index
        %swap3A_428 = arith.constant 240 : index
        %swap3A_429 = tpu.vector_load %arg9[%swap3A_427, %swap3A_428] {strides = array<i32>} : memref<16x1024xf32, #tpu.memory_space<vmem>>, vector<1x16xf32>,
        %swap3A_430 = vector.shape_cast %swap3A_429 : vector<1x16xf32> to vector<16xf32>
        %swap3A_431 = vector.shape_cast %add3A_426 : vector<16xf32> to vector<1x16xf32>
        tpu.vector_store %arg9[%swap3A_427, %swap3A_428], %swap3A_431 {strides = array<i32>} : memref<16x1024xf32, #tpu.memory_space<vmem>>, vector<1x16xf32>,
        %get3A_432 = arith.index_cast %scan3A_126 : i32 to index
        %get3A_433 = arith.constant 256 : index
        %get3A_434 = tpu.vector_load %arg6[%get3A_432, %get3A_433] {strides = array<i32>} : memref<16x1024xf32, #tpu.memory_space<vmem>>, vector<1x16xf32>,
        %get3A_435 = vector.shape_cast %get3A_434 : vector<1x16xf32> to vector<16xf32>
        %get3A_436 = arith.index_cast %scan3A_126 : i32 to index
        %get3A_437 = arith.constant 256 : index
        %get3A_438 = tpu.vector_load %arg7[%get3A_436, %get3A_437] {strides = array<i32>} : memref<16x1024xf32, #tpu.memory_space<vmem>>, vector<1x16xf32>,
        %get3A_439 = vector.shape_cast %get3A_438 : vector<1x16xf32> to vector<16xf32>
        %add3A_440 = arith.addf %get3A_435, %get3A_439 : vector<16xf32>
        %get3A_441 = arith.index_cast %scan3A_126 : i32 to index
        %get3A_442 = arith.constant 256 : index
        %get3A_443 = tpu.vector_load %arg8[%get3A_441, %get3A_442] {strides = array<i32>} : memref<16x1024xf32, #tpu.memory_space<vmem>>, vector<1x16xf32>,
        %get3A_444 = vector.shape_cast %get3A_443 : vector<1x16xf32> to vector<16xf32>
        %add3A_445 = arith.addf %add3A_440, %get3A_444 : vector<16xf32>
        %swap3A_446 = arith.index_cast %scan3A_126 : i32 to index
        %swap3A_447 = arith.constant 256 : index
        %swap3A_448 = tpu.vector_load %arg9[%swap3A_446, %swap3A_447] {strides = array<i32>} : memref<16x1024xf32, #tpu.memory_space<vmem>>, vector<1x16xf32>,
        %swap3A_449 = vector.shape_cast %swap3A_448 : vector<1x16xf32> to vector<16xf32>
        %swap3A_450 = vector.shape_cast %add3A_445 : vector<16xf32> to vector<1x16xf32>
        tpu.vector_store %arg9[%swap3A_446, %swap3A_447], %swap3A_450 {strides = array<i32>} : memref<16x1024xf32, #tpu.memory_space<vmem>>, vector<1x16xf32>,
        %get3A_451 = arith.index_cast %scan3A_126 : i32 to index
        %get3A_452 = arith.constant 272 : index
        %get3A_453 = tpu.vector_load %arg6[%get3A_451, %get3A_452] {strides = array<i32>} : memref<16x1024xf32, #tpu.memory_space<vmem>>, vector<1x16xf32>,
        %get3A_454 = vector.shape_cast %get3A_453 : vector<1x16xf32> to vector<16xf32>
        %get3A_455 = arith.index_cast %scan3A_126 : i32 to index
        %get3A_456 = arith.constant 272 : index
        %get3A_457 = tpu.vector_load %arg7[%get3A_455, %get3A_456] {strides = array<i32>} : memref<16x1024xf32, #tpu.memory_space<vmem>>, vector<1x16xf32>,
        %get3A_458 = vector.shape_cast %get3A_457 : vector<1x16xf32> to vector<16xf32>
        %add3A_459 = arith.addf %get3A_454, %get3A_458 : vector<16xf32>
        %get3A_460 = arith.index_cast %scan3A_126 : i32 to index
        %get3A_461 = arith.constant 272 : index
        %get3A_462 = tpu.vector_load %arg8[%get3A_460, %get3A_461] {strides = array<i32>} : memref<16x1024xf32, #tpu.memory_space<vmem>>, vector<1x16xf32>,
        %get3A_463 = vector.shape_cast %get3A_462 : vector<1x16xf32> to vector<16xf32>
        %add3A_464 = arith.addf %add3A_459, %get3A_463 : vector<16xf32>
        %swap3A_465 = arith.index_cast %scan3A_126 : i32 to index
        %swap3A_466 = arith.constant 272 : index
        %swap3A_467 = tpu.vector_load %arg9[%swap3A_465, %swap3A_466] {strides = array<i32>} : memref<16x1024xf32, #tpu.memory_space<vmem>>, vector<1x16xf32>,
        %swap3A_468 = vector.shape_cast %swap3A_467 : vector<1x16xf32> to vector<16xf32>
        %swap3A_469 = vector.shape_cast %add3A_464 : vector<16xf32> to vector<1x16xf32>
        tpu.vector_store %arg9[%swap3A_465, %swap3A_466], %swap3A_469 {strides = array<i32>} : memref<16x1024xf32, #tpu.memory_space<vmem>>, vector<1x16xf32>,
        %get3A_470 = arith.index_cast %scan3A_126 : i32 to index
        %get3A_471 = arith.constant 288 : index
        %get3A_472 = tpu.vector_load %arg6[%get3A_470, %get3A_471] {strides = array<i32>} : memref<16x1024xf32, #tpu.memory_space<vmem>>, vector<1x16xf32>,
        %get3A_473 = vector.shape_cast %get3A_472 : vector<1x16xf32> to vector<16xf32>
        %get3A_474 = arith.index_cast %scan3A_126 : i32 to index
        %get3A_475 = arith.constant 288 : index
        %get3A_476 = tpu.vector_load %arg7[%get3A_474, %get3A_475] {strides = array<i32>} : memref<16x1024xf32, #tpu.memory_space<vmem>>, vector<1x16xf32>,
        %get3A_477 = vector.shape_cast %get3A_476 : vector<1x16xf32> to vector<16xf32>
        %add3A_478 = arith.addf %get3A_473, %get3A_477 : vector<16xf32>
        %get3A_479 = arith.index_cast %scan3A_126 : i32 to index
        %get3A_480 = arith.constant 288 : index
        %get3A_481 = tpu.vector_load %arg8[%get3A_479, %get3A_480] {strides = array<i32>} : memref<16x1024xf32, #tpu.memory_space<vmem>>, vector<1x16xf32>,
        %get3A_482 = vector.shape_cast %get3A_481 : vector<1x16xf32> to vector<16xf32>
        %add3A_483 = arith.addf %add3A_478, %get3A_482 : vector<16xf32>
        %swap3A_484 = arith.index_cast %scan3A_126 : i32 to index
        %swap3A_485 = arith.constant 288 : index
        %swap3A_486 = tpu.vector_load %arg9[%swap3A_484, %swap3A_485] {strides = array<i32>} : memref<16x1024xf32, #tpu.memory_space<vmem>>, vector<1x16xf32>,
        %swap3A_487 = vector.shape_cast %swap3A_486 : vector<1x16xf32> to vector<16xf32>
        %swap3A_488 = vector.shape_cast %add3A_483 : vector<16xf32> to vector<1x16xf32>
        tpu.vector_store %arg9[%swap3A_484, %swap3A_485], %swap3A_488 {strides = array<i32>} : memref<16x1024xf32, #tpu.memory_space<vmem>>, vector<1x16xf32>,
        %get3A_489 = arith.index_cast %scan3A_126 : i32 to index
        %get3A_490 = arith.constant 304 : index
        %get3A_491 = tpu.vector_load %arg6[%get3A_489, %get3A_490] {strides = array<i32>} : memref<16x1024xf32, #tpu.memory_space<vmem>>, vector<1x16xf32>,
        %get3A_492 = vector.shape_cast %get3A_491 : vector<1x16xf32> to vector<16xf32>
        %get3A_493 = arith.index_cast %scan3A_126 : i32 to index
        %get3A_494 = arith.constant 304 : index
        %get3A_495 = tpu.vector_load %arg7[%get3A_493, %get3A_494] {strides = array<i32>} : memref<16x1024xf32, #tpu.memory_space<vmem>>, vector<1x16xf32>,
        %get3A_496 = vector.shape_cast %get3A_495 : vector<1x16xf32> to vector<16xf32>
        %add3A_497 = arith.addf %get3A_492, %get3A_496 : vector<16xf32>
        %get3A_498 = arith.index_cast %scan3A_126 : i32 to index
        %get3A_499 = arith.constant 304 : index
        %get3A_500 = tpu.vector_load %arg8[%get3A_498, %get3A_499] {strides = array<i32>} : memref<16x1024xf32, #tpu.memory_space<vmem>>, vector<1x16xf32>,
        %get3A_501 = vector.shape_cast %get3A_500 : vector<1x16xf32> to vector<16xf32>
        %add3A_502 = arith.addf %add3A_497, %get3A_501 : vector<16xf32>
        %swap3A_503 = arith.index_cast %scan3A_126 : i32 to index
        %swap3A_504 = arith.constant 304 : index
        %swap3A_505 = tpu.vector_load %arg9[%swap3A_503, %swap3A_504] {strides = array<i32>} : memref<16x1024xf32, #tpu.memory_space<vmem>>, vector<1x16xf32>,
        %swap3A_506 = vector.shape_cast %swap3A_505 : vector<1x16xf32> to vector<16xf32>
        %swap3A_507 = vector.shape_cast %add3A_502 : vector<16xf32> to vector<1x16xf32>
        tpu.vector_store %arg9[%swap3A_503, %swap3A_504], %swap3A_507 {strides = array<i32>} : memref<16x1024xf32, #tpu.memory_space<vmem>>, vector<1x16xf32>,
        %get3A_508 = arith.index_cast %scan3A_126 : i32 to index
        %get3A_509 = arith.constant 320 : index
        %get3A_510 = tpu.vector_load %arg6[%get3A_508, %get3A_509] {strides = array<i32>} : memref<16x1024xf32, #tpu.memory_space<vmem>>, vector<1x16xf32>,
        %get3A_511 = vector.shape_cast %get3A_510 : vector<1x16xf32> to vector<16xf32>
        %get3A_512 = arith.index_cast %scan3A_126 : i32 to index
        %get3A_513 = arith.constant 320 : index
        %get3A_514 = tpu.vector_load %arg7[%get3A_512, %get3A_513] {strides = array<i32>} : memref<16x1024xf32, #tpu.memory_space<vmem>>, vector<1x16xf32>,
        %get3A_515 = vector.shape_cast %get3A_514 : vector<1x16xf32> to vector<16xf32>
        %add3A_516 = arith.addf %get3A_511, %get3A_515 : vector<16xf32>
        %get3A_517 = arith.index_cast %scan3A_126 : i32 to index
        %get3A_518 = arith.constant 320 : index
        %get3A_519 = tpu.vector_load %arg8[%get3A_517, %get3A_518] {strides = array<i32>} : memref<16x1024xf32, #tpu.memory_space<vmem>>, vector<1x16xf32>,
        %get3A_520 = vector.shape_cast %get3A_519 : vector<1x16xf32> to vector<16xf32>
        %add3A_521 = arith.addf %add3A_516, %get3A_520 : vector<16xf32>
        %swap3A_522 = arith.index_cast %scan3A_126 : i32 to index
        %swap3A_523 = arith.constant 320 : index
        %swap3A_524 = tpu.vector_load %arg9[%swap3A_522, %swap3A_523] {strides = array<i32>} : memref<16x1024xf32, #tpu.memory_space<vmem>>, vector<1x16xf32>,
        %swap3A_525 = vector.shape_cast %swap3A_524 : vector<1x16xf32> to vector<16xf32>
        %swap3A_526 = vector.shape_cast %add3A_521 : vector<16xf32> to vector<1x16xf32>
        tpu.vector_store %arg9[%swap3A_522, %swap3A_523], %swap3A_526 {strides = array<i32>} : memref<16x1024xf32, #tpu.memory_space<vmem>>, vector<1x16xf32>,
        %get3A_527 = arith.index_cast %scan3A_126 : i32 to index
        %get3A_528 = arith.constant 336 : index
        %get3A_529 = tpu.vector_load %arg6[%get3A_527, %get3A_528] {strides = array<i32>} : memref<16x1024xf32, #tpu.memory_space<vmem>>, vector<1x16xf32>,
        %get3A_530 = vector.shape_cast %get3A_529 : vector<1x16xf32> to vector<16xf32>
        %get3A_531 = arith.index_cast %scan3A_126 : i32 to index
        %get3A_532 = arith.constant 336 : index
        %get3A_533 = tpu.vector_load %arg7[%get3A_531, %get3A_532] {strides = array<i32>} : memref<16x1024xf32, #tpu.memory_space<vmem>>, vector<1x16xf32>,
        %get3A_534 = vector.shape_cast %get3A_533 : vector<1x16xf32> to vector<16xf32>
        %add3A_535 = arith.addf %get3A_530, %get3A_534 : vector<16xf32>
        %get3A_536 = arith.index_cast %scan3A_126 : i32 to index
        %get3A_537 = arith.constant 336 : index
        %get3A_538 = tpu.vector_load %arg8[%get3A_536, %get3A_537] {strides = array<i32>} : memref<16x1024xf32, #tpu.memory_space<vmem>>, vector<1x16xf32>,
        %get3A_539 = vector.shape_cast %get3A_538 : vector<1x16xf32> to vector<16xf32>
        %add3A_540 = arith.addf %add3A_535, %get3A_539 : vector<16xf32>
        %swap3A_541 = arith.index_cast %scan3A_126 : i32 to index
        %swap3A_542 = arith.constant 336 : index
        %swap3A_543 = tpu.vector_load %arg9[%swap3A_541, %swap3A_542] {strides = array<i32>} : memref<16x1024xf32, #tpu.memory_space<vmem>>, vector<1x16xf32>,
        %swap3A_544 = vector.shape_cast %swap3A_543 : vector<1x16xf32> to vector<16xf32>
        %swap3A_545 = vector.shape_cast %add3A_540 : vector<16xf32> to vector<1x16xf32>
        tpu.vector_store %arg9[%swap3A_541, %swap3A_542], %swap3A_545 {strides = array<i32>} : memref<16x1024xf32, #tpu.memory_space<vmem>>, vector<1x16xf32>,
        %get3A_546 = arith.index_cast %scan3A_126 : i32 to index
        %get3A_547 = arith.constant 352 : index
        %get3A_548 = tpu.vector_load %arg6[%get3A_546, %get3A_547] {strides = array<i32>} : memref<16x1024xf32, #tpu.memory_space<vmem>>, vector<1x16xf32>,
        %get3A_549 = vector.shape_cast %get3A_548 : vector<1x16xf32> to vector<16xf32>
        %get3A_550 = arith.index_cast %scan3A_126 : i32 to index
        %get3A_551 = arith.constant 352 : index
        %get3A_552 = tpu.vector_load %arg7[%get3A_550, %get3A_551] {strides = array<i32>} : memref<16x1024xf32, #tpu.memory_space<vmem>>, vector<1x16xf32>,
        %get3A_553 = vector.shape_cast %get3A_552 : vector<1x16xf32> to vector<16xf32>
        %add3A_554 = arith.addf %get3A_549, %get3A_553 : vector<16xf32>
        %get3A_555 = arith.index_cast %scan3A_126 : i32 to index
        %get3A_556 = arith.constant 352 : index
        %get3A_557 = tpu.vector_load %arg8[%get3A_555, %get3A_556] {strides = array<i32>} : memref<16x1024xf32, #tpu.memory_space<vmem>>, vector<1x16xf32>,
        %get3A_558 = vector.shape_cast %get3A_557 : vector<1x16xf32> to vector<16xf32>
        %add3A_559 = arith.addf %add3A_554, %get3A_558 : vector<16xf32>
        %swap3A_560 = arith.index_cast %scan3A_126 : i32 to index
        %swap3A_561 = arith.constant 352 : index
        %swap3A_562 = tpu.vector_load %arg9[%swap3A_560, %swap3A_561] {strides = array<i32>} : memref<16x1024xf32, #tpu.memory_space<vmem>>, vector<1x16xf32>,
        %swap3A_563 = vector.shape_cast %swap3A_562 : vector<1x16xf32> to vector<16xf32>
        %swap3A_564 = vector.shape_cast %add3A_559 : vector<16xf32> to vector<1x16xf32>
        tpu.vector_store %arg9[%swap3A_560, %swap3A_561], %swap3A_564 {strides = array<i32>} : memref<16x1024xf32, #tpu.memory_space<vmem>>, vector<1x16xf32>,
        %get3A_565 = arith.index_cast %scan3A_126 : i32 to index
        %get3A_566 = arith.constant 368 : index
        %get3A_567 = tpu.vector_load %arg6[%get3A_565, %get3A_566] {strides = array<i32>} : memref<16x1024xf32, #tpu.memory_space<vmem>>, vector<1x16xf32>,
        %get3A_568 = vector.shape_cast %get3A_567 : vector<1x16xf32> to vector<16xf32>
        %get3A_569 = arith.index_cast %scan3A_126 : i32 to index
        %get3A_570 = arith.constant 368 : index
        %get3A_571 = tpu.vector_load %arg7[%get3A_569, %get3A_570] {strides = array<i32>} : memref<16x1024xf32, #tpu.memory_space<vmem>>, vector<1x16xf32>,
        %get3A_572 = vector.shape_cast %get3A_571 : vector<1x16xf32> to vector<16xf32>
        %add3A_573 = arith.addf %get3A_568, %get3A_572 : vector<16xf32>
        %get3A_574 = arith.index_cast %scan3A_126 : i32 to index
        %get3A_575 = arith.constant 368 : index
        %get3A_576 = tpu.vector_load %arg8[%get3A_574, %get3A_575] {strides = array<i32>} : memref<16x1024xf32, #tpu.memory_space<vmem>>, vector<1x16xf32>,
        %get3A_577 = vector.shape_cast %get3A_576 : vector<1x16xf32> to vector<16xf32>
        %add3A_578 = arith.addf %add3A_573, %get3A_577 : vector<16xf32>
        %swap3A_579 = arith.index_cast %scan3A_126 : i32 to index
        %swap3A_580 = arith.constant 368 : index
        %swap3A_581 = tpu.vector_load %arg9[%swap3A_579, %swap3A_580] {strides = array<i32>} : memref<16x1024xf32, #tpu.memory_space<vmem>>, vector<1x16xf32>,
        %swap3A_582 = vector.shape_cast %swap3A_581 : vector<1x16xf32> to vector<16xf32>
        %swap3A_583 = vector.shape_cast %add3A_578 : vector<16xf32> to vector<1x16xf32>
        tpu.vector_store %arg9[%swap3A_579, %swap3A_580], %swap3A_583 {strides = array<i32>} : memref<16x1024xf32, #tpu.memory_space<vmem>>, vector<1x16xf32>,
        %get3A_584 = arith.index_cast %scan3A_126 : i32 to index
        %get3A_585 = arith.constant 384 : index
        %get3A_586 = tpu.vector_load %arg6[%get3A_584, %get3A_585] {strides = array<i32>} : memref<16x1024xf32, #tpu.memory_space<vmem>>, vector<1x16xf32>,
        %get3A_587 = vector.shape_cast %get3A_586 : vector<1x16xf32> to vector<16xf32>
        %get3A_588 = arith.index_cast %scan3A_126 : i32 to index
        %get3A_589 = arith.constant 384 : index
        %get3A_590 = tpu.vector_load %arg7[%get3A_588, %get3A_589] {strides = array<i32>} : memref<16x1024xf32, #tpu.memory_space<vmem>>, vector<1x16xf32>,
        %get3A_591 = vector.shape_cast %get3A_590 : vector<1x16xf32> to vector<16xf32>
        %add3A_592 = arith.addf %get3A_587, %get3A_591 : vector<16xf32>
        %get3A_593 = arith.index_cast %scan3A_126 : i32 to index
        %get3A_594 = arith.constant 384 : index
        %get3A_595 = tpu.vector_load %arg8[%get3A_593, %get3A_594] {strides = array<i32>} : memref<16x1024xf32, #tpu.memory_space<vmem>>, vector<1x16xf32>,
        %get3A_596 = vector.shape_cast %get3A_595 : vector<1x16xf32> to vector<16xf32>
        %add3A_597 = arith.addf %add3A_592, %get3A_596 : vector<16xf32>
        %swap3A_598 = arith.index_cast %scan3A_126 : i32 to index
        %swap3A_599 = arith.constant 384 : index
        %swap3A_600 = tpu.vector_load %arg9[%swap3A_598, %swap3A_599] {strides = array<i32>} : memref<16x1024xf32, #tpu.memory_space<vmem>>, vector<1x16xf32>,
        %swap3A_601 = vector.shape_cast %swap3A_600 : vector<1x16xf32> to vector<16xf32>
        %swap3A_602 = vector.shape_cast %add3A_597 : vector<16xf32> to vector<1x16xf32>
        tpu.vector_store %arg9[%swap3A_598, %swap3A_599], %swap3A_602 {strides = array<i32>} : memref<16x1024xf32, #tpu.memory_space<vmem>>, vector<1x16xf32>,
        %get3A_603 = arith.index_cast %scan3A_126 : i32 to index
        %get3A_604 = arith.constant 400 : index
        %get3A_605 = tpu.vector_load %arg6[%get3A_603, %get3A_604] {strides = array<i32>} : memref<16x1024xf32, #tpu.memory_space<vmem>>, vector<1x16xf32>,
        %get3A_606 = vector.shape_cast %get3A_605 : vector<1x16xf32> to vector<16xf32>
        %get3A_607 = arith.index_cast %scan3A_126 : i32 to index
        %get3A_608 = arith.constant 400 : index
        %get3A_609 = tpu.vector_load %arg7[%get3A_607, %get3A_608] {strides = array<i32>} : memref<16x1024xf32, #tpu.memory_space<vmem>>, vector<1x16xf32>,
        %get3A_610 = vector.shape_cast %get3A_609 : vector<1x16xf32> to vector<16xf32>
        %add3A_611 = arith.addf %get3A_606, %get3A_610 : vector<16xf32>
        %get3A_612 = arith.index_cast %scan3A_126 : i32 to index
        %get3A_613 = arith.constant 400 : index
        %get3A_614 = tpu.vector_load %arg8[%get3A_612, %get3A_613] {strides = array<i32>} : memref<16x1024xf32, #tpu.memory_space<vmem>>, vector<1x16xf32>,
        %get3A_615 = vector.shape_cast %get3A_614 : vector<1x16xf32> to vector<16xf32>
        %add3A_616 = arith.addf %add3A_611, %get3A_615 : vector<16xf32>
        %swap3A_617 = arith.index_cast %scan3A_126 : i32 to index
        %swap3A_618 = arith.constant 400 : index
        %swap3A_619 = tpu.vector_load %arg9[%swap3A_617, %swap3A_618] {strides = array<i32>} : memref<16x1024xf32, #tpu.memory_space<vmem>>, vector<1x16xf32>,
        %swap3A_620 = vector.shape_cast %swap3A_619 : vector<1x16xf32> to vector<16xf32>
        %swap3A_621 = vector.shape_cast %add3A_616 : vector<16xf32> to vector<1x16xf32>
        tpu.vector_store %arg9[%swap3A_617, %swap3A_618], %swap3A_621 {strides = array<i32>} : memref<16x1024xf32, #tpu.memory_space<vmem>>, vector<1x16xf32>,
        %get3A_622 = arith.index_cast %scan3A_126 : i32 to index
        %get3A_623 = arith.constant 416 : index
        %get3A_624 = tpu.vector_load %arg6[%get3A_622, %get3A_623] {strides = array<i32>} : memref<16x1024xf32, #tpu.memory_space<vmem>>, vector<1x16xf32>,
        %get3A_625 = vector.shape_cast %get3A_624 : vector<1x16xf32> to vector<16xf32>
        %get3A_626 = arith.index_cast %scan3A_126 : i32 to index
        %get3A_627 = arith.constant 416 : index
        %get3A_628 = tpu.vector_load %arg7[%get3A_626, %get3A_627] {strides = array<i32>} : memref<16x1024xf32, #tpu.memory_space<vmem>>, vector<1x16xf32>,
        %get3A_629 = vector.shape_cast %get3A_628 : vector<1x16xf32> to vector<16xf32>
        %add3A_630 = arith.addf %get3A_625, %get3A_629 : vector<16xf32>
        %get3A_631 = arith.index_cast %scan3A_126 : i32 to index
        %get3A_632 = arith.constant 416 : index
        %get3A_633 = tpu.vector_load %arg8[%get3A_631, %get3A_632] {strides = array<i32>} : memref<16x1024xf32, #tpu.memory_space<vmem>>, vector<1x16xf32>,
        %get3A_634 = vector.shape_cast %get3A_633 : vector<1x16xf32> to vector<16xf32>
        %add3A_635 = arith.addf %add3A_630, %get3A_634 : vector<16xf32>
        %swap3A_636 = arith.index_cast %scan3A_126 : i32 to index
        %swap3A_637 = arith.constant 416 : index
        %swap3A_638 = tpu.vector_load %arg9[%swap3A_636, %swap3A_637] {strides = array<i32>} : memref<16x1024xf32, #tpu.memory_space<vmem>>, vector<1x16xf32>,
        %swap3A_639 = vector.shape_cast %swap3A_638 : vector<1x16xf32> to vector<16xf32>
        %swap3A_640 = vector.shape_cast %add3A_635 : vector<16xf32> to vector<1x16xf32>
        tpu.vector_store %arg9[%swap3A_636, %swap3A_637], %swap3A_640 {strides = array<i32>} : memref<16x1024xf32, #tpu.memory_space<vmem>>, vector<1x16xf32>,
        %get3A_641 = arith.index_cast %scan3A_126 : i32 to index
        %get3A_642 = arith.constant 432 : index
        %get3A_643 = tpu.vector_load %arg6[%get3A_641, %get3A_642] {strides = array<i32>} : memref<16x1024xf32, #tpu.memory_space<vmem>>, vector<1x16xf32>,
        %get3A_644 = vector.shape_cast %get3A_643 : vector<1x16xf32> to vector<16xf32>
        %get3A_645 = arith.index_cast %scan3A_126 : i32 to index
        %get3A_646 = arith.constant 432 : index
        %get3A_647 = tpu.vector_load %arg7[%get3A_645, %get3A_646] {strides = array<i32>} : memref<16x1024xf32, #tpu.memory_space<vmem>>, vector<1x16xf32>,
        %get3A_648 = vector.shape_cast %get3A_647 : vector<1x16xf32> to vector<16xf32>
        %add3A_649 = arith.addf %get3A_644, %get3A_648 : vector<16xf32>
        %get3A_650 = arith.index_cast %scan3A_126 : i32 to index
        %get3A_651 = arith.constant 432 : index
        %get3A_652 = tpu.vector_load %arg8[%get3A_650, %get3A_651] {strides = array<i32>} : memref<16x1024xf32, #tpu.memory_space<vmem>>, vector<1x16xf32>,
        %get3A_653 = vector.shape_cast %get3A_652 : vector<1x16xf32> to vector<16xf32>
        %add3A_654 = arith.addf %add3A_649, %get3A_653 : vector<16xf32>
        %swap3A_655 = arith.index_cast %scan3A_126 : i32 to index
        %swap3A_656 = arith.constant 432 : index
        %swap3A_657 = tpu.vector_load %arg9[%swap3A_655, %swap3A_656] {strides = array<i32>} : memref<16x1024xf32, #tpu.memory_space<vmem>>, vector<1x16xf32>,
        %swap3A_658 = vector.shape_cast %swap3A_657 : vector<1x16xf32> to vector<16xf32>
        %swap3A_659 = vector.shape_cast %add3A_654 : vector<16xf32> to vector<1x16xf32>
        tpu.vector_store %arg9[%swap3A_655, %swap3A_656], %swap3A_659 {strides = array<i32>} : memref<16x1024xf32, #tpu.memory_space<vmem>>, vector<1x16xf32>,
        %get3A_660 = arith.index_cast %scan3A_126 : i32 to index
        %get3A_661 = arith.constant 448 : index
        %get3A_662 = tpu.vector_load %arg6[%get3A_660, %get3A_661] {strides = array<i32>} : memref<16x1024xf32, #tpu.memory_space<vmem>>, vector<1x16xf32>,
        %get3A_663 = vector.shape_cast %get3A_662 : vector<1x16xf32> to vector<16xf32>
        %get3A_664 = arith.index_cast %scan3A_126 : i32 to index
        %get3A_665 = arith.constant 448 : index
        %get3A_666 = tpu.vector_load %arg7[%get3A_664, %get3A_665] {strides = array<i32>} : memref<16x1024xf32, #tpu.memory_space<vmem>>, vector<1x16xf32>,
        %get3A_667 = vector.shape_cast %get3A_666 : vector<1x16xf32> to vector<16xf32>
        %add3A_668 = arith.addf %get3A_663, %get3A_667 : vector<16xf32>
        %get3A_669 = arith.index_cast %scan3A_126 : i32 to index
        %get3A_670 = arith.constant 448 : index
        %get3A_671 = tpu.vector_load %arg8[%get3A_669, %get3A_670] {strides = array<i32>} : memref<16x1024xf32, #tpu.memory_space<vmem>>, vector<1x16xf32>,
        %get3A_672 = vector.shape_cast %get3A_671 : vector<1x16xf32> to vector<16xf32>
        %add3A_673 = arith.addf %add3A_668, %get3A_672 : vector<16xf32>
        %swap3A_674 = arith.index_cast %scan3A_126 : i32 to index
        %swap3A_675 = arith.constant 448 : index
        %swap3A_676 = tpu.vector_load %arg9[%swap3A_674, %swap3A_675] {strides = array<i32>} : memref<16x1024xf32, #tpu.memory_space<vmem>>, vector<1x16xf32>,
        %swap3A_677 = vector.shape_cast %swap3A_676 : vector<1x16xf32> to vector<16xf32>
        %swap3A_678 = vector.shape_cast %add3A_673 : vector<16xf32> to vector<1x16xf32>
        tpu.vector_store %arg9[%swap3A_674, %swap3A_675], %swap3A_678 {strides = array<i32>} : memref<16x1024xf32, #tpu.memory_space<vmem>>, vector<1x16xf32>,
        %get3A_679 = arith.index_cast %scan3A_126 : i32 to index
        %get3A_680 = arith.constant 464 : index
        %get3A_681 = tpu.vector_load %arg6[%get3A_679, %get3A_680] {strides = array<i32>} : memref<16x1024xf32, #tpu.memory_space<vmem>>, vector<1x16xf32>,
        %get3A_682 = vector.shape_cast %get3A_681 : vector<1x16xf32> to vector<16xf32>
        %get3A_683 = arith.index_cast %scan3A_126 : i32 to index
        %get3A_684 = arith.constant 464 : index
        %get3A_685 = tpu.vector_load %arg7[%get3A_683, %get3A_684] {strides = array<i32>} : memref<16x1024xf32, #tpu.memory_space<vmem>>, vector<1x16xf32>,
        %get3A_686 = vector.shape_cast %get3A_685 : vector<1x16xf32> to vector<16xf32>
        %add3A_687 = arith.addf %get3A_682, %get3A_686 : vector<16xf32>
        %get3A_688 = arith.index_cast %scan3A_126 : i32 to index
        %get3A_689 = arith.constant 464 : index
        %get3A_690 = tpu.vector_load %arg8[%get3A_688, %get3A_689] {strides = array<i32>} : memref<16x1024xf32, #tpu.memory_space<vmem>>, vector<1x16xf32>,
        %get3A_691 = vector.shape_cast %get3A_690 : vector<1x16xf32> to vector<16xf32>
        %add3A_692 = arith.addf %add3A_687, %get3A_691 : vector<16xf32>
        %swap3A_693 = arith.index_cast %scan3A_126 : i32 to index
        %swap3A_694 = arith.constant 464 : index
        %swap3A_695 = tpu.vector_load %arg9[%swap3A_693, %swap3A_694] {strides = array<i32>} : memref<16x1024xf32, #tpu.memory_space<vmem>>, vector<1x16xf32>,
        %swap3A_696 = vector.shape_cast %swap3A_695 : vector<1x16xf32> to vector<16xf32>
        %swap3A_697 = vector.shape_cast %add3A_692 : vector<16xf32> to vector<1x16xf32>
        tpu.vector_store %arg9[%swap3A_693, %swap3A_694], %swap3A_697 {strides = array<i32>} : memref<16x1024xf32, #tpu.memory_space<vmem>>, vector<1x16xf32>,
        %get3A_698 = arith.index_cast %scan3A_126 : i32 to index
        %get3A_699 = arith.constant 480 : index
        %get3A_700 = tpu.vector_load %arg6[%get3A_698, %get3A_699] {strides = array<i32>} : memref<16x1024xf32, #tpu.memory_space<vmem>>, vector<1x16xf32>,
        %get3A_701 = vector.shape_cast %get3A_700 : vector<1x16xf32> to vector<16xf32>
        %get3A_702 = arith.index_cast %scan3A_126 : i32 to index
        %get3A_703 = arith.constant 480 : index
        %get3A_704 = tpu.vector_load %arg7[%get3A_702, %get3A_703] {strides = array<i32>} : memref<16x1024xf32, #tpu.memory_space<vmem>>, vector<1x16xf32>,
        %get3A_705 = vector.shape_cast %get3A_704 : vector<1x16xf32> to vector<16xf32>
        %add3A_706 = arith.addf %get3A_701, %get3A_705 : vector<16xf32>
        %get3A_707 = arith.index_cast %scan3A_126 : i32 to index
        %get3A_708 = arith.constant 480 : index
        %get3A_709 = tpu.vector_load %arg8[%get3A_707, %get3A_708] {strides = array<i32>} : memref<16x1024xf32, #tpu.memory_space<vmem>>, vector<1x16xf32>,
        %get3A_710 = vector.shape_cast %get3A_709 : vector<1x16xf32> to vector<16xf32>
        %add3A_711 = arith.addf %add3A_706, %get3A_710 : vector<16xf32>
        %swap3A_712 = arith.index_cast %scan3A_126 : i32 to index
        %swap3A_713 = arith.constant 480 : index
        %swap3A_714 = tpu.vector_load %arg9[%swap3A_712, %swap3A_713] {strides = array<i32>} : memref<16x1024xf32, #tpu.memory_space<vmem>>, vector<1x16xf32>,
        %swap3A_715 = vector.shape_cast %swap3A_714 : vector<1x16xf32> to vector<16xf32>
        %swap3A_716 = vector.shape_cast %add3A_711 : vector<16xf32> to vector<1x16xf32>
        tpu.vector_store %arg9[%swap3A_712, %swap3A_713], %swap3A_716 {strides = array<i32>} : memref<16x1024xf32, #tpu.memory_space<vmem>>, vector<1x16xf32>,
        %get3A_717 = arith.index_cast %scan3A_126 : i32 to index
        %get3A_718 = arith.constant 496 : index
        %get3A_719 = tpu.vector_load %arg6[%get3A_717, %get3A_718] {strides = array<i32>} : memref<16x1024xf32, #tpu.memory_space<vmem>>, vector<1x16xf32>,
        %get3A_720 = vector.shape_cast %get3A_719 : vector<1x16xf32> to vector<16xf32>
        %get3A_721 = arith.index_cast %scan3A_126 : i32 to index
        %get3A_722 = arith.constant 496 : index
        %get3A_723 = tpu.vector_load %arg7[%get3A_721, %get3A_722] {strides = array<i32>} : memref<16x1024xf32, #tpu.memory_space<vmem>>, vector<1x16xf32>,
        %get3A_724 = vector.shape_cast %get3A_723 : vector<1x16xf32> to vector<16xf32>
        %add3A_725 = arith.addf %get3A_720, %get3A_724 : vector<16xf32>
        %get3A_726 = arith.index_cast %scan3A_126 : i32 to index
        %get3A_727 = arith.constant 496 : index
        %get3A_728 = tpu.vector_load %arg8[%get3A_726, %get3A_727] {strides = array<i32>} : memref<16x1024xf32, #tpu.memory_space<vmem>>, vector<1x16xf32>,
        %get3A_729 = vector.shape_cast %get3A_728 : vector<1x16xf32> to vector<16xf32>
        %add3A_730 = arith.addf %add3A_725, %get3A_729 : vector<16xf32>
        %swap3A_731 = arith.index_cast %scan3A_126 : i32 to index
        %swap3A_732 = arith.constant 496 : index
        %swap3A_733 = tpu.vector_load %arg9[%swap3A_731, %swap3A_732] {strides = array<i32>} : memref<16x1024xf32, #tpu.memory_space<vmem>>, vector<1x16xf32>,
        %swap3A_734 = vector.shape_cast %swap3A_733 : vector<1x16xf32> to vector<16xf32>
        %swap3A_735 = vector.shape_cast %add3A_730 : vector<16xf32> to vector<1x16xf32>
        tpu.vector_store %arg9[%swap3A_731, %swap3A_732], %swap3A_735 {strides = array<i32>} : memref<16x1024xf32, #tpu.memory_space<vmem>>, vector<1x16xf32>,
        %get3A_736 = arith.index_cast %scan3A_126 : i32 to index
        %get3A_737 = arith.constant 512 : index
        %get3A_738 = tpu.vector_load %arg6[%get3A_736, %get3A_737] {strides = array<i32>} : memref<16x1024xf32, #tpu.memory_space<vmem>>, vector<1x16xf32>,
        %get3A_739 = vector.shape_cast %get3A_738 : vector<1x16xf32> to vector<16xf32>
        %get3A_740 = arith.index_cast %scan3A_126 : i32 to index
        %get3A_741 = arith.constant 512 : index
        %get3A_742 = tpu.vector_load %arg7[%get3A_740, %get3A_741] {strides = array<i32>} : memref<16x1024xf32, #tpu.memory_space<vmem>>, vector<1x16xf32>,
        %get3A_743 = vector.shape_cast %get3A_742 : vector<1x16xf32> to vector<16xf32>
        %add3A_744 = arith.addf %get3A_739, %get3A_743 : vector<16xf32>
        %get3A_745 = arith.index_cast %scan3A_126 : i32 to index
        %get3A_746 = arith.constant 512 : index
        %get3A_747 = tpu.vector_load %arg8[%get3A_745, %get3A_746] {strides = array<i32>} : memref<16x1024xf32, #tpu.memory_space<vmem>>, vector<1x16xf32>,
        %get3A_748 = vector.shape_cast %get3A_747 : vector<1x16xf32> to vector<16xf32>
        %add3A_749 = arith.addf %add3A_744, %get3A_748 : vector<16xf32>
        %swap3A_750 = arith.index_cast %scan3A_126 : i32 to index
        %swap3A_751 = arith.constant 512 : index
        %swap3A_752 = tpu.vector_load %arg9[%swap3A_750, %swap3A_751] {strides = array<i32>} : memref<16x1024xf32, #tpu.memory_space<vmem>>, vector<1x16xf32>,
        %swap3A_753 = vector.shape_cast %swap3A_752 : vector<1x16xf32> to vector<16xf32>
        %swap3A_754 = vector.shape_cast %add3A_749 : vector<16xf32> to vector<1x16xf32>
        tpu.vector_store %arg9[%swap3A_750, %swap3A_751], %swap3A_754 {strides = array<i32>} : memref<16x1024xf32, #tpu.memory_space<vmem>>, vector<1x16xf32>,
        %get3A_755 = arith.index_cast %scan3A_126 : i32 to index
        %get3A_756 = arith.constant 528 : index
        %get3A_757 = tpu.vector_load %arg6[%get3A_755, %get3A_756] {strides = array<i32>} : memref<16x1024xf32, #tpu.memory_space<vmem>>, vector<1x16xf32>,
        %get3A_758 = vector.shape_cast %get3A_757 : vector<1x16xf32> to vector<16xf32>
        %get3A_759 = arith.index_cast %scan3A_126 : i32 to index
        %get3A_760 = arith.constant 528 : index
        %get3A_761 = tpu.vector_load %arg7[%get3A_759, %get3A_760] {strides = array<i32>} : memref<16x1024xf32, #tpu.memory_space<vmem>>, vector<1x16xf32>,
        %get3A_762 = vector.shape_cast %get3A_761 : vector<1x16xf32> to vector<16xf32>
        %add3A_763 = arith.addf %get3A_758, %get3A_762 : vector<16xf32>
        %get3A_764 = arith.index_cast %scan3A_126 : i32 to index
        %get3A_765 = arith.constant 528 : index
        %get3A_766 = tpu.vector_load %arg8[%get3A_764, %get3A_765] {strides = array<i32>} : memref<16x1024xf32, #tpu.memory_space<vmem>>, vector<1x16xf32>,
        %get3A_767 = vector.shape_cast %get3A_766 : vector<1x16xf32> to vector<16xf32>
        %add3A_768 = arith.addf %add3A_763, %get3A_767 : vector<16xf32>
        %swap3A_769 = arith.index_cast %scan3A_126 : i32 to index
        %swap3A_770 = arith.constant 528 : index
        %swap3A_771 = tpu.vector_load %arg9[%swap3A_769, %swap3A_770] {strides = array<i32>} : memref<16x1024xf32, #tpu.memory_space<vmem>>, vector<1x16xf32>,
        %swap3A_772 = vector.shape_cast %swap3A_771 : vector<1x16xf32> to vector<16xf32>
        %swap3A_773 = vector.shape_cast %add3A_768 : vector<16xf32> to vector<1x16xf32>
        tpu.vector_store %arg9[%swap3A_769, %swap3A_770], %swap3A_773 {strides = array<i32>} : memref<16x1024xf32, #tpu.memory_space<vmem>>, vector<1x16xf32>,
        %get3A_774 = arith.index_cast %scan3A_126 : i32 to index
        %get3A_775 = arith.constant 544 : index
        %get3A_776 = tpu.vector_load %arg6[%get3A_774, %get3A_775] {strides = array<i32>} : memref<16x1024xf32, #tpu.memory_space<vmem>>, vector<1x16xf32>,
        %get3A_777 = vector.shape_cast %get3A_776 : vector<1x16xf32> to vector<16xf32>
        %get3A_778 = arith.index_cast %scan3A_126 : i32 to index
        %get3A_779 = arith.constant 544 : index
        %get3A_780 = tpu.vector_load %arg7[%get3A_778, %get3A_779] {strides = array<i32>} : memref<16x1024xf32, #tpu.memory_space<vmem>>, vector<1x16xf32>,
        %get3A_781 = vector.shape_cast %get3A_780 : vector<1x16xf32> to vector<16xf32>
        %add3A_782 = arith.addf %get3A_777, %get3A_781 : vector<16xf32>
        %get3A_783 = arith.index_cast %scan3A_126 : i32 to index
        %get3A_784 = arith.constant 544 : index
        %get3A_785 = tpu.vector_load %arg8[%get3A_783, %get3A_784] {strides = array<i32>} : memref<16x1024xf32, #tpu.memory_space<vmem>>, vector<1x16xf32>,
        %get3A_786 = vector.shape_cast %get3A_785 : vector<1x16xf32> to vector<16xf32>
        %add3A_787 = arith.addf %add3A_782, %get3A_786 : vector<16xf32>
        %swap3A_788 = arith.index_cast %scan3A_126 : i32 to index
        %swap3A_789 = arith.constant 544 : index
        %swap3A_790 = tpu.vector_load %arg9[%swap3A_788, %swap3A_789] {strides = array<i32>} : memref<16x1024xf32, #tpu.memory_space<vmem>>, vector<1x16xf32>,
        %swap3A_791 = vector.shape_cast %swap3A_790 : vector<1x16xf32> to vector<16xf32>
        %swap3A_792 = vector.shape_cast %add3A_787 : vector<16xf32> to vector<1x16xf32>
        tpu.vector_store %arg9[%swap3A_788, %swap3A_789], %swap3A_792 {strides = array<i32>} : memref<16x1024xf32, #tpu.memory_space<vmem>>, vector<1x16xf32>,
        %get3A_793 = arith.index_cast %scan3A_126 : i32 to index
        %get3A_794 = arith.constant 560 : index
        %get3A_795 = tpu.vector_load %arg6[%get3A_793, %get3A_794] {strides = array<i32>} : memref<16x1024xf32, #tpu.memory_space<vmem>>, vector<1x16xf32>,
        %get3A_796 = vector.shape_cast %get3A_795 : vector<1x16xf32> to vector<16xf32>
        %get3A_797 = arith.index_cast %scan3A_126 : i32 to index
        %get3A_798 = arith.constant 560 : index
        %get3A_799 = tpu.vector_load %arg7[%get3A_797, %get3A_798] {strides = array<i32>} : memref<16x1024xf32, #tpu.memory_space<vmem>>, vector<1x16xf32>,
        %get3A_800 = vector.shape_cast %get3A_799 : vector<1x16xf32> to vector<16xf32>
        %add3A_801 = arith.addf %get3A_796, %get3A_800 : vector<16xf32>
        %get3A_802 = arith.index_cast %scan3A_126 : i32 to index
        %get3A_803 = arith.constant 560 : index
        %get3A_804 = tpu.vector_load %arg8[%get3A_802, %get3A_803] {strides = array<i32>} : memref<16x1024xf32, #tpu.memory_space<vmem>>, vector<1x16xf32>,
        %get3A_805 = vector.shape_cast %get3A_804 : vector<1x16xf32> to vector<16xf32>
        %add3A_806 = arith.addf %add3A_801, %get3A_805 : vector<16xf32>
        %swap3A_807 = arith.index_cast %scan3A_126 : i32 to index
        %swap3A_808 = arith.constant 560 : index
        %swap3A_809 = tpu.vector_load %arg9[%swap3A_807, %swap3A_808] {strides = array<i32>} : memref<16x1024xf32, #tpu.memory_space<vmem>>, vector<1x16xf32>,
        %swap3A_810 = vector.shape_cast %swap3A_809 : vector<1x16xf32> to vector<16xf32>
        %swap3A_811 = vector.shape_cast %add3A_806 : vector<16xf32> to vector<1x16xf32>
        tpu.vector_store %arg9[%swap3A_807, %swap3A_808], %swap3A_811 {strides = array<i32>} : memref<16x1024xf32, #tpu.memory_space<vmem>>, vector<1x16xf32>,
        %get3A_812 = arith.index_cast %scan3A_126 : i32 to index
        %get3A_813 = arith.constant 576 : index
        %get3A_814 = tpu.vector_load %arg6[%get3A_812, %get3A_813] {strides = array<i32>} : memref<16x1024xf32, #tpu.memory_space<vmem>>, vector<1x16xf32>,
        %get3A_815 = vector.shape_cast %get3A_814 : vector<1x16xf32> to vector<16xf32>
        %get3A_816 = arith.index_cast %scan3A_126 : i32 to index
        %get3A_817 = arith.constant 576 : index
        %get3A_818 = tpu.vector_load %arg7[%get3A_816, %get3A_817] {strides = array<i32>} : memref<16x1024xf32, #tpu.memory_space<vmem>>, vector<1x16xf32>,
        %get3A_819 = vector.shape_cast %get3A_818 : vector<1x16xf32> to vector<16xf32>
        %add3A_820 = arith.addf %get3A_815, %get3A_819 : vector<16xf32>
        %get3A_821 = arith.index_cast %scan3A_126 : i32 to index
        %get3A_822 = arith.constant 576 : index
        %get3A_823 = tpu.vector_load %arg8[%get3A_821, %get3A_822] {strides = array<i32>} : memref<16x1024xf32, #tpu.memory_space<vmem>>, vector<1x16xf32>,
        %get3A_824 = vector.shape_cast %get3A_823 : vector<1x16xf32> to vector<16xf32>
        %add3A_825 = arith.addf %add3A_820, %get3A_824 : vector<16xf32>
        %swap3A_826 = arith.index_cast %scan3A_126 : i32 to index
        %swap3A_827 = arith.constant 576 : index
        %swap3A_828 = tpu.vector_load %arg9[%swap3A_826, %swap3A_827] {strides = array<i32>} : memref<16x1024xf32, #tpu.memory_space<vmem>>, vector<1x16xf32>,
        %swap3A_829 = vector.shape_cast %swap3A_828 : vector<1x16xf32> to vector<16xf32>
        %swap3A_830 = vector.shape_cast %add3A_825 : vector<16xf32> to vector<1x16xf32>
        tpu.vector_store %arg9[%swap3A_826, %swap3A_827], %swap3A_830 {strides = array<i32>} : memref<16x1024xf32, #tpu.memory_space<vmem>>, vector<1x16xf32>,
        %get3A_831 = arith.index_cast %scan3A_126 : i32 to index
        %get3A_832 = arith.constant 592 : index
        %get3A_833 = tpu.vector_load %arg6[%get3A_831, %get3A_832] {strides = array<i32>} : memref<16x1024xf32, #tpu.memory_space<vmem>>, vector<1x16xf32>,
        %get3A_834 = vector.shape_cast %get3A_833 : vector<1x16xf32> to vector<16xf32>
        %get3A_835 = arith.index_cast %scan3A_126 : i32 to index
        %get3A_836 = arith.constant 592 : index
        %get3A_837 = tpu.vector_load %arg7[%get3A_835, %get3A_836] {strides = array<i32>} : memref<16x1024xf32, #tpu.memory_space<vmem>>, vector<1x16xf32>,
        %get3A_838 = vector.shape_cast %get3A_837 : vector<1x16xf32> to vector<16xf32>
        %add3A_839 = arith.addf %get3A_834, %get3A_838 : vector<16xf32>
        %get3A_840 = arith.index_cast %scan3A_126 : i32 to index
        %get3A_841 = arith.constant 592 : index
        %get3A_842 = tpu.vector_load %arg8[%get3A_840, %get3A_841] {strides = array<i32>} : memref<16x1024xf32, #tpu.memory_space<vmem>>, vector<1x16xf32>,
        %get3A_843 = vector.shape_cast %get3A_842 : vector<1x16xf32> to vector<16xf32>
        %add3A_844 = arith.addf %add3A_839, %get3A_843 : vector<16xf32>
        %swap3A_845 = arith.index_cast %scan3A_126 : i32 to index
        %swap3A_846 = arith.constant 592 : index
        %swap3A_847 = tpu.vector_load %arg9[%swap3A_845, %swap3A_846] {strides = array<i32>} : memref<16x1024xf32, #tpu.memory_space<vmem>>, vector<1x16xf32>,
        %swap3A_848 = vector.shape_cast %swap3A_847 : vector<1x16xf32> to vector<16xf32>
        %swap3A_849 = vector.shape_cast %add3A_844 : vector<16xf32> to vector<1x16xf32>
        tpu.vector_store %arg9[%swap3A_845, %swap3A_846], %swap3A_849 {strides = array<i32>} : memref<16x1024xf32, #tpu.memory_space<vmem>>, vector<1x16xf32>,
        %get3A_850 = arith.index_cast %scan3A_126 : i32 to index
        %get3A_851 = arith.constant 608 : index
        %get3A_852 = tpu.vector_load %arg6[%get3A_850, %get3A_851] {strides = array<i32>} : memref<16x1024xf32, #tpu.memory_space<vmem>>, vector<1x16xf32>,
        %get3A_853 = vector.shape_cast %get3A_852 : vector<1x16xf32> to vector<16xf32>
        %get3A_854 = arith.index_cast %scan3A_126 : i32 to index
        %get3A_855 = arith.constant 608 : index
        %get3A_856 = tpu.vector_load %arg7[%get3A_854, %get3A_855] {strides = array<i32>} : memref<16x1024xf32, #tpu.memory_space<vmem>>, vector<1x16xf32>,
        %get3A_857 = vector.shape_cast %get3A_856 : vector<1x16xf32> to vector<16xf32>
        %add3A_858 = arith.addf %get3A_853, %get3A_857 : vector<16xf32>
        %get3A_859 = arith.index_cast %scan3A_126 : i32 to index
        %get3A_860 = arith.constant 608 : index
        %get3A_861 = tpu.vector_load %arg8[%get3A_859, %get3A_860] {strides = array<i32>} : memref<16x1024xf32, #tpu.memory_space<vmem>>, vector<1x16xf32>,
        %get3A_862 = vector.shape_cast %get3A_861 : vector<1x16xf32> to vector<16xf32>
        %add3A_863 = arith.addf %add3A_858, %get3A_862 : vector<16xf32>
        %swap3A_864 = arith.index_cast %scan3A_126 : i32 to index
        %swap3A_865 = arith.constant 608 : index
        %swap3A_866 = tpu.vector_load %arg9[%swap3A_864, %swap3A_865] {strides = array<i32>} : memref<16x1024xf32, #tpu.memory_space<vmem>>, vector<1x16xf32>,
        %swap3A_867 = vector.shape_cast %swap3A_866 : vector<1x16xf32> to vector<16xf32>
        %swap3A_868 = vector.shape_cast %add3A_863 : vector<16xf32> to vector<1x16xf32>
        tpu.vector_store %arg9[%swap3A_864, %swap3A_865], %swap3A_868 {strides = array<i32>} : memref<16x1024xf32, #tpu.memory_space<vmem>>, vector<1x16xf32>,
        %get3A_869 = arith.index_cast %scan3A_126 : i32 to index
        %get3A_870 = arith.constant 624 : index
        %get3A_871 = tpu.vector_load %arg6[%get3A_869, %get3A_870] {strides = array<i32>} : memref<16x1024xf32, #tpu.memory_space<vmem>>, vector<1x16xf32>,
        %get3A_872 = vector.shape_cast %get3A_871 : vector<1x16xf32> to vector<16xf32>
        %get3A_873 = arith.index_cast %scan3A_126 : i32 to index
        %get3A_874 = arith.constant 624 : index
        %get3A_875 = tpu.vector_load %arg7[%get3A_873, %get3A_874] {strides = array<i32>} : memref<16x1024xf32, #tpu.memory_space<vmem>>, vector<1x16xf32>,
        %get3A_876 = vector.shape_cast %get3A_875 : vector<1x16xf32> to vector<16xf32>
        %add3A_877 = arith.addf %get3A_872, %get3A_876 : vector<16xf32>
        %get3A_878 = arith.index_cast %scan3A_126 : i32 to index
        %get3A_879 = arith.constant 624 : index
        %get3A_880 = tpu.vector_load %arg8[%get3A_878, %get3A_879] {strides = array<i32>} : memref<16x1024xf32, #tpu.memory_space<vmem>>, vector<1x16xf32>,
        %get3A_881 = vector.shape_cast %get3A_880 : vector<1x16xf32> to vector<16xf32>
        %add3A_882 = arith.addf %add3A_877, %get3A_881 : vector<16xf32>
        %swap3A_883 = arith.index_cast %scan3A_126 : i32 to index
        %swap3A_884 = arith.constant 624 : index
        %swap3A_885 = tpu.vector_load %arg9[%swap3A_883, %swap3A_884] {strides = array<i32>} : memref<16x1024xf32, #tpu.memory_space<vmem>>, vector<1x16xf32>,
        %swap3A_886 = vector.shape_cast %swap3A_885 : vector<1x16xf32> to vector<16xf32>
        %swap3A_887 = vector.shape_cast %add3A_882 : vector<16xf32> to vector<1x16xf32>
        tpu.vector_store %arg9[%swap3A_883, %swap3A_884], %swap3A_887 {strides = array<i32>} : memref<16x1024xf32, #tpu.memory_space<vmem>>, vector<1x16xf32>,
        %get3A_888 = arith.index_cast %scan3A_126 : i32 to index
        %get3A_889 = arith.constant 640 : index
        %get3A_890 = tpu.vector_load %arg6[%get3A_888, %get3A_889] {strides = array<i32>} : memref<16x1024xf32, #tpu.memory_space<vmem>>, vector<1x16xf32>,
        %get3A_891 = vector.shape_cast %get3A_890 : vector<1x16xf32> to vector<16xf32>
        %get3A_892 = arith.index_cast %scan3A_126 : i32 to index
        %get3A_893 = arith.constant 640 : index
        %get3A_894 = tpu.vector_load %arg7[%get3A_892, %get3A_893] {strides = array<i32>} : memref<16x1024xf32, #tpu.memory_space<vmem>>, vector<1x16xf32>,
        %get3A_895 = vector.shape_cast %get3A_894 : vector<1x16xf32> to vector<16xf32>
        %add3A_896 = arith.addf %get3A_891, %get3A_895 : vector<16xf32>
        %get3A_897 = arith.index_cast %scan3A_126 : i32 to index
        %get3A_898 = arith.constant 640 : index
        %get3A_899 = tpu.vector_load %arg8[%get3A_897, %get3A_898] {strides = array<i32>} : memref<16x1024xf32, #tpu.memory_space<vmem>>, vector<1x16xf32>,
        %get3A_900 = vector.shape_cast %get3A_899 : vector<1x16xf32> to vector<16xf32>
        %add3A_901 = arith.addf %add3A_896, %get3A_900 : vector<16xf32>
        %swap3A_902 = arith.index_cast %scan3A_126 : i32 to index
        %swap3A_903 = arith.constant 640 : index
        %swap3A_904 = tpu.vector_load %arg9[%swap3A_902, %swap3A_903] {strides = array<i32>} : memref<16x1024xf32, #tpu.memory_space<vmem>>, vector<1x16xf32>,
        %swap3A_905 = vector.shape_cast %swap3A_904 : vector<1x16xf32> to vector<16xf32>
        %swap3A_906 = vector.shape_cast %add3A_901 : vector<16xf32> to vector<1x16xf32>
        tpu.vector_store %arg9[%swap3A_902, %swap3A_903], %swap3A_906 {strides = array<i32>} : memref<16x1024xf32, #tpu.memory_space<vmem>>, vector<1x16xf32>,
        %get3A_907 = arith.index_cast %scan3A_126 : i32 to index
        %get3A_908 = arith.constant 656 : index
        %get3A_909 = tpu.vector_load %arg6[%get3A_907, %get3A_908] {strides = array<i32>} : memref<16x1024xf32, #tpu.memory_space<vmem>>, vector<1x16xf32>,
        %get3A_910 = vector.shape_cast %get3A_909 : vector<1x16xf32> to vector<16xf32>
        %get3A_911 = arith.index_cast %scan3A_126 : i32 to index
        %get3A_912 = arith.constant 656 : index
        %get3A_913 = tpu.vector_load %arg7[%get3A_911, %get3A_912] {strides = array<i32>} : memref<16x1024xf32, #tpu.memory_space<vmem>>, vector<1x16xf32>,
        %get3A_914 = vector.shape_cast %get3A_913 : vector<1x16xf32> to vector<16xf32>
        %add3A_915 = arith.addf %get3A_910, %get3A_914 : vector<16xf32>
        %get3A_916 = arith.index_cast %scan3A_126 : i32 to index
        %get3A_917 = arith.constant 656 : index
        %get3A_918 = tpu.vector_load %arg8[%get3A_916, %get3A_917] {strides = array<i32>} : memref<16x1024xf32, #tpu.memory_space<vmem>>, vector<1x16xf32>,
        %get3A_919 = vector.shape_cast %get3A_918 : vector<1x16xf32> to vector<16xf32>
        %add3A_920 = arith.addf %add3A_915, %get3A_919 : vector<16xf32>
        %swap3A_921 = arith.index_cast %scan3A_126 : i32 to index
        %swap3A_922 = arith.constant 656 : index
        %swap3A_923 = tpu.vector_load %arg9[%swap3A_921, %swap3A_922] {strides = array<i32>} : memref<16x1024xf32, #tpu.memory_space<vmem>>, vector<1x16xf32>,
        %swap3A_924 = vector.shape_cast %swap3A_923 : vector<1x16xf32> to vector<16xf32>
        %swap3A_925 = vector.shape_cast %add3A_920 : vector<16xf32> to vector<1x16xf32>
        tpu.vector_store %arg9[%swap3A_921, %swap3A_922], %swap3A_925 {strides = array<i32>} : memref<16x1024xf32, #tpu.memory_space<vmem>>, vector<1x16xf32>,
        %get3A_926 = arith.index_cast %scan3A_126 : i32 to index
        %get3A_927 = arith.constant 672 : index
        %get3A_928 = tpu.vector_load %arg6[%get3A_926, %get3A_927] {strides = array<i32>} : memref<16x1024xf32, #tpu.memory_space<vmem>>, vector<1x16xf32>,
        %get3A_929 = vector.shape_cast %get3A_928 : vector<1x16xf32> to vector<16xf32>
        %get3A_930 = arith.index_cast %scan3A_126 : i32 to index
        %get3A_931 = arith.constant 672 : index
        %get3A_932 = tpu.vector_load %arg7[%get3A_930, %get3A_931] {strides = array<i32>} : memref<16x1024xf32, #tpu.memory_space<vmem>>, vector<1x16xf32>,
        %get3A_933 = vector.shape_cast %get3A_932 : vector<1x16xf32> to vector<16xf32>
        %add3A_934 = arith.addf %get3A_929, %get3A_933 : vector<16xf32>
        %get3A_935 = arith.index_cast %scan3A_126 : i32 to index
        %get3A_936 = arith.constant 672 : index
        %get3A_937 = tpu.vector_load %arg8[%get3A_935, %get3A_936] {strides = array<i32>} : memref<16x1024xf32, #tpu.memory_space<vmem>>, vector<1x16xf32>,
        %get3A_938 = vector.shape_cast %get3A_937 : vector<1x16xf32> to vector<16xf32>
        %add3A_939 = arith.addf %add3A_934, %get3A_938 : vector<16xf32>
        %swap3A_940 = arith.index_cast %scan3A_126 : i32 to index
        %swap3A_941 = arith.constant 672 : index
        %swap3A_942 = tpu.vector_load %arg9[%swap3A_940, %swap3A_941] {strides = array<i32>} : memref<16x1024xf32, #tpu.memory_space<vmem>>, vector<1x16xf32>,
        %swap3A_943 = vector.shape_cast %swap3A_942 : vector<1x16xf32> to vector<16xf32>
        %swap3A_944 = vector.shape_cast %add3A_939 : vector<16xf32> to vector<1x16xf32>
        tpu.vector_store %arg9[%swap3A_940, %swap3A_941], %swap3A_944 {strides = array<i32>} : memref<16x1024xf32, #tpu.memory_space<vmem>>, vector<1x16xf32>,
        %get3A_945 = arith.index_cast %scan3A_126 : i32 to index
        %get3A_946 = arith.constant 688 : index
        %get3A_947 = tpu.vector_load %arg6[%get3A_945, %get3A_946] {strides = array<i32>} : memref<16x1024xf32, #tpu.memory_space<vmem>>, vector<1x16xf32>,
        %get3A_948 = vector.shape_cast %get3A_947 : vector<1x16xf32> to vector<16xf32>
        %get3A_949 = arith.index_cast %scan3A_126 : i32 to index
        %get3A_950 = arith.constant 688 : index
        %get3A_951 = tpu.vector_load %arg7[%get3A_949, %get3A_950] {strides = array<i32>} : memref<16x1024xf32, #tpu.memory_space<vmem>>, vector<1x16xf32>,
        %get3A_952 = vector.shape_cast %get3A_951 : vector<1x16xf32> to vector<16xf32>
        %add3A_953 = arith.addf %get3A_948, %get3A_952 : vector<16xf32>
        %get3A_954 = arith.index_cast %scan3A_126 : i32 to index
        %get3A_955 = arith.constant 688 : index
        %get3A_956 = tpu.vector_load %arg8[%get3A_954, %get3A_955] {strides = array<i32>} : memref<16x1024xf32, #tpu.memory_space<vmem>>, vector<1x16xf32>,
        %get3A_957 = vector.shape_cast %get3A_956 : vector<1x16xf32> to vector<16xf32>
        %add3A_958 = arith.addf %add3A_953, %get3A_957 : vector<16xf32>
        %swap3A_959 = arith.index_cast %scan3A_126 : i32 to index
        %swap3A_960 = arith.constant 688 : index
        %swap3A_961 = tpu.vector_load %arg9[%swap3A_959, %swap3A_960] {strides = array<i32>} : memref<16x1024xf32, #tpu.memory_space<vmem>>, vector<1x16xf32>,
        %swap3A_962 = vector.shape_cast %swap3A_961 : vector<1x16xf32> to vector<16xf32>
        %swap3A_963 = vector.shape_cast %add3A_958 : vector<16xf32> to vector<1x16xf32>
        tpu.vector_store %arg9[%swap3A_959, %swap3A_960], %swap3A_963 {strides = array<i32>} : memref<16x1024xf32, #tpu.memory_space<vmem>>, vector<1x16xf32>,
        %get3A_964 = arith.index_cast %scan3A_126 : i32 to index
        %get3A_965 = arith.constant 704 : index
        %get3A_966 = tpu.vector_load %arg6[%get3A_964, %get3A_965] {strides = array<i32>} : memref<16x1024xf32, #tpu.memory_space<vmem>>, vector<1x16xf32>,
        %get3A_967 = vector.shape_cast %get3A_966 : vector<1x16xf32> to vector<16xf32>
        %get3A_968 = arith.index_cast %scan3A_126 : i32 to index
        %get3A_969 = arith.constant 704 : index
        %get3A_970 = tpu.vector_load %arg7[%get3A_968, %get3A_969] {strides = array<i32>} : memref<16x1024xf32, #tpu.memory_space<vmem>>, vector<1x16xf32>,
        %get3A_971 = vector.shape_cast %get3A_970 : vector<1x16xf32> to vector<16xf32>
        %add3A_972 = arith.addf %get3A_967, %get3A_971 : vector<16xf32>
        %get3A_973 = arith.index_cast %scan3A_126 : i32 to index
        %get3A_974 = arith.constant 704 : index
        %get3A_975 = tpu.vector_load %arg8[%get3A_973, %get3A_974] {strides = array<i32>} : memref<16x1024xf32, #tpu.memory_space<vmem>>, vector<1x16xf32>,
        %get3A_976 = vector.shape_cast %get3A_975 : vector<1x16xf32> to vector<16xf32>
        %add3A_977 = arith.addf %add3A_972, %get3A_976 : vector<16xf32>
        %swap3A_978 = arith.index_cast %scan3A_126 : i32 to index
        %swap3A_979 = arith.constant 704 : index
        %swap3A_980 = tpu.vector_load %arg9[%swap3A_978, %swap3A_979] {strides = array<i32>} : memref<16x1024xf32, #tpu.memory_space<vmem>>, vector<1x16xf32>,
        %swap3A_981 = vector.shape_cast %swap3A_980 : vector<1x16xf32> to vector<16xf32>
        %swap3A_982 = vector.shape_cast %add3A_977 : vector<16xf32> to vector<1x16xf32>
        tpu.vector_store %arg9[%swap3A_978, %swap3A_979], %swap3A_982 {strides = array<i32>} : memref<16x1024xf32, #tpu.memory_space<vmem>>, vector<1x16xf32>,
        %get3A_983 = arith.index_cast %scan3A_126 : i32 to index
        %get3A_984 = arith.constant 720 : index
        %get3A_985 = tpu.vector_load %arg6[%get3A_983, %get3A_984] {strides = array<i32>} : memref<16x1024xf32, #tpu.memory_space<vmem>>, vector<1x16xf32>,
        %get3A_986 = vector.shape_cast %get3A_985 : vector<1x16xf32> to vector<16xf32>
        %get3A_987 = arith.index_cast %scan3A_126 : i32 to index
        %get3A_988 = arith.constant 720 : index
        %get3A_989 = tpu.vector_load %arg7[%get3A_987, %get3A_988] {strides = array<i32>} : memref<16x1024xf32, #tpu.memory_space<vmem>>, vector<1x16xf32>,
        %get3A_990 = vector.shape_cast %get3A_989 : vector<1x16xf32> to vector<16xf32>
        %add3A_991 = arith.addf %get3A_986, %get3A_990 : vector<16xf32>
        %get3A_992 = arith.index_cast %scan3A_126 : i32 to index
        %get3A_993 = arith.constant 720 : index
        %get3A_994 = tpu.vector_load %arg8[%get3A_992, %get3A_993] {strides = array<i32>} : memref<16x1024xf32, #tpu.memory_space<vmem>>, vector<1x16xf32>,
        %get3A_995 = vector.shape_cast %get3A_994 : vector<1x16xf32> to vector<16xf32>
        %add3A_996 = arith.addf %add3A_991, %get3A_995 : vector<16xf32>
        %swap3A_997 = arith.index_cast %scan3A_126 : i32 to index
        %swap3A_998 = arith.constant 720 : index
        %swap3A_999 = tpu.vector_load %arg9[%swap3A_997, %swap3A_998] {strides = array<i32>} : memref<16x1024xf32, #tpu.memory_space<vmem>>, vector<1x16xf32>,
        %swap3A_1000 = vector.shape_cast %swap3A_999 : vector<1x16xf32> to vector<16xf32>
        %swap3A_1001 = vector.shape_cast %add3A_996 : vector<16xf32> to vector<1x16xf32>
        tpu.vector_store %arg9[%swap3A_997, %swap3A_998], %swap3A_1001 {strides = array<i32>} : memref<16x1024xf32, #tpu.memory_space<vmem>>, vector<1x16xf32>,
        %get3A_1002 = arith.index_cast %scan3A_126 : i32 to index
        %get3A_1003 = arith.constant 736 : index
        %get3A_1004 = tpu.vector_load %arg6[%get3A_1002, %get3A_1003] {strides = array<i32>} : memref<16x1024xf32, #tpu.memory_space<vmem>>, vector<1x16xf32>,
        %get3A_1005 = vector.shape_cast %get3A_1004 : vector<1x16xf32> to vector<16xf32>
        %get3A_1006 = arith.index_cast %scan3A_126 : i32 to index
        %get3A_1007 = arith.constant 736 : index
        %get3A_1008 = tpu.vector_load %arg7[%get3A_1006, %get3A_1007] {strides = array<i32>} : memref<16x1024xf32, #tpu.memory_space<vmem>>, vector<1x16xf32>,
        %get3A_1009 = vector.shape_cast %get3A_1008 : vector<1x16xf32> to vector<16xf32>
        %add3A_1010 = arith.addf %get3A_1005, %get3A_1009 : vector<16xf32>
        %get3A_1011 = arith.index_cast %scan3A_126 : i32 to index
        %get3A_1012 = arith.constant 736 : index
        %get3A_1013 = tpu.vector_load %arg8[%get3A_1011, %get3A_1012] {strides = array<i32>} : memref<16x1024xf32, #tpu.memory_space<vmem>>, vector<1x16xf32>,
        %get3A_1014 = vector.shape_cast %get3A_1013 : vector<1x16xf32> to vector<16xf32>
        %add3A_1015 = arith.addf %add3A_1010, %get3A_1014 : vector<16xf32>
        %swap3A_1016 = arith.index_cast %scan3A_126 : i32 to index
        %swap3A_1017 = arith.constant 736 : index
        %swap3A_1018 = tpu.vector_load %arg9[%swap3A_1016, %swap3A_1017] {strides = array<i32>} : memref<16x1024xf32, #tpu.memory_space<vmem>>, vector<1x16xf32>,
        %swap3A_1019 = vector.shape_cast %swap3A_1018 : vector<1x16xf32> to vector<16xf32>
        %swap3A_1020 = vector.shape_cast %add3A_1015 : vector<16xf32> to vector<1x16xf32>
        tpu.vector_store %arg9[%swap3A_1016, %swap3A_1017], %swap3A_1020 {strides = array<i32>} : memref<16x1024xf32, #tpu.memory_space<vmem>>, vector<1x16xf32>,
        %get3A_1021 = arith.index_cast %scan3A_126 : i32 to index
        %get3A_1022 = arith.constant 752 : index
        %get3A_1023 = tpu.vector_load %arg6[%get3A_1021, %get3A_1022] {strides = array<i32>} : memref<16x1024xf32, #tpu.memory_space<vmem>>, vector<1x16xf32>,
        %get3A_1024 = vector.shape_cast %get3A_1023 : vector<1x16xf32> to vector<16xf32>
        %get3A_1025 = arith.index_cast %scan3A_126 : i32 to index
        %get3A_1026 = arith.constant 752 : index
        %get3A_1027 = tpu.vector_load %arg7[%get3A_1025, %get3A_1026] {strides = array<i32>} : memref<16x1024xf32, #tpu.memory_space<vmem>>, vector<1x16xf32>,
        %get3A_1028 = vector.shape_cast %get3A_1027 : vector<1x16xf32> to vector<16xf32>
        %add3A_1029 = arith.addf %get3A_1024, %get3A_1028 : vector<16xf32>
        %get3A_1030 = arith.index_cast %scan3A_126 : i32 to index
        %get3A_1031 = arith.constant 752 : index
        %get3A_1032 = tpu.vector_load %arg8[%get3A_1030, %get3A_1031] {strides = array<i32>} : memref<16x1024xf32, #tpu.memory_space<vmem>>, vector<1x16xf32>,
        %get3A_1033 = vector.shape_cast %get3A_1032 : vector<1x16xf32> to vector<16xf32>
        %add3A_1034 = arith.addf %add3A_1029, %get3A_1033 : vector<16xf32>
        %swap3A_1035 = arith.index_cast %scan3A_126 : i32 to index
        %swap3A_1036 = arith.constant 752 : index
        %swap3A_1037 = tpu.vector_load %arg9[%swap3A_1035, %swap3A_1036] {strides = array<i32>} : memref<16x1024xf32, #tpu.memory_space<vmem>>, vector<1x16xf32>,
        %swap3A_1038 = vector.shape_cast %swap3A_1037 : vector<1x16xf32> to vector<16xf32>
        %swap3A_1039 = vector.shape_cast %add3A_1034 : vector<16xf32> to vector<1x16xf32>
        tpu.vector_store %arg9[%swap3A_1035, %swap3A_1036], %swap3A_1039 {strides = array<i32>} : memref<16x1024xf32, #tpu.memory_space<vmem>>, vector<1x16xf32>,
        %get3A_1040 = arith.index_cast %scan3A_126 : i32 to index
        %get3A_1041 = arith.constant 768 : index
        %get3A_1042 = tpu.vector_load %arg6[%get3A_1040, %get3A_1041] {strides = array<i32>} : memref<16x1024xf32, #tpu.memory_space<vmem>>, vector<1x16xf32>,
        %get3A_1043 = vector.shape_cast %get3A_1042 : vector<1x16xf32> to vector<16xf32>
        %get3A_1044 = arith.index_cast %scan3A_126 : i32 to index
        %get3A_1045 = arith.constant 768 : index
        %get3A_1046 = tpu.vector_load %arg7[%get3A_1044, %get3A_1045] {strides = array<i32>} : memref<16x1024xf32, #tpu.memory_space<vmem>>, vector<1x16xf32>,
        %get3A_1047 = vector.shape_cast %get3A_1046 : vector<1x16xf32> to vector<16xf32>
        %add3A_1048 = arith.addf %get3A_1043, %get3A_1047 : vector<16xf32>
        %get3A_1049 = arith.index_cast %scan3A_126 : i32 to index
        %get3A_1050 = arith.constant 768 : index
        %get3A_1051 = tpu.vector_load %arg8[%get3A_1049, %get3A_1050] {strides = array<i32>} : memref<16x1024xf32, #tpu.memory_space<vmem>>, vector<1x16xf32>,
        %get3A_1052 = vector.shape_cast %get3A_1051 : vector<1x16xf32> to vector<16xf32>
        %add3A_1053 = arith.addf %add3A_1048, %get3A_1052 : vector<16xf32>
        %swap3A_1054 = arith.index_cast %scan3A_126 : i32 to index
        %swap3A_1055 = arith.constant 768 : index
        %swap3A_1056 = tpu.vector_load %arg9[%swap3A_1054, %swap3A_1055] {strides = array<i32>} : memref<16x1024xf32, #tpu.memory_space<vmem>>, vector<1x16xf32>,
        %swap3A_1057 = vector.shape_cast %swap3A_1056 : vector<1x16xf32> to vector<16xf32>
        %swap3A_1058 = vector.shape_cast %add3A_1053 : vector<16xf32> to vector<1x16xf32>
        tpu.vector_store %arg9[%swap3A_1054, %swap3A_1055], %swap3A_1058 {strides = array<i32>} : memref<16x1024xf32, #tpu.memory_space<vmem>>, vector<1x16xf32>,
        %get3A_1059 = arith.index_cast %scan3A_126 : i32 to index
        %get3A_1060 = arith.constant 784 : index
        %get3A_1061 = tpu.vector_load %arg6[%get3A_1059, %get3A_1060] {strides = array<i32>} : memref<16x1024xf32, #tpu.memory_space<vmem>>, vector<1x16xf32>,
        %get3A_1062 = vector.shape_cast %get3A_1061 : vector<1x16xf32> to vector<16xf32>
        %get3A_1063 = arith.index_cast %scan3A_126 : i32 to index
        %get3A_1064 = arith.constant 784 : index
        %get3A_1065 = tpu.vector_load %arg7[%get3A_1063, %get3A_1064] {strides = array<i32>} : memref<16x1024xf32, #tpu.memory_space<vmem>>, vector<1x16xf32>,
        %get3A_1066 = vector.shape_cast %get3A_1065 : vector<1x16xf32> to vector<16xf32>
        %add3A_1067 = arith.addf %get3A_1062, %get3A_1066 : vector<16xf32>
        %get3A_1068 = arith.index_cast %scan3A_126 : i32 to index
        %get3A_1069 = arith.constant 784 : index
        %get3A_1070 = tpu.vector_load %arg8[%get3A_1068, %get3A_1069] {strides = array<i32>} : memref<16x1024xf32, #tpu.memory_space<vmem>>, vector<1x16xf32>,
        %get3A_1071 = vector.shape_cast %get3A_1070 : vector<1x16xf32> to vector<16xf32>
        %add3A_1072 = arith.addf %add3A_1067, %get3A_1071 : vector<16xf32>
        %swap3A_1073 = arith.index_cast %scan3A_126 : i32 to index
        %swap3A_1074 = arith.constant 784 : index
        %swap3A_1075 = tpu.vector_load %arg9[%swap3A_1073, %swap3A_1074] {strides = array<i32>} : memref<16x1024xf32, #tpu.memory_space<vmem>>, vector<1x16xf32>,
        %swap3A_1076 = vector.shape_cast %swap3A_1075 : vector<1x16xf32> to vector<16xf32>
        %swap3A_1077 = vector.shape_cast %add3A_1072 : vector<16xf32> to vector<1x16xf32>
        tpu.vector_store %arg9[%swap3A_1073, %swap3A_1074], %swap3A_1077 {strides = array<i32>} : memref<16x1024xf32, #tpu.memory_space<vmem>>, vector<1x16xf32>,
        %get3A_1078 = arith.index_cast %scan3A_126 : i32 to index
        %get3A_1079 = arith.constant 800 : index
        %get3A_1080 = tpu.vector_load %arg6[%get3A_1078, %get3A_1079] {strides = array<i32>} : memref<16x1024xf32, #tpu.memory_space<vmem>>, vector<1x16xf32>,
        %get3A_1081 = vector.shape_cast %get3A_1080 : vector<1x16xf32> to vector<16xf32>
        %get3A_1082 = arith.index_cast %scan3A_126 : i32 to index
        %get3A_1083 = arith.constant 800 : index
        %get3A_1084 = tpu.vector_load %arg7[%get3A_1082, %get3A_1083] {strides = array<i32>} : memref<16x1024xf32, #tpu.memory_space<vmem>>, vector<1x16xf32>,
        %get3A_1085 = vector.shape_cast %get3A_1084 : vector<1x16xf32> to vector<16xf32>
        %add3A_1086 = arith.addf %get3A_1081, %get3A_1085 : vector<16xf32>
        %get3A_1087 = arith.index_cast %scan3A_126 : i32 to index
        %get3A_1088 = arith.constant 800 : index
        %get3A_1089 = tpu.vector_load %arg8[%get3A_1087, %get3A_1088] {strides = array<i32>} : memref<16x1024xf32, #tpu.memory_space<vmem>>, vector<1x16xf32>,
        %get3A_1090 = vector.shape_cast %get3A_1089 : vector<1x16xf32> to vector<16xf32>
        %add3A_1091 = arith.addf %add3A_1086, %get3A_1090 : vector<16xf32>
        %swap3A_1092 = arith.index_cast %scan3A_126 : i32 to index
        %swap3A_1093 = arith.constant 800 : index
        %swap3A_1094 = tpu.vector_load %arg9[%swap3A_1092, %swap3A_1093] {strides = array<i32>} : memref<16x1024xf32, #tpu.memory_space<vmem>>, vector<1x16xf32>,
        %swap3A_1095 = vector.shape_cast %swap3A_1094 : vector<1x16xf32> to vector<16xf32>
        %swap3A_1096 = vector.shape_cast %add3A_1091 : vector<16xf32> to vector<1x16xf32>
        tpu.vector_store %arg9[%swap3A_1092, %swap3A_1093], %swap3A_1096 {strides = array<i32>} : memref<16x1024xf32, #tpu.memory_space<vmem>>, vector<1x16xf32>,
        %get3A_1097 = arith.index_cast %scan3A_126 : i32 to index
        %get3A_1098 = arith.constant 816 : index
        %get3A_1099 = tpu.vector_load %arg6[%get3A_1097, %get3A_1098] {strides = array<i32>} : memref<16x1024xf32, #tpu.memory_space<vmem>>, vector<1x16xf32>,
        %get3A_1100 = vector.shape_cast %get3A_1099 : vector<1x16xf32> to vector<16xf32>
        %get3A_1101 = arith.index_cast %scan3A_126 : i32 to index
        %get3A_1102 = arith.constant 816 : index
        %get3A_1103 = tpu.vector_load %arg7[%get3A_1101, %get3A_1102] {strides = array<i32>} : memref<16x1024xf32, #tpu.memory_space<vmem>>, vector<1x16xf32>,
        %get3A_1104 = vector.shape_cast %get3A_1103 : vector<1x16xf32> to vector<16xf32>
        %add3A_1105 = arith.addf %get3A_1100, %get3A_1104 : vector<16xf32>
        %get3A_1106 = arith.index_cast %scan3A_126 : i32 to index
        %get3A_1107 = arith.constant 816 : index
        %get3A_1108 = tpu.vector_load %arg8[%get3A_1106, %get3A_1107] {strides = array<i32>} : memref<16x1024xf32, #tpu.memory_space<vmem>>, vector<1x16xf32>,
        %get3A_1109 = vector.shape_cast %get3A_1108 : vector<1x16xf32> to vector<16xf32>
        %add3A_1110 = arith.addf %add3A_1105, %get3A_1109 : vector<16xf32>
        %swap3A_1111 = arith.index_cast %scan3A_126 : i32 to index
        %swap3A_1112 = arith.constant 816 : index
        %swap3A_1113 = tpu.vector_load %arg9[%swap3A_1111, %swap3A_1112] {strides = array<i32>} : memref<16x1024xf32, #tpu.memory_space<vmem>>, vector<1x16xf32>,
        %swap3A_1114 = vector.shape_cast %swap3A_1113 : vector<1x16xf32> to vector<16xf32>
        %swap3A_1115 = vector.shape_cast %add3A_1110 : vector<16xf32> to vector<1x16xf32>
        tpu.vector_store %arg9[%swap3A_1111, %swap3A_1112], %swap3A_1115 {strides = array<i32>} : memref<16x1024xf32, #tpu.memory_space<vmem>>, vector<1x16xf32>,
        %get3A_1116 = arith.index_cast %scan3A_126 : i32 to index
        %get3A_1117 = arith.constant 832 : index
        %get3A_1118 = tpu.vector_load %arg6[%get3A_1116, %get3A_1117] {strides = array<i32>} : memref<16x1024xf32, #tpu.memory_space<vmem>>, vector<1x16xf32>,
        %get3A_1119 = vector.shape_cast %get3A_1118 : vector<1x16xf32> to vector<16xf32>
        %get3A_1120 = arith.index_cast %scan3A_126 : i32 to index
        %get3A_1121 = arith.constant 832 : index
        %get3A_1122 = tpu.vector_load %arg7[%get3A_1120, %get3A_1121] {strides = array<i32>} : memref<16x1024xf32, #tpu.memory_space<vmem>>, vector<1x16xf32>,
        %get3A_1123 = vector.shape_cast %get3A_1122 : vector<1x16xf32> to vector<16xf32>
        %add3A_1124 = arith.addf %get3A_1119, %get3A_1123 : vector<16xf32>
        %get3A_1125 = arith.index_cast %scan3A_126 : i32 to index
        %get3A_1126 = arith.constant 832 : index
        %get3A_1127 = tpu.vector_load %arg8[%get3A_1125, %get3A_1126] {strides = array<i32>} : memref<16x1024xf32, #tpu.memory_space<vmem>>, vector<1x16xf32>,
        %get3A_1128 = vector.shape_cast %get3A_1127 : vector<1x16xf32> to vector<16xf32>
        %add3A_1129 = arith.addf %add3A_1124, %get3A_1128 : vector<16xf32>
        %swap3A_1130 = arith.index_cast %scan3A_126 : i32 to index
        %swap3A_1131 = arith.constant 832 : index
        %swap3A_1132 = tpu.vector_load %arg9[%swap3A_1130, %swap3A_1131] {strides = array<i32>} : memref<16x1024xf32, #tpu.memory_space<vmem>>, vector<1x16xf32>,
        %swap3A_1133 = vector.shape_cast %swap3A_1132 : vector<1x16xf32> to vector<16xf32>
        %swap3A_1134 = vector.shape_cast %add3A_1129 : vector<16xf32> to vector<1x16xf32>
        tpu.vector_store %arg9[%swap3A_1130, %swap3A_1131], %swap3A_1134 {strides = array<i32>} : memref<16x1024xf32, #tpu.memory_space<vmem>>, vector<1x16xf32>,
        %get3A_1135 = arith.index_cast %scan3A_126 : i32 to index
        %get3A_1136 = arith.constant 848 : index
        %get3A_1137 = tpu.vector_load %arg6[%get3A_1135, %get3A_1136] {strides = array<i32>} : memref<16x1024xf32, #tpu.memory_space<vmem>>, vector<1x16xf32>,
        %get3A_1138 = vector.shape_cast %get3A_1137 : vector<1x16xf32> to vector<16xf32>
        %get3A_1139 = arith.index_cast %scan3A_126 : i32 to index
        %get3A_1140 = arith.constant 848 : index
        %get3A_1141 = tpu.vector_load %arg7[%get3A_1139, %get3A_1140] {strides = array<i32>} : memref<16x1024xf32, #tpu.memory_space<vmem>>, vector<1x16xf32>,
        %get3A_1142 = vector.shape_cast %get3A_1141 : vector<1x16xf32> to vector<16xf32>
        %add3A_1143 = arith.addf %get3A_1138, %get3A_1142 : vector<16xf32>
        %get3A_1144 = arith.index_cast %scan3A_126 : i32 to index
        %get3A_1145 = arith.constant 848 : index
        %get3A_1146 = tpu.vector_load %arg8[%get3A_1144, %get3A_1145] {strides = array<i32>} : memref<16x1024xf32, #tpu.memory_space<vmem>>, vector<1x16xf32>,
        %get3A_1147 = vector.shape_cast %get3A_1146 : vector<1x16xf32> to vector<16xf32>
        %add3A_1148 = arith.addf %add3A_1143, %get3A_1147 : vector<16xf32>
        %swap3A_1149 = arith.index_cast %scan3A_126 : i32 to index
        %swap3A_1150 = arith.constant 848 : index
        %swap3A_1151 = tpu.vector_load %arg9[%swap3A_1149, %swap3A_1150] {strides = array<i32>} : memref<16x1024xf32, #tpu.memory_space<vmem>>, vector<1x16xf32>,
        %swap3A_1152 = vector.shape_cast %swap3A_1151 : vector<1x16xf32> to vector<16xf32>
        %swap3A_1153 = vector.shape_cast %add3A_1148 : vector<16xf32> to vector<1x16xf32>
        tpu.vector_store %arg9[%swap3A_1149, %swap3A_1150], %swap3A_1153 {strides = array<i32>} : memref<16x1024xf32, #tpu.memory_space<vmem>>, vector<1x16xf32>,
        %get3A_1154 = arith.index_cast %scan3A_126 : i32 to index
        %get3A_1155 = arith.constant 864 : index
        %get3A_1156 = tpu.vector_load %arg6[%get3A_1154, %get3A_1155] {strides = array<i32>} : memref<16x1024xf32, #tpu.memory_space<vmem>>, vector<1x16xf32>,
        %get3A_1157 = vector.shape_cast %get3A_1156 : vector<1x16xf32> to vector<16xf32>
        %get3A_1158 = arith.index_cast %scan3A_126 : i32 to index
        %get3A_1159 = arith.constant 864 : index
        %get3A_1160 = tpu.vector_load %arg7[%get3A_1158, %get3A_1159] {strides = array<i32>} : memref<16x1024xf32, #tpu.memory_space<vmem>>, vector<1x16xf32>,
        %get3A_1161 = vector.shape_cast %get3A_1160 : vector<1x16xf32> to vector<16xf32>
        %add3A_1162 = arith.addf %get3A_1157, %get3A_1161 : vector<16xf32>
        %get3A_1163 = arith.index_cast %scan3A_126 : i32 to index
        %get3A_1164 = arith.constant 864 : index
        %get3A_1165 = tpu.vector_load %arg8[%get3A_1163, %get3A_1164] {strides = array<i32>} : memref<16x1024xf32, #tpu.memory_space<vmem>>, vector<1x16xf32>,
        %get3A_1166 = vector.shape_cast %get3A_1165 : vector<1x16xf32> to vector<16xf32>
        %add3A_1167 = arith.addf %add3A_1162, %get3A_1166 : vector<16xf32>
        %swap3A_1168 = arith.index_cast %scan3A_126 : i32 to index
        %swap3A_1169 = arith.constant 864 : index
        %swap3A_1170 = tpu.vector_load %arg9[%swap3A_1168, %swap3A_1169] {strides = array<i32>} : memref<16x1024xf32, #tpu.memory_space<vmem>>, vector<1x16xf32>,
        %swap3A_1171 = vector.shape_cast %swap3A_1170 : vector<1x16xf32> to vector<16xf32>
        %swap3A_1172 = vector.shape_cast %add3A_1167 : vector<16xf32> to vector<1x16xf32>
        tpu.vector_store %arg9[%swap3A_1168, %swap3A_1169], %swap3A_1172 {strides = array<i32>} : memref<16x1024xf32, #tpu.memory_space<vmem>>, vector<1x16xf32>,
        %get3A_1173 = arith.index_cast %scan3A_126 : i32 to index
        %get3A_1174 = arith.constant 880 : index
        %get3A_1175 = tpu.vector_load %arg6[%get3A_1173, %get3A_1174] {strides = array<i32>} : memref<16x1024xf32, #tpu.memory_space<vmem>>, vector<1x16xf32>,
        %get3A_1176 = vector.shape_cast %get3A_1175 : vector<1x16xf32> to vector<16xf32>
        %get3A_1177 = arith.index_cast %scan3A_126 : i32 to index
        %get3A_1178 = arith.constant 880 : index
        %get3A_1179 = tpu.vector_load %arg7[%get3A_1177, %get3A_1178] {strides = array<i32>} : memref<16x1024xf32, #tpu.memory_space<vmem>>, vector<1x16xf32>,
        %get3A_1180 = vector.shape_cast %get3A_1179 : vector<1x16xf32> to vector<16xf32>
        %add3A_1181 = arith.addf %get3A_1176, %get3A_1180 : vector<16xf32>
        %get3A_1182 = arith.index_cast %scan3A_126 : i32 to index
        %get3A_1183 = arith.constant 880 : index
        %get3A_1184 = tpu.vector_load %arg8[%get3A_1182, %get3A_1183] {strides = array<i32>} : memref<16x1024xf32, #tpu.memory_space<vmem>>, vector<1x16xf32>,
        %get3A_1185 = vector.shape_cast %get3A_1184 : vector<1x16xf32> to vector<16xf32>
        %add3A_1186 = arith.addf %add3A_1181, %get3A_1185 : vector<16xf32>
        %swap3A_1187 = arith.index_cast %scan3A_126 : i32 to index
        %swap3A_1188 = arith.constant 880 : index
        %swap3A_1189 = tpu.vector_load %arg9[%swap3A_1187, %swap3A_1188] {strides = array<i32>} : memref<16x1024xf32, #tpu.memory_space<vmem>>, vector<1x16xf32>,
        %swap3A_1190 = vector.shape_cast %swap3A_1189 : vector<1x16xf32> to vector<16xf32>
        %swap3A_1191 = vector.shape_cast %add3A_1186 : vector<16xf32> to vector<1x16xf32>
        tpu.vector_store %arg9[%swap3A_1187, %swap3A_1188], %swap3A_1191 {strides = array<i32>} : memref<16x1024xf32, #tpu.memory_space<vmem>>, vector<1x16xf32>,
        %get3A_1192 = arith.index_cast %scan3A_126 : i32 to index
        %get3A_1193 = arith.constant 896 : index
        %get3A_1194 = tpu.vector_load %arg6[%get3A_1192, %get3A_1193] {strides = array<i32>} : memref<16x1024xf32, #tpu.memory_space<vmem>>, vector<1x16xf32>,
        %get3A_1195 = vector.shape_cast %get3A_1194 : vector<1x16xf32> to vector<16xf32>
        %get3A_1196 = arith.index_cast %scan3A_126 : i32 to index
        %get3A_1197 = arith.constant 896 : index
        %get3A_1198 = tpu.vector_load %arg7[%get3A_1196, %get3A_1197] {strides = array<i32>} : memref<16x1024xf32, #tpu.memory_space<vmem>>, vector<1x16xf32>,
        %get3A_1199 = vector.shape_cast %get3A_1198 : vector<1x16xf32> to vector<16xf32>
        %add3A_1200 = arith.addf %get3A_1195, %get3A_1199 : vector<16xf32>
        %get3A_1201 = arith.index_cast %scan3A_126 : i32 to index
        %get3A_1202 = arith.constant 896 : index
        %get3A_1203 = tpu.vector_load %arg8[%get3A_1201, %get3A_1202] {strides = array<i32>} : memref<16x1024xf32, #tpu.memory_space<vmem>>, vector<1x16xf32>,
        %get3A_1204 = vector.shape_cast %get3A_1203 : vector<1x16xf32> to vector<16xf32>
        %add3A_1205 = arith.addf %add3A_1200, %get3A_1204 : vector<16xf32>
        %swap3A_1206 = arith.index_cast %scan3A_126 : i32 to index
        %swap3A_1207 = arith.constant 896 : index
        %swap3A_1208 = tpu.vector_load %arg9[%swap3A_1206, %swap3A_1207] {strides = array<i32>} : memref<16x1024xf32, #tpu.memory_space<vmem>>, vector<1x16xf32>,
        %swap3A_1209 = vector.shape_cast %swap3A_1208 : vector<1x16xf32> to vector<16xf32>
        %swap3A_1210 = vector.shape_cast %add3A_1205 : vector<16xf32> to vector<1x16xf32>
        tpu.vector_store %arg9[%swap3A_1206, %swap3A_1207], %swap3A_1210 {strides = array<i32>} : memref<16x1024xf32, #tpu.memory_space<vmem>>, vector<1x16xf32>,
        %get3A_1211 = arith.index_cast %scan3A_126 : i32 to index
        %get3A_1212 = arith.constant 912 : index
        %get3A_1213 = tpu.vector_load %arg6[%get3A_1211, %get3A_1212] {strides = array<i32>} : memref<16x1024xf32, #tpu.memory_space<vmem>>, vector<1x16xf32>,
        %get3A_1214 = vector.shape_cast %get3A_1213 : vector<1x16xf32> to vector<16xf32>
        %get3A_1215 = arith.index_cast %scan3A_126 : i32 to index
        %get3A_1216 = arith.constant 912 : index
        %get3A_1217 = tpu.vector_load %arg7[%get3A_1215, %get3A_1216] {strides = array<i32>} : memref<16x1024xf32, #tpu.memory_space<vmem>>, vector<1x16xf32>,
        %get3A_1218 = vector.shape_cast %get3A_1217 : vector<1x16xf32> to vector<16xf32>
        %add3A_1219 = arith.addf %get3A_1214, %get3A_1218 : vector<16xf32>
        %get3A_1220 = arith.index_cast %scan3A_126 : i32 to index
        %get3A_1221 = arith.constant 912 : index
        %get3A_1222 = tpu.vector_load %arg8[%get3A_1220, %get3A_1221] {strides = array<i32>} : memref<16x1024xf32, #tpu.memory_space<vmem>>, vector<1x16xf32>,
        %get3A_1223 = vector.shape_cast %get3A_1222 : vector<1x16xf32> to vector<16xf32>
        %add3A_1224 = arith.addf %add3A_1219, %get3A_1223 : vector<16xf32>
        %swap3A_1225 = arith.index_cast %scan3A_126 : i32 to index
        %swap3A_1226 = arith.constant 912 : index
        %swap3A_1227 = tpu.vector_load %arg9[%swap3A_1225, %swap3A_1226] {strides = array<i32>} : memref<16x1024xf32, #tpu.memory_space<vmem>>, vector<1x16xf32>,
        %swap3A_1228 = vector.shape_cast %swap3A_1227 : vector<1x16xf32> to vector<16xf32>
        %swap3A_1229 = vector.shape_cast %add3A_1224 : vector<16xf32> to vector<1x16xf32>
        tpu.vector_store %arg9[%swap3A_1225, %swap3A_1226], %swap3A_1229 {strides = array<i32>} : memref<16x1024xf32, #tpu.memory_space<vmem>>, vector<1x16xf32>,
        %get3A_1230 = arith.index_cast %scan3A_126 : i32 to index
        %get3A_1231 = arith.constant 928 : index
        %get3A_1232 = tpu.vector_load %arg6[%get3A_1230, %get3A_1231] {strides = array<i32>} : memref<16x1024xf32, #tpu.memory_space<vmem>>, vector<1x16xf32>,
        %get3A_1233 = vector.shape_cast %get3A_1232 : vector<1x16xf32> to vector<16xf32>
        %get3A_1234 = arith.index_cast %scan3A_126 : i32 to index
        %get3A_1235 = arith.constant 928 : index
        %get3A_1236 = tpu.vector_load %arg7[%get3A_1234, %get3A_1235] {strides = array<i32>} : memref<16x1024xf32, #tpu.memory_space<vmem>>, vector<1x16xf32>,
        %get3A_1237 = vector.shape_cast %get3A_1236 : vector<1x16xf32> to vector<16xf32>
        %add3A_1238 = arith.addf %get3A_1233, %get3A_1237 : vector<16xf32>
        %get3A_1239 = arith.index_cast %scan3A_126 : i32 to index
        %get3A_1240 = arith.constant 928 : index
        %get3A_1241 = tpu.vector_load %arg8[%get3A_1239, %get3A_1240] {strides = array<i32>} : memref<16x1024xf32, #tpu.memory_space<vmem>>, vector<1x16xf32>,
        %get3A_1242 = vector.shape_cast %get3A_1241 : vector<1x16xf32> to vector<16xf32>
        %add3A_1243 = arith.addf %add3A_1238, %get3A_1242 : vector<16xf32>
        %swap3A_1244 = arith.index_cast %scan3A_126 : i32 to index
        %swap3A_1245 = arith.constant 928 : index
        %swap3A_1246 = tpu.vector_load %arg9[%swap3A_1244, %swap3A_1245] {strides = array<i32>} : memref<16x1024xf32, #tpu.memory_space<vmem>>, vector<1x16xf32>,
        %swap3A_1247 = vector.shape_cast %swap3A_1246 : vector<1x16xf32> to vector<16xf32>
        %swap3A_1248 = vector.shape_cast %add3A_1243 : vector<16xf32> to vector<1x16xf32>
        tpu.vector_store %arg9[%swap3A_1244, %swap3A_1245], %swap3A_1248 {strides = array<i32>} : memref<16x1024xf32, #tpu.memory_space<vmem>>, vector<1x16xf32>,
        %get3A_1249 = arith.index_cast %scan3A_126 : i32 to index
        %get3A_1250 = arith.constant 944 : index
        %get3A_1251 = tpu.vector_load %arg6[%get3A_1249, %get3A_1250] {strides = array<i32>} : memref<16x1024xf32, #tpu.memory_space<vmem>>, vector<1x16xf32>,
        %get3A_1252 = vector.shape_cast %get3A_1251 : vector<1x16xf32> to vector<16xf32>
        %get3A_1253 = arith.index_cast %scan3A_126 : i32 to index
        %get3A_1254 = arith.constant 944 : index
        %get3A_1255 = tpu.vector_load %arg7[%get3A_1253, %get3A_1254] {strides = array<i32>} : memref<16x1024xf32, #tpu.memory_space<vmem>>, vector<1x16xf32>,
        %get3A_1256 = vector.shape_cast %get3A_1255 : vector<1x16xf32> to vector<16xf32>
        %add3A_1257 = arith.addf %get3A_1252, %get3A_1256 : vector<16xf32>
        %get3A_1258 = arith.index_cast %scan3A_126 : i32 to index
        %get3A_1259 = arith.constant 944 : index
        %get3A_1260 = tpu.vector_load %arg8[%get3A_1258, %get3A_1259] {strides = array<i32>} : memref<16x1024xf32, #tpu.memory_space<vmem>>, vector<1x16xf32>,
        %get3A_1261 = vector.shape_cast %get3A_1260 : vector<1x16xf32> to vector<16xf32>
        %add3A_1262 = arith.addf %add3A_1257, %get3A_1261 : vector<16xf32>
        %swap3A_1263 = arith.index_cast %scan3A_126 : i32 to index
        %swap3A_1264 = arith.constant 944 : index
        %swap3A_1265 = tpu.vector_load %arg9[%swap3A_1263, %swap3A_1264] {strides = array<i32>} : memref<16x1024xf32, #tpu.memory_space<vmem>>, vector<1x16xf32>,
        %swap3A_1266 = vector.shape_cast %swap3A_1265 : vector<1x16xf32> to vector<16xf32>
        %swap3A_1267 = vector.shape_cast %add3A_1262 : vector<16xf32> to vector<1x16xf32>
        tpu.vector_store %arg9[%swap3A_1263, %swap3A_1264], %swap3A_1267 {strides = array<i32>} : memref<16x1024xf32, #tpu.memory_space<vmem>>, vector<1x16xf32>,
        %get3A_1268 = arith.index_cast %scan3A_126 : i32 to index
        %get3A_1269 = arith.constant 960 : index
        %get3A_1270 = tpu.vector_load %arg6[%get3A_1268, %get3A_1269] {strides = array<i32>} : memref<16x1024xf32, #tpu.memory_space<vmem>>, vector<1x16xf32>,
        %get3A_1271 = vector.shape_cast %get3A_1270 : vector<1x16xf32> to vector<16xf32>
        %get3A_1272 = arith.index_cast %scan3A_126 : i32 to index
        %get3A_1273 = arith.constant 960 : index
        %get3A_1274 = tpu.vector_load %arg7[%get3A_1272, %get3A_1273] {strides = array<i32>} : memref<16x1024xf32, #tpu.memory_space<vmem>>, vector<1x16xf32>,
        %get3A_1275 = vector.shape_cast %get3A_1274 : vector<1x16xf32> to vector<16xf32>
        %add3A_1276 = arith.addf %get3A_1271, %get3A_1275 : vector<16xf32>
        %get3A_1277 = arith.index_cast %scan3A_126 : i32 to index
        %get3A_1278 = arith.constant 960 : index
        %get3A_1279 = tpu.vector_load %arg8[%get3A_1277, %get3A_1278] {strides = array<i32>} : memref<16x1024xf32, #tpu.memory_space<vmem>>, vector<1x16xf32>,
        %get3A_1280 = vector.shape_cast %get3A_1279 : vector<1x16xf32> to vector<16xf32>
        %add3A_1281 = arith.addf %add3A_1276, %get3A_1280 : vector<16xf32>
        %swap3A_1282 = arith.index_cast %scan3A_126 : i32 to index
        %swap3A_1283 = arith.constant 960 : index
        %swap3A_1284 = tpu.vector_load %arg9[%swap3A_1282, %swap3A_1283] {strides = array<i32>} : memref<16x1024xf32, #tpu.memory_space<vmem>>, vector<1x16xf32>,
        %swap3A_1285 = vector.shape_cast %swap3A_1284 : vector<1x16xf32> to vector<16xf32>
        %swap3A_1286 = vector.shape_cast %add3A_1281 : vector<16xf32> to vector<1x16xf32>
        tpu.vector_store %arg9[%swap3A_1282, %swap3A_1283], %swap3A_1286 {strides = array<i32>} : memref<16x1024xf32, #tpu.memory_space<vmem>>, vector<1x16xf32>,
        %get3A_1287 = arith.index_cast %scan3A_126 : i32 to index
        %get3A_1288 = arith.constant 976 : index
        %get3A_1289 = tpu.vector_load %arg6[%get3A_1287, %get3A_1288] {strides = array<i32>} : memref<16x1024xf32, #tpu.memory_space<vmem>>, vector<1x16xf32>,
        %get3A_1290 = vector.shape_cast %get3A_1289 : vector<1x16xf32> to vector<16xf32>
        %get3A_1291 = arith.index_cast %scan3A_126 : i32 to index
        %get3A_1292 = arith.constant 976 : index
        %get3A_1293 = tpu.vector_load %arg7[%get3A_1291, %get3A_1292] {strides = array<i32>} : memref<16x1024xf32, #tpu.memory_space<vmem>>, vector<1x16xf32>,
        %get3A_1294 = vector.shape_cast %get3A_1293 : vector<1x16xf32> to vector<16xf32>
        %add3A_1295 = arith.addf %get3A_1290, %get3A_1294 : vector<16xf32>
        %get3A_1296 = arith.index_cast %scan3A_126 : i32 to index
        %get3A_1297 = arith.constant 976 : index
        %get3A_1298 = tpu.vector_load %arg8[%get3A_1296, %get3A_1297] {strides = array<i32>} : memref<16x1024xf32, #tpu.memory_space<vmem>>, vector<1x16xf32>,
        %get3A_1299 = vector.shape_cast %get3A_1298 : vector<1x16xf32> to vector<16xf32>
        %add3A_1300 = arith.addf %add3A_1295, %get3A_1299 : vector<16xf32>
        %swap3A_1301 = arith.index_cast %scan3A_126 : i32 to index
        %swap3A_1302 = arith.constant 976 : index
        %swap3A_1303 = tpu.vector_load %arg9[%swap3A_1301, %swap3A_1302] {strides = array<i32>} : memref<16x1024xf32, #tpu.memory_space<vmem>>, vector<1x16xf32>,
        %swap3A_1304 = vector.shape_cast %swap3A_1303 : vector<1x16xf32> to vector<16xf32>
        %swap3A_1305 = vector.shape_cast %add3A_1300 : vector<16xf32> to vector<1x16xf32>
        tpu.vector_store %arg9[%swap3A_1301, %swap3A_1302], %swap3A_1305 {strides = array<i32>} : memref<16x1024xf32, #tpu.memory_space<vmem>>, vector<1x16xf32>,
        %get3A_1306 = arith.index_cast %scan3A_126 : i32 to index
        %get3A_1307 = arith.constant 992 : index
        %get3A_1308 = tpu.vector_load %arg6[%get3A_1306, %get3A_1307] {strides = array<i32>} : memref<16x1024xf32, #tpu.memory_space<vmem>>, vector<1x16xf32>,
        %get3A_1309 = vector.shape_cast %get3A_1308 : vector<1x16xf32> to vector<16xf32>
        %get3A_1310 = arith.index_cast %scan3A_126 : i32 to index
        %get3A_1311 = arith.constant 992 : index
        %get3A_1312 = tpu.vector_load %arg7[%get3A_1310, %get3A_1311] {strides = array<i32>} : memref<16x1024xf32, #tpu.memory_space<vmem>>, vector<1x16xf32>,
        %get3A_1313 = vector.shape_cast %get3A_1312 : vector<1x16xf32> to vector<16xf32>
        %add3A_1314 = arith.addf %get3A_1309, %get3A_1313 : vector<16xf32>
        %get3A_1315 = arith.index_cast %scan3A_126 : i32 to index
        %get3A_1316 = arith.constant 992 : index
        %get3A_1317 = tpu.vector_load %arg8[%get3A_1315, %get3A_1316] {strides = array<i32>} : memref<16x1024xf32, #tpu.memory_space<vmem>>, vector<1x16xf32>,
        %get3A_1318 = vector.shape_cast %get3A_1317 : vector<1x16xf32> to vector<16xf32>
        %add3A_1319 = arith.addf %add3A_1314, %get3A_1318 : vector<16xf32>
        %swap3A_1320 = arith.index_cast %scan3A_126 : i32 to index
        %swap3A_1321 = arith.constant 992 : index
        %swap3A_1322 = tpu.vector_load %arg9[%swap3A_1320, %swap3A_1321] {strides = array<i32>} : memref<16x1024xf32, #tpu.memory_space<vmem>>, vector<1x16xf32>,
        %swap3A_1323 = vector.shape_cast %swap3A_1322 : vector<1x16xf32> to vector<16xf32>
        %swap3A_1324 = vector.shape_cast %add3A_1319 : vector<16xf32> to vector<1x16xf32>
        tpu.vector_store %arg9[%swap3A_1320, %swap3A_1321], %swap3A_1324 {strides = array<i32>} : memref<16x1024xf32, #tpu.memory_space<vmem>>, vector<1x16xf32>,
        %get3A_1325 = arith.index_cast %scan3A_126 : i32 to index
        %get3A_1326 = arith.constant 1008 : index
        %get3A_1327 = tpu.vector_load %arg6[%get3A_1325, %get3A_1326] {strides = array<i32>} : memref<16x1024xf32, #tpu.memory_space<vmem>>, vector<1x16xf32>,
        %get3A_1328 = vector.shape_cast %get3A_1327 : vector<1x16xf32> to vector<16xf32>
        %get3A_1329 = arith.index_cast %scan3A_126 : i32 to index
        %get3A_1330 = arith.constant 1008 : index
        %get3A_1331 = tpu.vector_load %arg7[%get3A_1329, %get3A_1330] {strides = array<i32>} : memref<16x1024xf32, #tpu.memory_space<vmem>>, vector<1x16xf32>,
        %get3A_1332 = vector.shape_cast %get3A_1331 : vector<1x16xf32> to vector<16xf32>
        %add3A_1333 = arith.addf %get3A_1328, %get3A_1332 : vector<16xf32>
        %get3A_1334 = arith.index_cast %scan3A_126 : i32 to index
        %get3A_1335 = arith.constant 1008 : index
        %get3A_1336 = tpu.vector_load %arg8[%get3A_1334, %get3A_1335] {strides = array<i32>} : memref<16x1024xf32, #tpu.memory_space<vmem>>, vector<1x16xf32>,
        %get3A_1337 = vector.shape_cast %get3A_1336 : vector<1x16xf32> to vector<16xf32>
        %add3A_1338 = arith.addf %add3A_1333, %get3A_1337 : vector<16xf32>
        %swap3A_1339 = arith.index_cast %scan3A_126 : i32 to index
        %swap3A_1340 = arith.constant 1008 : index
        %swap3A_1341 = tpu.vector_load %arg9[%swap3A_1339, %swap3A_1340] {strides = array<i32>} : memref<16x1024xf32, #tpu.memory_space<vmem>>, vector<1x16xf32>,
        %swap3A_1342 = vector.shape_cast %swap3A_1341 : vector<1x16xf32> to vector<16xf32>
        %swap3A_1343 = vector.shape_cast %add3A_1338 : vector<16xf32> to vector<1x16xf32>
        tpu.vector_store %arg9[%swap3A_1339, %swap3A_1340], %swap3A_1343 {strides = array<i32>} : memref<16x1024xf32, #tpu.memory_space<vmem>>, vector<1x16xf32>,
        %scan3A_1344 = arith.constant 0 : i32
        scf.yield %scan3A_1344 : i32
      }
      %scan3A_124 = arith.constant 16 : i32
      "tpu.region"() ({
        %run_scoped3A_126 = tpu.sem_alloc : memref<!tpu.dma_semaphore, #tpu.memory_space<semaphore_mem>>
        %dma_start3A_127 = arith.constant 0 : i32
        %dma_start3A_128 = tpu.memref_slice %arg5[%add3A_93, %dma_start3A_127] : memref<2048x1024xf32, #tpu.memory_space<hbm>> -> memref<16x1024xf32, #tpu.memory_space<hbm>>
        %dma_start3A_129 = arith.constant 0 : i32
        %dma_start3A_130 = tpu.memref_slice %arg5[%add3A_93, %dma_start3A_129] : memref<2048x1024xf32, #tpu.memory_space<hbm>> -> memref<16x1024xf32, #tpu.memory_space<hbm>>
        tpu.enqueue_dma source(%arg9 : memref<16x1024xf32, #tpu.memory_space<vmem>>) target(%dma_start3A_130 : memref<16x1024xf32, #tpu.memory_space<hbm>>) target_semaphore(%run_scoped3A_126 : memref<!tpu.dma_semaphore, #tpu.memory_space<semaphore_mem>>)
        %dma_wait3A_131 = arith.constant 0 : i32
        %dma_wait3A_132 = tpu.memref_slice %arg5[%add3A_93, %dma_wait3A_131] : memref<2048x1024xf32, #tpu.memory_space<hbm>> -> memref<16x1024xf32, #tpu.memory_space<hbm>>
        %dma_wait3A_133 = arith.constant 0 : i32
        %dma_wait3A_134 = tpu.memref_slice %arg5[%add3A_93, %dma_wait3A_133] : memref<2048x1024xf32, #tpu.memory_space<hbm>> -> memref<16x1024xf32, #tpu.memory_space<hbm>>
        tpu.wait_dma2 semaphore(%run_scoped3A_126 : memref<!tpu.dma_semaphore, #tpu.memory_space<semaphore_mem>>) src(%arg9 : memref<16x1024xf32, #tpu.memory_space<vmem>>) dst(%dma_wait3A_134 : memref<16x1024xf32, #tpu.memory_space<hbm>>)
        tpu.yield
      }) : () -> ()
      %scan3A_125 = arith.constant 0 : i32
      scf.yield %scan3A_125 : i32
    }
    %scan3A_88 = arith.constant 4 : i32
    return
  }
}

module attributes {stable_mosaic.version = 14 : i64} {
  func.func @_router_shared_body(%arg0: i32, %arg1: memref<2048x1024xf32, #tpu.memory_space<vmem>>, %arg2: memref<1024x8xf32, #tpu.memory_space<vmem>>, %arg3: memref<1x8xf32, #tpu.memory_space<vmem>>, %arg4: memref<1024x2048xf32, #tpu.memory_space<vmem>>, %arg5: memref<1024x1024xf32, #tpu.memory_space<vmem>>, %arg6: memref<8x2048xf32, #tpu.memory_space<vmem>>, %arg7: memref<8x128xi32, #tpu.memory_space<vmem>>, %arg8: memref<2048x1024xf32, #tpu.memory_space<vmem>>) attributes {dimension_semantics = [#tpu.dimension_semantics<arbitrary>], iteration_bounds = array<i64: 2>, scalar_prefetch = 0 : i64, scratch_operands = 0 : i64, tpu.core_type = #tpu.core_type<tc>, window_params = [{pipeline_mode = #tpu.pipeline_mode<synchronous>, transform_indices = @transform_0, window_bounds = array<i64: 2048, 1024>}, {pipeline_mode = #tpu.pipeline_mode<synchronous>, transform_indices = @transform_1, window_bounds = array<i64: 1024, 8>}, {pipeline_mode = #tpu.pipeline_mode<synchronous>, transform_indices = @transform_2, window_bounds = array<i64: 1, 8>}, {pipeline_mode = #tpu.pipeline_mode<synchronous>, transform_indices = @transform_3, window_bounds = array<i64: 1024, 2048>}, {pipeline_mode = #tpu.pipeline_mode<synchronous>, transform_indices = @transform_4, window_bounds = array<i64: 1024, 1024>}, {pipeline_mode = #tpu.pipeline_mode<synchronous>, transform_indices = @transform_5, window_bounds = array<i64: 8, 2048>}, {pipeline_mode = #tpu.pipeline_mode<synchronous>, transform_indices = @transform_6, window_bounds = array<i64: 8, 128>}, {pipeline_mode = #tpu.pipeline_mode<synchronous>, transform_indices = @transform_7, window_bounds = array<i64: 2048, 1024>}]} {
    %eq3A = arith.constant 1 : i32
    %eq3A_0 = arith.cmpi eq, %arg0, %eq3A : i32
    %convert_element_type3A = arith.extui %eq3A_0 : i1 to i32
    %cond3A = arith.constant 0 : i32
    %cond3A_1 = arith.cmpi ne, %convert_element_type3A, %cond3A : i32
    scf.if %cond3A_1 {
      %get3A = arith.constant 0 : index
      %get3A_7 = arith.constant 0 : index
      %get3A_8 = vector.load %arg1[%get3A, %get3A_7] : memref<2048x1024xf32, #tpu.memory_space<vmem>>, vector<2048x1024xf32>
      %get3A_9 = arith.constant 0 : index
      %get3A_10 = arith.constant 0 : index
      %get3A_11 = vector.load %arg4[%get3A_9, %get3A_10] : memref<1024x2048xf32, #tpu.memory_space<vmem>>, vector<1024x512xf32>
      %dot_general3A = arith.constant dense<0.000000e+00> : vector<2048x512xf32>
      %dot_general3A_12 = tpu.matmul %get3A_8, %get3A_11, %dot_general3A {dimension_numbers = #tpu.dot_dimension_numbers<[1], [0], [0], [1], [0, 0, 1, 1], [], []>, transpose_lhs_hint = false} : vector<2048x1024xf32>, vector<1024x512xf32>, vector<2048x512xf32> -> vector<2048x512xf32>
      %get3A_13 = arith.constant 0 : index
      %get3A_14 = arith.constant 1024 : index
      %get3A_15 = vector.load %arg4[%get3A_13, %get3A_14] : memref<1024x2048xf32, #tpu.memory_space<vmem>>, vector<1024x512xf32>
      %dot_general3A_16 = arith.constant dense<0.000000e+00> : vector<2048x512xf32>
      %dot_general3A_17 = tpu.matmul %get3A_8, %get3A_15, %dot_general3A_16 {dimension_numbers = #tpu.dot_dimension_numbers<[1], [0], [0], [1], [0, 0, 1, 1], [], []>, transpose_lhs_hint = false} : vector<2048x1024xf32>, vector<1024x512xf32>, vector<2048x512xf32> -> vector<2048x512xf32>
      %logistic3A = arith.negf %dot_general3A_12 : vector<2048x512xf32>
      %logistic3A_18 = math.exp %logistic3A : vector<2048x512xf32>
      %logistic3A_19 = arith.constant 1.000000e+00 : f32
      %logistic3A_20 = vector.broadcast %logistic3A_19 : f32 to vector<2048x512xf32>
      %logistic3A_21 = arith.addf %logistic3A_20, %logistic3A_18 : vector<2048x512xf32>
      %logistic3A_22 = arith.divf %logistic3A_20, %logistic3A_21 : vector<2048x512xf32>
      %mul3A = arith.mulf %dot_general3A_12, %logistic3A_22 : vector<2048x512xf32>
      %mul3A_23 = arith.mulf %mul3A, %dot_general3A_17 : vector<2048x512xf32>
      %get3A_24 = arith.constant 0 : index
      %get3A_25 = arith.constant 0 : index
      %get3A_26 = vector.load %arg5[%get3A_24, %get3A_25] : memref<1024x1024xf32, #tpu.memory_space<vmem>>, vector<512x1024xf32>
      %dot_general3A_27 = arith.constant dense<0.000000e+00> : vector<2048x1024xf32>
      %dot_general3A_28 = tpu.matmul %mul3A_23, %get3A_26, %dot_general3A_27 {dimension_numbers = #tpu.dot_dimension_numbers<[1], [0], [0], [1], [0, 0, 1, 1], [], []>, transpose_lhs_hint = false} : vector<2048x512xf32>, vector<512x1024xf32>, vector<2048x1024xf32> -> vector<2048x1024xf32>
      %swap3A = arith.constant 0 : index
      %swap3A_29 = arith.constant 0 : index
      %swap3A_30 = vector.load %arg8[%swap3A, %swap3A_29] : memref<2048x1024xf32, #tpu.memory_space<vmem>>, vector<2048x1024xf32>
      tpu.vector_store %arg8[%swap3A, %swap3A_29], %dot_general3A_28 {strides = array<i32>} : memref<2048x1024xf32, #tpu.memory_space<vmem>>, vector<2048x1024xf32>,
      %get3A_31 = arith.constant 0 : index
      %get3A_32 = arith.constant 512 : index
      %get3A_33 = vector.load %arg4[%get3A_31, %get3A_32] : memref<1024x2048xf32, #tpu.memory_space<vmem>>, vector<1024x512xf32>
      %dot_general3A_34 = arith.constant dense<0.000000e+00> : vector<2048x512xf32>
      %dot_general3A_35 = tpu.matmul %get3A_8, %get3A_33, %dot_general3A_34 {dimension_numbers = #tpu.dot_dimension_numbers<[1], [0], [0], [1], [0, 0, 1, 1], [], []>, transpose_lhs_hint = false} : vector<2048x1024xf32>, vector<1024x512xf32>, vector<2048x512xf32> -> vector<2048x512xf32>
      %get3A_36 = arith.constant 0 : index
      %get3A_37 = arith.constant 1536 : index
      %get3A_38 = vector.load %arg4[%get3A_36, %get3A_37] : memref<1024x2048xf32, #tpu.memory_space<vmem>>, vector<1024x512xf32>
      %dot_general3A_39 = arith.constant dense<0.000000e+00> : vector<2048x512xf32>
      %dot_general3A_40 = tpu.matmul %get3A_8, %get3A_38, %dot_general3A_39 {dimension_numbers = #tpu.dot_dimension_numbers<[1], [0], [0], [1], [0, 0, 1, 1], [], []>, transpose_lhs_hint = false} : vector<2048x1024xf32>, vector<1024x512xf32>, vector<2048x512xf32> -> vector<2048x512xf32>
      %logistic3A_41 = arith.negf %dot_general3A_35 : vector<2048x512xf32>
      %logistic3A_42 = math.exp %logistic3A_41 : vector<2048x512xf32>
      %logistic3A_43 = arith.constant 1.000000e+00 : f32
      %logistic3A_44 = vector.broadcast %logistic3A_43 : f32 to vector<2048x512xf32>
      %logistic3A_45 = arith.addf %logistic3A_44, %logistic3A_42 : vector<2048x512xf32>
      %logistic3A_46 = arith.divf %logistic3A_44, %logistic3A_45 : vector<2048x512xf32>
      %mul3A_47 = arith.mulf %dot_general3A_35, %logistic3A_46 : vector<2048x512xf32>
      %mul3A_48 = arith.mulf %mul3A_47, %dot_general3A_40 : vector<2048x512xf32>
      %get3A_49 = arith.constant 512 : index
      %get3A_50 = arith.constant 0 : index
      %get3A_51 = vector.load %arg5[%get3A_49, %get3A_50] : memref<1024x1024xf32, #tpu.memory_space<vmem>>, vector<512x1024xf32>
      %dot_general3A_52 = arith.constant dense<0.000000e+00> : vector<2048x1024xf32>
      %dot_general3A_53 = tpu.matmul %mul3A_48, %get3A_51, %dot_general3A_52 {dimension_numbers = #tpu.dot_dimension_numbers<[1], [0], [0], [1], [0, 0, 1, 1], [], []>, transpose_lhs_hint = false} : vector<2048x512xf32>, vector<512x1024xf32>, vector<2048x1024xf32> -> vector<2048x1024xf32>
      %get3A_54 = arith.constant 0 : index
      %get3A_55 = arith.constant 0 : index
      %get3A_56 = vector.load %arg8[%get3A_54, %get3A_55] : memref<2048x1024xf32, #tpu.memory_space<vmem>>, vector<2048x1024xf32>
      %add3A = arith.addf %get3A_56, %dot_general3A_53 : vector<2048x1024xf32>
      %swap3A_57 = arith.constant 0 : index
      %swap3A_58 = arith.constant 0 : index
      %swap3A_59 = vector.load %arg8[%swap3A_57, %swap3A_58] : memref<2048x1024xf32, #tpu.memory_space<vmem>>, vector<2048x1024xf32>
      tpu.vector_store %arg8[%swap3A_57, %swap3A_58], %add3A {strides = array<i32>} : memref<2048x1024xf32, #tpu.memory_space<vmem>>, vector<2048x1024xf32>,
    } else {
    }
    %eq3A_2 = arith.constant 0 : i32
    %eq3A_3 = arith.cmpi eq, %arg0, %eq3A_2 : i32
    %convert_element_type3A_4 = arith.extui %eq3A_3 : i1 to i32
    %cond3A_5 = arith.constant 0 : i32
    %cond3A_6 = arith.cmpi ne, %convert_element_type3A_4, %cond3A_5 : i32
    scf.if %cond3A_6 {
      %get3A = arith.constant 0 : index
      %get3A_7 = arith.constant 0 : index
      %get3A_8 = vector.load %arg1[%get3A, %get3A_7] : memref<2048x1024xf32, #tpu.memory_space<vmem>>, vector<2048x1024xf32>
      %get3A_9 = arith.constant 0 : index
      %get3A_10 = arith.constant 0 : index
      %get3A_11 = vector.load %arg2[%get3A_9, %get3A_10] : memref<1024x8xf32, #tpu.memory_space<vmem>>, vector<1024x8xf32>
      %dot_general3A = arith.constant dense<0.000000e+00> : vector<2048x8xf32>
      %dot_general3A_12 = tpu.matmul %get3A_8, %get3A_11, %dot_general3A {dimension_numbers = #tpu.dot_dimension_numbers<[1], [0], [0], [1], [0, 0, 1, 1], [], []>, transpose_lhs_hint = false} : vector<2048x1024xf32>, vector<1024x8xf32>, vector<2048x8xf32> -> vector<2048x8xf32>
      %logistic3A = arith.negf %dot_general3A_12 : vector<2048x8xf32>
      %logistic3A_13 = math.exp %logistic3A : vector<2048x8xf32>
      %logistic3A_14 = arith.constant 1.000000e+00 : f32
      %logistic3A_15 = vector.broadcast %logistic3A_14 : f32 to vector<2048x8xf32>
      %logistic3A_16 = arith.addf %logistic3A_15, %logistic3A_13 : vector<2048x8xf32>
      %logistic3A_17 = arith.divf %logistic3A_15, %logistic3A_16 : vector<2048x8xf32>
      %get3A_18 = arith.constant 0 : index
      %get3A_19 = arith.constant 0 : index
      %get3A_20 = vector.load %arg3[%get3A_18, %get3A_19] : memref<1x8xf32, #tpu.memory_space<vmem>>, vector<1x8xf32>
      %add3A = vector.broadcast %get3A_20 : vector<1x8xf32> to vector<2048x8xf32>
      %add3A_21 = arith.addf %logistic3A_17, %add3A : vector<2048x8xf32>
      %slice3A = vector.extract_strided_slice %add3A_21 {offsets = [0, 0], sizes = [2048, 4], strides = [1, 1]} : vector<2048x8xf32> to vector<2048x4xf32>
      %reduce_max3A = arith.constant dense<0xFF800000> : vector<2048xf32>
      %reduce_max3A_22 = vector.multi_reduction <maximumf>, %slice3A, %reduce_max3A [1] : vector<2048x4xf32> to vector<2048xf32>
      %broadcast_in_dim3A = vector.shape_cast %reduce_max3A_22 : vector<2048xf32> to vector<2048x1xf32>
      %eq3A_23 = vector.broadcast %broadcast_in_dim3A : vector<2048x1xf32> to vector<2048x4xf32>
      %eq3A_24 = arith.cmpf oeq, %slice3A, %eq3A_23 : vector<2048x4xf32>
      %jit3A = arith.constant 1.000000e+00 : f32
      %jit3A_25 = arith.constant 0.000000e+00 : f32
      %broadcast_in_dim3A_26 = vector.broadcast %jit3A : f32 to vector<2048x4xf32>
      %broadcast_in_dim3A_27 = vector.broadcast %jit3A_25 : f32 to vector<2048x4xf32>
      %select_n3A = arith.select %eq3A_24, %broadcast_in_dim3A_26, %broadcast_in_dim3A_27 : vector<2048x4xi1>, vector<2048x4xf32>
      %slice3A_28 = vector.extract_strided_slice %select_n3A {offsets = [0, 0], sizes = [2048, 1], strides = [1, 1]} : vector<2048x4xf32> to vector<2048x1xf32>
      %slice3A_29 = vector.extract_strided_slice %select_n3A {offsets = [0, 1], sizes = [2048, 1], strides = [1, 1]} : vector<2048x4xf32> to vector<2048x1xf32>
      %add3A_30 = arith.addf %slice3A_28, %slice3A_29 : vector<2048x1xf32>
      %slice3A_31 = vector.extract_strided_slice %select_n3A {offsets = [0, 2], sizes = [2048, 1], strides = [1, 1]} : vector<2048x4xf32> to vector<2048x1xf32>
      %add3A_32 = arith.addf %add3A_30, %slice3A_31 : vector<2048x1xf32>
      %slice3A_33 = vector.extract_strided_slice %select_n3A {offsets = [0, 3], sizes = [2048, 1], strides = [1, 1]} : vector<2048x4xf32> to vector<2048x1xf32>
      %add3A_34 = arith.addf %add3A_32, %slice3A_33 : vector<2048x1xf32>
      %concatenate3A = tpu.concatenate %slice3A_28, %add3A_30, %add3A_32, %add3A_34 in 1 : vector<2048x1xf32>, vector<2048x1xf32>, vector<2048x1xf32>, vector<2048x1xf32> -> vector<2048x4xf32>
      %mul3A = arith.mulf %select_n3A, %concatenate3A : vector<2048x4xf32>
      %eq3A_35 = arith.constant 1.000000e+00 : f32
      %eq3A_36 = vector.broadcast %eq3A_35 : f32 to vector<2048x4xf32>
      %eq3A_37 = arith.cmpf oeq, %mul3A, %eq3A_36 : vector<2048x4xf32>
      %jit3A_38 = arith.constant 0xFF800000 : f32
      %broadcast_in_dim3A_39 = vector.broadcast %jit3A_38 : f32 to vector<2048x4xf32>
      %select_n3A_40 = arith.select %eq3A_37, %broadcast_in_dim3A_39, %slice3A : vector<2048x4xi1>, vector<2048x4xf32>
      %reduce_max3A_41 = arith.constant dense<0xFF800000> : vector<2048xf32>
      %reduce_max3A_42 = vector.multi_reduction <maximumf>, %select_n3A_40, %reduce_max3A_41 [1] : vector<2048x4xf32> to vector<2048xf32>
      %broadcast_in_dim3A_43 = vector.shape_cast %reduce_max3A_42 : vector<2048xf32> to vector<2048x1xf32>
      %add3A_44 = arith.addf %broadcast_in_dim3A, %broadcast_in_dim3A_43 : vector<2048x1xf32>
      %slice3A_45 = vector.extract_strided_slice %add3A_21 {offsets = [0, 4], sizes = [2048, 4], strides = [1, 1]} : vector<2048x8xf32> to vector<2048x4xf32>
      %reduce_max3A_46 = arith.constant dense<0xFF800000> : vector<2048xf32>
      %reduce_max3A_47 = vector.multi_reduction <maximumf>, %slice3A_45, %reduce_max3A_46 [1] : vector<2048x4xf32> to vector<2048xf32>
      %broadcast_in_dim3A_48 = vector.shape_cast %reduce_max3A_47 : vector<2048xf32> to vector<2048x1xf32>
      %eq3A_49 = vector.broadcast %broadcast_in_dim3A_48 : vector<2048x1xf32> to vector<2048x4xf32>
      %eq3A_50 = arith.cmpf oeq, %slice3A_45, %eq3A_49 : vector<2048x4xf32>
      %jit3A_51 = arith.constant 1.000000e+00 : f32
      %jit3A_52 = arith.constant 0.000000e+00 : f32
      %broadcast_in_dim3A_53 = vector.broadcast %jit3A_51 : f32 to vector<2048x4xf32>
      %broadcast_in_dim3A_54 = vector.broadcast %jit3A_52 : f32 to vector<2048x4xf32>
      %select_n3A_55 = arith.select %eq3A_50, %broadcast_in_dim3A_53, %broadcast_in_dim3A_54 : vector<2048x4xi1>, vector<2048x4xf32>
      %slice3A_56 = vector.extract_strided_slice %select_n3A_55 {offsets = [0, 0], sizes = [2048, 1], strides = [1, 1]} : vector<2048x4xf32> to vector<2048x1xf32>
      %slice3A_57 = vector.extract_strided_slice %select_n3A_55 {offsets = [0, 1], sizes = [2048, 1], strides = [1, 1]} : vector<2048x4xf32> to vector<2048x1xf32>
      %add3A_58 = arith.addf %slice3A_56, %slice3A_57 : vector<2048x1xf32>
      %slice3A_59 = vector.extract_strided_slice %select_n3A_55 {offsets = [0, 2], sizes = [2048, 1], strides = [1, 1]} : vector<2048x4xf32> to vector<2048x1xf32>
      %add3A_60 = arith.addf %add3A_58, %slice3A_59 : vector<2048x1xf32>
      %slice3A_61 = vector.extract_strided_slice %select_n3A_55 {offsets = [0, 3], sizes = [2048, 1], strides = [1, 1]} : vector<2048x4xf32> to vector<2048x1xf32>
      %add3A_62 = arith.addf %add3A_60, %slice3A_61 : vector<2048x1xf32>
      %concatenate3A_63 = tpu.concatenate %slice3A_56, %add3A_58, %add3A_60, %add3A_62 in 1 : vector<2048x1xf32>, vector<2048x1xf32>, vector<2048x1xf32>, vector<2048x1xf32> -> vector<2048x4xf32>
      %mul3A_64 = arith.mulf %select_n3A_55, %concatenate3A_63 : vector<2048x4xf32>
      %eq3A_65 = arith.constant 1.000000e+00 : f32
      %eq3A_66 = vector.broadcast %eq3A_65 : f32 to vector<2048x4xf32>
      %eq3A_67 = arith.cmpf oeq, %mul3A_64, %eq3A_66 : vector<2048x4xf32>
      %jit3A_68 = arith.constant 0xFF800000 : f32
      %broadcast_in_dim3A_69 = vector.broadcast %jit3A_68 : f32 to vector<2048x4xf32>
      %select_n3A_70 = arith.select %eq3A_67, %broadcast_in_dim3A_69, %slice3A_45 : vector<2048x4xi1>, vector<2048x4xf32>
      %reduce_max3A_71 = arith.constant dense<0xFF800000> : vector<2048xf32>
      %reduce_max3A_72 = vector.multi_reduction <maximumf>, %select_n3A_70, %reduce_max3A_71 [1] : vector<2048x4xf32> to vector<2048xf32>
      %broadcast_in_dim3A_73 = vector.shape_cast %reduce_max3A_72 : vector<2048xf32> to vector<2048x1xf32>
      %add3A_74 = arith.addf %broadcast_in_dim3A_48, %broadcast_in_dim3A_73 : vector<2048x1xf32>
      %ge3A = arith.cmpf oge, %add3A_44, %add3A_74 : vector<2048x1xf32>
      %jit3A_75 = arith.constant 1.000000e+00 : f32
      %jit3A_76 = arith.constant 0.000000e+00 : f32
      %broadcast_in_dim3A_77 = vector.broadcast %jit3A_75 : f32 to vector<2048x1xf32>
      %broadcast_in_dim3A_78 = vector.broadcast %jit3A_76 : f32 to vector<2048x1xf32>
      %select_n3A_79 = arith.select %ge3A, %broadcast_in_dim3A_77, %broadcast_in_dim3A_78 : vector<2048x1xi1>, vector<2048x1xf32>
      %iota3A = tpu.iota {dimensions = array<i32: 1>} : vector<2048x8xi32>
      %jit3A_80 = arith.constant 4 : i32
      %div3A = vector.broadcast %jit3A_80 : i32 to vector<2048x8xi32>
      %div3A_81 = arith.divsi %iota3A, %div3A : vector<2048x8xi32>
      %sign3A = arith.constant 0 : i32
      %sign3A_82 = vector.broadcast %sign3A : i32 to vector<2048x8xi32>
      %sign3A_83 = arith.cmpi sgt, %iota3A, %sign3A_82 : vector<2048x8xi32>
      %sign3A_84 = arith.extui %sign3A_83 : vector<2048x8xi1> to vector<2048x8xi32>
      %sign3A_85 = arith.constant 0 : i32
      %sign3A_86 = vector.broadcast %sign3A_85 : i32 to vector<2048x8xi32>
      %sign3A_87 = arith.cmpi slt, %iota3A, %sign3A_86 : vector<2048x8xi32>
      %sign3A_88 = arith.extui %sign3A_87 : vector<2048x8xi1> to vector<2048x8xi32>
      %sign3A_89 = arith.subi %sign3A_84, %sign3A_88 : vector<2048x8xi32>
      %sign3A_90 = arith.constant 0 : i32
      %sign3A_91 = arith.cmpi sgt, %jit3A_80, %sign3A_90 : i32
      %sign3A_92 = arith.extui %sign3A_91 : i1 to i32
      %sign3A_93 = arith.constant 0 : i32
      %sign3A_94 = arith.cmpi slt, %jit3A_80, %sign3A_93 : i32
      %sign3A_95 = arith.extui %sign3A_94 : i1 to i32
      %sign3A_96 = arith.subi %sign3A_92, %sign3A_95 : i32
      %ne3A = vector.broadcast %sign3A_96 : i32 to vector<2048x8xi32>
      %ne3A_97 = arith.cmpi ne, %sign3A_89, %ne3A : vector<2048x8xi32>
      %rem3A = vector.broadcast %jit3A_80 : i32 to vector<2048x8xi32>
      %rem3A_98 = arith.remsi %iota3A, %rem3A : vector<2048x8xi32>
      %ne3A_99 = arith.constant 0 : i32
      %ne3A_100 = vector.broadcast %ne3A_99 : i32 to vector<2048x8xi32>
      %ne3A_101 = arith.cmpi ne, %rem3A_98, %ne3A_100 : vector<2048x8xi32>
      %and3A = arith.andi %ne3A_97, %ne3A_101 : vector<2048x8xi1>
      %sub3A = arith.constant 1 : i32
      %sub3A_102 = vector.broadcast %sub3A : i32 to vector<2048x8xi32>
      %sub3A_103 = arith.subi %div3A_81, %sub3A_102 : vector<2048x8xi32>
      %select_n3A_104 = arith.select %and3A, %sub3A_103, %div3A_81 : vector<2048x8xi1>, vector<2048x8xi32>
      %convert_element_type3A_105 = arith.sitofp %select_n3A_104 : vector<2048x8xi32> to vector<2048x8xf32>
      %sub3A_106 = arith.constant 1.000000e+00 : f32
      %sub3A_107 = vector.broadcast %sub3A_106 : f32 to vector<2048x8xf32>
      %sub3A_108 = arith.subf %sub3A_107, %convert_element_type3A_105 : vector<2048x8xf32>
      %mul3A_109 = vector.broadcast %select_n3A_79 : vector<2048x1xf32> to vector<2048x8xf32>
      %mul3A_110 = arith.mulf %mul3A_109, %sub3A_108 : vector<2048x8xf32>
      %sub3A_111 = arith.constant 1.000000e+00 : f32
      %sub3A_112 = vector.broadcast %sub3A_111 : f32 to vector<2048x1xf32>
      %sub3A_113 = arith.subf %sub3A_112, %select_n3A_79 : vector<2048x1xf32>
      %mul3A_114 = vector.broadcast %sub3A_113 : vector<2048x1xf32> to vector<2048x8xf32>
      %mul3A_115 = arith.mulf %mul3A_114, %convert_element_type3A_105 : vector<2048x8xf32>
      %add3A_116 = arith.addf %mul3A_110, %mul3A_115 : vector<2048x8xf32>
      %gt3A = arith.constant 5.000000e-01 : f32
      %gt3A_117 = vector.broadcast %gt3A : f32 to vector<2048x8xf32>
      %gt3A_118 = arith.cmpf ogt, %add3A_116, %gt3A_117 : vector<2048x8xf32>
      %jit3A_119 = arith.constant -1.000000e+09 : f32
      %broadcast_in_dim3A_120 = vector.broadcast %jit3A_119 : f32 to vector<2048x8xf32>
      %select_n3A_121 = arith.select %gt3A_118, %add3A_21, %broadcast_in_dim3A_120 : vector<2048x8xi1>, vector<2048x8xf32>
      %reduce_max3A_122 = arith.constant dense<0xFF800000> : vector<2048xf32>
      %reduce_max3A_123 = vector.multi_reduction <maximumf>, %select_n3A_121, %reduce_max3A_122 [1] : vector<2048x8xf32> to vector<2048xf32>
      %broadcast_in_dim3A_124 = vector.shape_cast %reduce_max3A_123 : vector<2048xf32> to vector<2048x1xf32>
      %eq3A_125 = vector.broadcast %broadcast_in_dim3A_124 : vector<2048x1xf32> to vector<2048x8xf32>
      %eq3A_126 = arith.cmpf oeq, %select_n3A_121, %eq3A_125 : vector<2048x8xf32>
      %jit3A_127 = arith.constant 1.000000e+00 : f32
      %jit3A_128 = arith.constant 0.000000e+00 : f32
      %broadcast_in_dim3A_129 = vector.broadcast %jit3A_127 : f32 to vector<2048x8xf32>
      %broadcast_in_dim3A_130 = vector.broadcast %jit3A_128 : f32 to vector<2048x8xf32>
      %select_n3A_131 = arith.select %eq3A_126, %broadcast_in_dim3A_129, %broadcast_in_dim3A_130 : vector<2048x8xi1>, vector<2048x8xf32>
      %slice3A_132 = vector.extract_strided_slice %select_n3A_131 {offsets = [0, 0], sizes = [2048, 1], strides = [1, 1]} : vector<2048x8xf32> to vector<2048x1xf32>
      %slice3A_133 = vector.extract_strided_slice %select_n3A_131 {offsets = [0, 1], sizes = [2048, 1], strides = [1, 1]} : vector<2048x8xf32> to vector<2048x1xf32>
      %add3A_134 = arith.addf %slice3A_132, %slice3A_133 : vector<2048x1xf32>
      %slice3A_135 = vector.extract_strided_slice %select_n3A_131 {offsets = [0, 2], sizes = [2048, 1], strides = [1, 1]} : vector<2048x8xf32> to vector<2048x1xf32>
      %add3A_136 = arith.addf %add3A_134, %slice3A_135 : vector<2048x1xf32>
      %slice3A_137 = vector.extract_strided_slice %select_n3A_131 {offsets = [0, 3], sizes = [2048, 1], strides = [1, 1]} : vector<2048x8xf32> to vector<2048x1xf32>
      %add3A_138 = arith.addf %add3A_136, %slice3A_137 : vector<2048x1xf32>
      %slice3A_139 = vector.extract_strided_slice %select_n3A_131 {offsets = [0, 4], sizes = [2048, 1], strides = [1, 1]} : vector<2048x8xf32> to vector<2048x1xf32>
      %add3A_140 = arith.addf %add3A_138, %slice3A_139 : vector<2048x1xf32>
      %slice3A_141 = vector.extract_strided_slice %select_n3A_131 {offsets = [0, 5], sizes = [2048, 1], strides = [1, 1]} : vector<2048x8xf32> to vector<2048x1xf32>
      %add3A_142 = arith.addf %add3A_140, %slice3A_141 : vector<2048x1xf32>
      %slice3A_143 = vector.extract_strided_slice %select_n3A_131 {offsets = [0, 6], sizes = [2048, 1], strides = [1, 1]} : vector<2048x8xf32> to vector<2048x1xf32>
      %add3A_144 = arith.addf %add3A_142, %slice3A_143 : vector<2048x1xf32>
      %slice3A_145 = vector.extract_strided_slice %select_n3A_131 {offsets = [0, 7], sizes = [2048, 1], strides = [1, 1]} : vector<2048x8xf32> to vector<2048x1xf32>
      %add3A_146 = arith.addf %add3A_144, %slice3A_145 : vector<2048x1xf32>
      %concatenate3A_147 = tpu.concatenate %slice3A_132, %add3A_134, %add3A_136, %add3A_138, %add3A_140, %add3A_142, %add3A_144, %add3A_146 in 1 : vector<2048x1xf32>, vector<2048x1xf32>, vector<2048x1xf32>, vector<2048x1xf32>, vector<2048x1xf32>, vector<2048x1xf32>, vector<2048x1xf32>, vector<2048x1xf32> -> vector<2048x8xf32>
      %mul3A_148 = arith.mulf %select_n3A_131, %concatenate3A_147 : vector<2048x8xf32>
      %eq3A_149 = arith.constant 1.000000e+00 : f32
      %eq3A_150 = vector.broadcast %eq3A_149 : f32 to vector<2048x8xf32>
      %eq3A_151 = arith.cmpf oeq, %mul3A_148, %eq3A_150 : vector<2048x8xf32>
      %jit3A_152 = arith.constant 0xFF800000 : f32
      %broadcast_in_dim3A_153 = vector.broadcast %jit3A_152 : f32 to vector<2048x8xf32>
      %select_n3A_154 = arith.select %eq3A_151, %broadcast_in_dim3A_153, %select_n3A_121 : vector<2048x8xi1>, vector<2048x8xf32>
      %reduce_max3A_155 = arith.constant dense<0xFF800000> : vector<2048xf32>
      %reduce_max3A_156 = vector.multi_reduction <maximumf>, %select_n3A_154, %reduce_max3A_155 [1] : vector<2048x8xf32> to vector<2048xf32>
      %broadcast_in_dim3A_157 = vector.shape_cast %reduce_max3A_156 : vector<2048xf32> to vector<2048x1xf32>
      %eq3A_158 = vector.broadcast %broadcast_in_dim3A_157 : vector<2048x1xf32> to vector<2048x8xf32>
      %eq3A_159 = arith.cmpf oeq, %select_n3A_154, %eq3A_158 : vector<2048x8xf32>
      %jit3A_160 = arith.constant 1.000000e+00 : f32
      %jit3A_161 = arith.constant 0.000000e+00 : f32
      %broadcast_in_dim3A_162 = vector.broadcast %jit3A_160 : f32 to vector<2048x8xf32>
      %broadcast_in_dim3A_163 = vector.broadcast %jit3A_161 : f32 to vector<2048x8xf32>
      %select_n3A_164 = arith.select %eq3A_159, %broadcast_in_dim3A_162, %broadcast_in_dim3A_163 : vector<2048x8xi1>, vector<2048x8xf32>
      %slice3A_165 = vector.extract_strided_slice %select_n3A_164 {offsets = [0, 0], sizes = [2048, 1], strides = [1, 1]} : vector<2048x8xf32> to vector<2048x1xf32>
      %slice3A_166 = vector.extract_strided_slice %select_n3A_164 {offsets = [0, 1], sizes = [2048, 1], strides = [1, 1]} : vector<2048x8xf32> to vector<2048x1xf32>
      %add3A_167 = arith.addf %slice3A_165, %slice3A_166 : vector<2048x1xf32>
      %slice3A_168 = vector.extract_strided_slice %select_n3A_164 {offsets = [0, 2], sizes = [2048, 1], strides = [1, 1]} : vector<2048x8xf32> to vector<2048x1xf32>
      %add3A_169 = arith.addf %add3A_167, %slice3A_168 : vector<2048x1xf32>
      %slice3A_170 = vector.extract_strided_slice %select_n3A_164 {offsets = [0, 3], sizes = [2048, 1], strides = [1, 1]} : vector<2048x8xf32> to vector<2048x1xf32>
      %add3A_171 = arith.addf %add3A_169, %slice3A_170 : vector<2048x1xf32>
      %slice3A_172 = vector.extract_strided_slice %select_n3A_164 {offsets = [0, 4], sizes = [2048, 1], strides = [1, 1]} : vector<2048x8xf32> to vector<2048x1xf32>
      %add3A_173 = arith.addf %add3A_171, %slice3A_172 : vector<2048x1xf32>
      %slice3A_174 = vector.extract_strided_slice %select_n3A_164 {offsets = [0, 5], sizes = [2048, 1], strides = [1, 1]} : vector<2048x8xf32> to vector<2048x1xf32>
      %add3A_175 = arith.addf %add3A_173, %slice3A_174 : vector<2048x1xf32>
      %slice3A_176 = vector.extract_strided_slice %select_n3A_164 {offsets = [0, 6], sizes = [2048, 1], strides = [1, 1]} : vector<2048x8xf32> to vector<2048x1xf32>
      %add3A_177 = arith.addf %add3A_175, %slice3A_176 : vector<2048x1xf32>
      %slice3A_178 = vector.extract_strided_slice %select_n3A_164 {offsets = [0, 7], sizes = [2048, 1], strides = [1, 1]} : vector<2048x8xf32> to vector<2048x1xf32>
      %add3A_179 = arith.addf %add3A_177, %slice3A_178 : vector<2048x1xf32>
      %concatenate3A_180 = tpu.concatenate %slice3A_165, %add3A_167, %add3A_169, %add3A_171, %add3A_173, %add3A_175, %add3A_177, %add3A_179 in 1 : vector<2048x1xf32>, vector<2048x1xf32>, vector<2048x1xf32>, vector<2048x1xf32>, vector<2048x1xf32>, vector<2048x1xf32>, vector<2048x1xf32>, vector<2048x1xf32> -> vector<2048x8xf32>
      %mul3A_181 = arith.mulf %select_n3A_164, %concatenate3A_180 : vector<2048x8xf32>
      %eq3A_182 = arith.constant 1.000000e+00 : f32
      %eq3A_183 = vector.broadcast %eq3A_182 : f32 to vector<2048x8xf32>
      %eq3A_184 = arith.cmpf oeq, %mul3A_181, %eq3A_183 : vector<2048x8xf32>
      %jit3A_185 = arith.constant 0.000000e+00 : f32
      %broadcast_in_dim3A_186 = vector.broadcast %jit3A_185 : f32 to vector<2048x8xf32>
      %select_n3A_187 = arith.select %eq3A_151, %logistic3A_17, %broadcast_in_dim3A_186 : vector<2048x8xi1>, vector<2048x8xf32>
      %reduce_sum3A = arith.constant dense<0.000000e+00> : vector<2048xf32>
      %reduce_sum3A_188 = vector.multi_reduction <add>, %select_n3A_187, %reduce_sum3A [1] : vector<2048x8xf32> to vector<2048xf32>
      %broadcast_in_dim3A_189 = vector.shape_cast %reduce_sum3A_188 : vector<2048xf32> to vector<2048x1xf32>
      %jit3A_190 = arith.constant 0.000000e+00 : f32
      %broadcast_in_dim3A_191 = vector.broadcast %jit3A_190 : f32 to vector<2048x8xf32>
      %select_n3A_192 = arith.select %eq3A_184, %logistic3A_17, %broadcast_in_dim3A_191 : vector<2048x8xi1>, vector<2048x8xf32>
      %reduce_sum3A_193 = arith.constant dense<0.000000e+00> : vector<2048xf32>
      %reduce_sum3A_194 = vector.multi_reduction <add>, %select_n3A_192, %reduce_sum3A_193 [1] : vector<2048x8xf32> to vector<2048xf32>
      %broadcast_in_dim3A_195 = vector.shape_cast %reduce_sum3A_194 : vector<2048xf32> to vector<2048x1xf32>
      %add3A_196 = arith.addf %broadcast_in_dim3A_189, %broadcast_in_dim3A_195 : vector<2048x1xf32>
      %add3A_197 = arith.constant 9.99999968E-21 : f32
      %add3A_198 = vector.broadcast %add3A_197 : f32 to vector<2048x1xf32>
      %add3A_199 = arith.addf %add3A_196, %add3A_198 : vector<2048x1xf32>
      %div3A_200 = arith.constant 2.500000e+00 : f32
      %div3A_201 = vector.broadcast %div3A_200 : f32 to vector<2048x1xf32>
      %div3A_202 = arith.divf %div3A_201, %add3A_199 : vector<2048x1xf32>
      %mul3A_203 = arith.mulf %broadcast_in_dim3A_189, %div3A_202 : vector<2048x1xf32>
      %mul3A_204 = arith.mulf %broadcast_in_dim3A_195, %div3A_202 : vector<2048x1xf32>
      %jit3A_205 = arith.constant 1.000000e+00 : f32
      %jit3A_206 = arith.constant 0.000000e+00 : f32
      %broadcast_in_dim3A_207 = vector.broadcast %jit3A_205 : f32 to vector<2048x8xf32>
      %broadcast_in_dim3A_208 = vector.broadcast %jit3A_206 : f32 to vector<2048x8xf32>
      %select_n3A_209 = arith.select %eq3A_151, %broadcast_in_dim3A_207, %broadcast_in_dim3A_208 : vector<2048x8xi1>, vector<2048x8xf32>
      %jit3A_210 = arith.constant 1.000000e+00 : f32
      %jit3A_211 = arith.constant 0.000000e+00 : f32
      %broadcast_in_dim3A_212 = vector.broadcast %jit3A_210 : f32 to vector<2048x8xf32>
      %broadcast_in_dim3A_213 = vector.broadcast %jit3A_211 : f32 to vector<2048x8xf32>
      %select_n3A_214 = arith.select %eq3A_184, %broadcast_in_dim3A_212, %broadcast_in_dim3A_213 : vector<2048x8xi1>, vector<2048x8xf32>
      %add3A_215 = arith.addf %select_n3A_209, %select_n3A_214 : vector<2048x8xf32>
      %iota3A_216 = tpu.iota {dimensions = array<i32: 0>} : vector<256x256xi32>
      %iota3A_217 = tpu.iota {dimensions = array<i32: 1>} : vector<256x256xi32>
      %gt3A_218 = arith.cmpi sgt, %iota3A_216, %iota3A_217 : vector<256x256xi32>
      %jit3A_219 = arith.constant 1.000000e+00 : f32
      %jit3A_220 = arith.constant 0.000000e+00 : f32
      %broadcast_in_dim3A_221 = vector.broadcast %jit3A_219 : f32 to vector<256x256xf32>
      %broadcast_in_dim3A_222 = vector.broadcast %jit3A_220 : f32 to vector<256x256xf32>
      %select_n3A_223 = arith.select %gt3A_218, %broadcast_in_dim3A_221, %broadcast_in_dim3A_222 : vector<256x256xi1>, vector<256x256xf32>
      %broadcast_in_dim3A_224 = arith.constant 0.000000e+00 : f32
      %broadcast_in_dim3A_225 = vector.broadcast %broadcast_in_dim3A_224 : f32 to vector<1x8xf32>
      %slice3A_226 = vector.extract_strided_slice %add3A_215 {offsets = [0, 0], sizes = [256, 8], strides = [1, 1]} : vector<2048x8xf32> to vector<256x8xf32>
      %dot_general3A_227 = arith.constant dense<0.000000e+00> : vector<256x8xf32>
      %dot_general3A_228 = tpu.matmul %select_n3A_223, %slice3A_226, %dot_general3A_227 {dimension_numbers = #tpu.dot_dimension_numbers<[1], [0], [0], [1], [0, 0, 1, 1], [], []>, transpose_lhs_hint = false} : vector<256x256xf32>, vector<256x8xf32>, vector<256x8xf32> -> vector<256x8xf32>
      %add3A_229 = vector.broadcast %broadcast_in_dim3A_225 : vector<1x8xf32> to vector<256x8xf32>
      %add3A_230 = arith.addf %dot_general3A_228, %add3A_229 : vector<256x8xf32>
      %reduce_sum3A_231 = arith.constant dense<0.000000e+00> : vector<8xf32>
      %reduce_sum3A_232 = vector.multi_reduction <add>, %slice3A_226, %reduce_sum3A_231 [0] : vector<256x8xf32> to vector<8xf32>
      %broadcast_in_dim3A_233 = vector.shape_cast %reduce_sum3A_232 : vector<8xf32> to vector<1x8xf32>
      %add3A_234 = arith.addf %broadcast_in_dim3A_225, %broadcast_in_dim3A_233 : vector<1x8xf32>
      %slice3A_235 = vector.extract_strided_slice %add3A_215 {offsets = [256, 0], sizes = [256, 8], strides = [1, 1]} : vector<2048x8xf32> to vector<256x8xf32>
      %dot_general3A_236 = arith.constant dense<0.000000e+00> : vector<256x8xf32>
      %dot_general3A_237 = tpu.matmul %select_n3A_223, %slice3A_235, %dot_general3A_236 {dimension_numbers = #tpu.dot_dimension_numbers<[1], [0], [0], [1], [0, 0, 1, 1], [], []>, transpose_lhs_hint = false} : vector<256x256xf32>, vector<256x8xf32>, vector<256x8xf32> -> vector<256x8xf32>
      %add3A_238 = vector.broadcast %add3A_234 : vector<1x8xf32> to vector<256x8xf32>
      %add3A_239 = arith.addf %dot_general3A_237, %add3A_238 : vector<256x8xf32>
      %reduce_sum3A_240 = arith.constant dense<0.000000e+00> : vector<8xf32>
      %reduce_sum3A_241 = vector.multi_reduction <add>, %slice3A_235, %reduce_sum3A_240 [0] : vector<256x8xf32> to vector<8xf32>
      %broadcast_in_dim3A_242 = vector.shape_cast %reduce_sum3A_241 : vector<8xf32> to vector<1x8xf32>
      %add3A_243 = arith.addf %add3A_234, %broadcast_in_dim3A_242 : vector<1x8xf32>
      %slice3A_244 = vector.extract_strided_slice %add3A_215 {offsets = [512, 0], sizes = [256, 8], strides = [1, 1]} : vector<2048x8xf32> to vector<256x8xf32>
      %dot_general3A_245 = arith.constant dense<0.000000e+00> : vector<256x8xf32>
      %dot_general3A_246 = tpu.matmul %select_n3A_223, %slice3A_244, %dot_general3A_245 {dimension_numbers = #tpu.dot_dimension_numbers<[1], [0], [0], [1], [0, 0, 1, 1], [], []>, transpose_lhs_hint = false} : vector<256x256xf32>, vector<256x8xf32>, vector<256x8xf32> -> vector<256x8xf32>
      %add3A_247 = vector.broadcast %add3A_243 : vector<1x8xf32> to vector<256x8xf32>
      %add3A_248 = arith.addf %dot_general3A_246, %add3A_247 : vector<256x8xf32>
      %reduce_sum3A_249 = arith.constant dense<0.000000e+00> : vector<8xf32>
      %reduce_sum3A_250 = vector.multi_reduction <add>, %slice3A_244, %reduce_sum3A_249 [0] : vector<256x8xf32> to vector<8xf32>
      %broadcast_in_dim3A_251 = vector.shape_cast %reduce_sum3A_250 : vector<8xf32> to vector<1x8xf32>
      %add3A_252 = arith.addf %add3A_243, %broadcast_in_dim3A_251 : vector<1x8xf32>
      %slice3A_253 = vector.extract_strided_slice %add3A_215 {offsets = [768, 0], sizes = [256, 8], strides = [1, 1]} : vector<2048x8xf32> to vector<256x8xf32>
      %dot_general3A_254 = arith.constant dense<0.000000e+00> : vector<256x8xf32>
      %dot_general3A_255 = tpu.matmul %select_n3A_223, %slice3A_253, %dot_general3A_254 {dimension_numbers = #tpu.dot_dimension_numbers<[1], [0], [0], [1], [0, 0, 1, 1], [], []>, transpose_lhs_hint = false} : vector<256x256xf32>, vector<256x8xf32>, vector<256x8xf32> -> vector<256x8xf32>
      %add3A_256 = vector.broadcast %add3A_252 : vector<1x8xf32> to vector<256x8xf32>
      %add3A_257 = arith.addf %dot_general3A_255, %add3A_256 : vector<256x8xf32>
      %reduce_sum3A_258 = arith.constant dense<0.000000e+00> : vector<8xf32>
      %reduce_sum3A_259 = vector.multi_reduction <add>, %slice3A_253, %reduce_sum3A_258 [0] : vector<256x8xf32> to vector<8xf32>
      %broadcast_in_dim3A_260 = vector.shape_cast %reduce_sum3A_259 : vector<8xf32> to vector<1x8xf32>
      %add3A_261 = arith.addf %add3A_252, %broadcast_in_dim3A_260 : vector<1x8xf32>
      %slice3A_262 = vector.extract_strided_slice %add3A_215 {offsets = [1024, 0], sizes = [256, 8], strides = [1, 1]} : vector<2048x8xf32> to vector<256x8xf32>
      %dot_general3A_263 = arith.constant dense<0.000000e+00> : vector<256x8xf32>
      %dot_general3A_264 = tpu.matmul %select_n3A_223, %slice3A_262, %dot_general3A_263 {dimension_numbers = #tpu.dot_dimension_numbers<[1], [0], [0], [1], [0, 0, 1, 1], [], []>, transpose_lhs_hint = false} : vector<256x256xf32>, vector<256x8xf32>, vector<256x8xf32> -> vector<256x8xf32>
      %add3A_265 = vector.broadcast %add3A_261 : vector<1x8xf32> to vector<256x8xf32>
      %add3A_266 = arith.addf %dot_general3A_264, %add3A_265 : vector<256x8xf32>
      %reduce_sum3A_267 = arith.constant dense<0.000000e+00> : vector<8xf32>
      %reduce_sum3A_268 = vector.multi_reduction <add>, %slice3A_262, %reduce_sum3A_267 [0] : vector<256x8xf32> to vector<8xf32>
      %broadcast_in_dim3A_269 = vector.shape_cast %reduce_sum3A_268 : vector<8xf32> to vector<1x8xf32>
      %add3A_270 = arith.addf %add3A_261, %broadcast_in_dim3A_269 : vector<1x8xf32>
      %slice3A_271 = vector.extract_strided_slice %add3A_215 {offsets = [1280, 0], sizes = [256, 8], strides = [1, 1]} : vector<2048x8xf32> to vector<256x8xf32>
      %dot_general3A_272 = arith.constant dense<0.000000e+00> : vector<256x8xf32>
      %dot_general3A_273 = tpu.matmul %select_n3A_223, %slice3A_271, %dot_general3A_272 {dimension_numbers = #tpu.dot_dimension_numbers<[1], [0], [0], [1], [0, 0, 1, 1], [], []>, transpose_lhs_hint = false} : vector<256x256xf32>, vector<256x8xf32>, vector<256x8xf32> -> vector<256x8xf32>
      %add3A_274 = vector.broadcast %add3A_270 : vector<1x8xf32> to vector<256x8xf32>
      %add3A_275 = arith.addf %dot_general3A_273, %add3A_274 : vector<256x8xf32>
      %reduce_sum3A_276 = arith.constant dense<0.000000e+00> : vector<8xf32>
      %reduce_sum3A_277 = vector.multi_reduction <add>, %slice3A_271, %reduce_sum3A_276 [0] : vector<256x8xf32> to vector<8xf32>
      %broadcast_in_dim3A_278 = vector.shape_cast %reduce_sum3A_277 : vector<8xf32> to vector<1x8xf32>
      %add3A_279 = arith.addf %add3A_270, %broadcast_in_dim3A_278 : vector<1x8xf32>
      %slice3A_280 = vector.extract_strided_slice %add3A_215 {offsets = [1536, 0], sizes = [256, 8], strides = [1, 1]} : vector<2048x8xf32> to vector<256x8xf32>
      %dot_general3A_281 = arith.constant dense<0.000000e+00> : vector<256x8xf32>
      %dot_general3A_282 = tpu.matmul %select_n3A_223, %slice3A_280, %dot_general3A_281 {dimension_numbers = #tpu.dot_dimension_numbers<[1], [0], [0], [1], [0, 0, 1, 1], [], []>, transpose_lhs_hint = false} : vector<256x256xf32>, vector<256x8xf32>, vector<256x8xf32> -> vector<256x8xf32>
      %add3A_283 = vector.broadcast %add3A_279 : vector<1x8xf32> to vector<256x8xf32>
      %add3A_284 = arith.addf %dot_general3A_282, %add3A_283 : vector<256x8xf32>
      %reduce_sum3A_285 = arith.constant dense<0.000000e+00> : vector<8xf32>
      %reduce_sum3A_286 = vector.multi_reduction <add>, %slice3A_280, %reduce_sum3A_285 [0] : vector<256x8xf32> to vector<8xf32>
      %broadcast_in_dim3A_287 = vector.shape_cast %reduce_sum3A_286 : vector<8xf32> to vector<1x8xf32>
      %add3A_288 = arith.addf %add3A_279, %broadcast_in_dim3A_287 : vector<1x8xf32>
      %slice3A_289 = vector.extract_strided_slice %add3A_215 {offsets = [1792, 0], sizes = [256, 8], strides = [1, 1]} : vector<2048x8xf32> to vector<256x8xf32>
      %dot_general3A_290 = arith.constant dense<0.000000e+00> : vector<256x8xf32>
      %dot_general3A_291 = tpu.matmul %select_n3A_223, %slice3A_289, %dot_general3A_290 {dimension_numbers = #tpu.dot_dimension_numbers<[1], [0], [0], [1], [0, 0, 1, 1], [], []>, transpose_lhs_hint = false} : vector<256x256xf32>, vector<256x8xf32>, vector<256x8xf32> -> vector<256x8xf32>
      %add3A_292 = vector.broadcast %add3A_288 : vector<1x8xf32> to vector<256x8xf32>
      %add3A_293 = arith.addf %dot_general3A_291, %add3A_292 : vector<256x8xf32>
      %reduce_sum3A_294 = arith.constant dense<0.000000e+00> : vector<8xf32>
      %reduce_sum3A_295 = vector.multi_reduction <add>, %slice3A_289, %reduce_sum3A_294 [0] : vector<256x8xf32> to vector<8xf32>
      %broadcast_in_dim3A_296 = vector.shape_cast %reduce_sum3A_295 : vector<8xf32> to vector<1x8xf32>
      %add3A_297 = arith.addf %add3A_288, %broadcast_in_dim3A_296 : vector<1x8xf32>
      %concatenate3A_298 = tpu.concatenate %add3A_230, %add3A_239, %add3A_248, %add3A_257, %add3A_266, %add3A_275, %add3A_284, %add3A_293 in 0 : vector<256x8xf32>, vector<256x8xf32>, vector<256x8xf32>, vector<256x8xf32>, vector<256x8xf32>, vector<256x8xf32>, vector<256x8xf32>, vector<256x8xf32> -> vector<2048x8xf32>
      %mul3A_299 = arith.constant 3.906250e-03 : f32
      %mul3A_300 = vector.broadcast %mul3A_299 : f32 to vector<1x8xf32>
      %mul3A_301 = arith.mulf %add3A_297, %mul3A_300 : vector<1x8xf32>
      %add3A_302 = arith.constant 0.99609375 : f32
      %add3A_303 = vector.broadcast %add3A_302 : f32 to vector<1x8xf32>
      %add3A_304 = arith.addf %mul3A_301, %add3A_303 : vector<1x8xf32>
      %floor3A = math.floor %add3A_304 : vector<1x8xf32>
      %slice3A_305 = vector.extract_strided_slice %floor3A {offsets = [0, 0], sizes = [1, 1], strides = [1, 1]} : vector<1x8xf32> to vector<1x1xf32>
      %slice3A_306 = vector.extract_strided_slice %floor3A {offsets = [0, 1], sizes = [1, 1], strides = [1, 1]} : vector<1x8xf32> to vector<1x1xf32>
      %add3A_307 = arith.addf %slice3A_305, %slice3A_306 : vector<1x1xf32>
      %slice3A_308 = vector.extract_strided_slice %floor3A {offsets = [0, 2], sizes = [1, 1], strides = [1, 1]} : vector<1x8xf32> to vector<1x1xf32>
      %add3A_309 = arith.addf %add3A_307, %slice3A_308 : vector<1x1xf32>
      %slice3A_310 = vector.extract_strided_slice %floor3A {offsets = [0, 3], sizes = [1, 1], strides = [1, 1]} : vector<1x8xf32> to vector<1x1xf32>
      %add3A_311 = arith.addf %add3A_309, %slice3A_310 : vector<1x1xf32>
      %slice3A_312 = vector.extract_strided_slice %floor3A {offsets = [0, 4], sizes = [1, 1], strides = [1, 1]} : vector<1x8xf32> to vector<1x1xf32>
      %add3A_313 = arith.addf %add3A_311, %slice3A_312 : vector<1x1xf32>
      %slice3A_314 = vector.extract_strided_slice %floor3A {offsets = [0, 5], sizes = [1, 1], strides = [1, 1]} : vector<1x8xf32> to vector<1x1xf32>
      %add3A_315 = arith.addf %add3A_313, %slice3A_314 : vector<1x1xf32>
      %slice3A_316 = vector.extract_strided_slice %floor3A {offsets = [0, 6], sizes = [1, 1], strides = [1, 1]} : vector<1x8xf32> to vector<1x1xf32>
      %add3A_317 = arith.addf %add3A_315, %slice3A_316 : vector<1x1xf32>
      %slice3A_318 = vector.extract_strided_slice %floor3A {offsets = [0, 7], sizes = [1, 1], strides = [1, 1]} : vector<1x8xf32> to vector<1x1xf32>
      %add3A_319 = arith.addf %add3A_317, %slice3A_318 : vector<1x1xf32>
      %concatenate3A_320 = tpu.concatenate %slice3A_305, %add3A_307, %add3A_309, %add3A_311, %add3A_313, %add3A_315, %add3A_317, %add3A_319 in 1 : vector<1x1xf32>, vector<1x1xf32>, vector<1x1xf32>, vector<1x1xf32>, vector<1x1xf32>, vector<1x1xf32>, vector<1x1xf32>, vector<1x1xf32> -> vector<1x8xf32>
      %sub3A_321 = arith.subf %concatenate3A_320, %floor3A : vector<1x8xf32>
      %mul3A_322 = arith.constant 2.560000e+02 : f32
      %mul3A_323 = vector.broadcast %mul3A_322 : f32 to vector<1x8xf32>
      %mul3A_324 = arith.mulf %sub3A_321, %mul3A_323 : vector<1x8xf32>
      %add3A_325 = vector.broadcast %mul3A_324 : vector<1x8xf32> to vector<2048x8xf32>
      %add3A_326 = arith.addf %add3A_325, %concatenate3A_298 : vector<2048x8xf32>
      %jit3A_327 = arith.constant 0.000000e+00 : f32
      %broadcast_in_dim3A_328 = vector.broadcast %jit3A_327 : f32 to vector<2048x8xf32>
      %select_n3A_329 = arith.select %eq3A_151, %add3A_326, %broadcast_in_dim3A_328 : vector<2048x8xi1>, vector<2048x8xf32>
      %reduce_sum3A_330 = arith.constant dense<0.000000e+00> : vector<2048xf32>
      %reduce_sum3A_331 = vector.multi_reduction <add>, %select_n3A_329, %reduce_sum3A_330 [1] : vector<2048x8xf32> to vector<2048xf32>
      %broadcast_in_dim3A_332 = vector.shape_cast %reduce_sum3A_331 : vector<2048xf32> to vector<2048x1xf32>
      %jit3A_333 = arith.constant 0.000000e+00 : f32
      %broadcast_in_dim3A_334 = vector.broadcast %jit3A_333 : f32 to vector<2048x8xf32>
      %select_n3A_335 = arith.select %eq3A_184, %add3A_326, %broadcast_in_dim3A_334 : vector<2048x8xi1>, vector<2048x8xf32>
      %reduce_sum3A_336 = arith.constant dense<0.000000e+00> : vector<2048xf32>
      %reduce_sum3A_337 = vector.multi_reduction <add>, %select_n3A_335, %reduce_sum3A_336 [1] : vector<2048x8xf32> to vector<2048xf32>
      %broadcast_in_dim3A_338 = vector.shape_cast %reduce_sum3A_337 : vector<2048xf32> to vector<2048x1xf32>
      %concatenate3A_339 = tpu.concatenate %broadcast_in_dim3A_332, %broadcast_in_dim3A_338, %mul3A_203, %mul3A_204 in 1 : vector<2048x1xf32>, vector<2048x1xf32>, vector<2048x1xf32>, vector<2048x1xf32> -> vector<2048x4xf32>
      %transpose3A = tpu.transpose %concatenate3A_339, [1, 0] : vector<2048x4xf32> -> vector<4x2048xf32>
      %broadcast_in_dim3A_340 = arith.constant 0.000000e+00 : f32
      %broadcast_in_dim3A_341 = vector.broadcast %broadcast_in_dim3A_340 : f32 to vector<4x2048xf32>
      %concatenate3A_342 = tpu.concatenate %transpose3A, %broadcast_in_dim3A_341 in 0 : vector<4x2048xf32>, vector<4x2048xf32> -> vector<8x2048xf32>
      %swap3A = arith.constant 0 : index
      %swap3A_343 = arith.constant 0 : index
      %swap3A_344 = vector.load %arg6[%swap3A, %swap3A_343] : memref<8x2048xf32, #tpu.memory_space<vmem>>, vector<8x2048xf32>
      tpu.vector_store %arg6[%swap3A, %swap3A_343], %concatenate3A_342 {strides = array<i32>} : memref<8x2048xf32, #tpu.memory_space<vmem>>, vector<8x2048xf32>,
      %broadcast_in_dim3A_345 = arith.constant 1.000000e+00 : f32
      %broadcast_in_dim3A_346 = vector.broadcast %broadcast_in_dim3A_345 : f32 to vector<2048x1xf32>
      %dot_general3A_347 = arith.constant dense<0.000000e+00> : vector<8x1xf32>
      %dot_general3A_348 = tpu.matmul %add3A_215, %broadcast_in_dim3A_346, %dot_general3A_347 {dimension_numbers = #tpu.dot_dimension_numbers<[0], [0], [1], [1], [0, 1, 1, 1], [], []>, transpose_lhs_hint = false} : vector<2048x8xf32>, vector<2048x1xf32>, vector<8x1xf32> -> vector<8x1xf32>
      %mul3A_349 = arith.constant 3.906250e-03 : f32
      %mul3A_350 = vector.broadcast %mul3A_349 : f32 to vector<8x1xf32>
      %mul3A_351 = arith.mulf %dot_general3A_348, %mul3A_350 : vector<8x1xf32>
      %add3A_352 = arith.constant 0.99609375 : f32
      %add3A_353 = vector.broadcast %add3A_352 : f32 to vector<8x1xf32>
      %add3A_354 = arith.addf %mul3A_351, %add3A_353 : vector<8x1xf32>
      %floor3A_355 = math.floor %add3A_354 : vector<8x1xf32>
      %slice3A_356 = vector.extract_strided_slice %floor3A_355 {offsets = [0, 0], sizes = [1, 1], strides = [1, 1]} : vector<8x1xf32> to vector<1x1xf32>
      %slice3A_357 = vector.extract_strided_slice %floor3A_355 {offsets = [1, 0], sizes = [1, 1], strides = [1, 1]} : vector<8x1xf32> to vector<1x1xf32>
      %add3A_358 = arith.addf %slice3A_356, %slice3A_357 : vector<1x1xf32>
      %slice3A_359 = vector.extract_strided_slice %floor3A_355 {offsets = [2, 0], sizes = [1, 1], strides = [1, 1]} : vector<8x1xf32> to vector<1x1xf32>
      %add3A_360 = arith.addf %add3A_358, %slice3A_359 : vector<1x1xf32>
      %slice3A_361 = vector.extract_strided_slice %floor3A_355 {offsets = [3, 0], sizes = [1, 1], strides = [1, 1]} : vector<8x1xf32> to vector<1x1xf32>
      %add3A_362 = arith.addf %add3A_360, %slice3A_361 : vector<1x1xf32>
      %slice3A_363 = vector.extract_strided_slice %floor3A_355 {offsets = [4, 0], sizes = [1, 1], strides = [1, 1]} : vector<8x1xf32> to vector<1x1xf32>
      %add3A_364 = arith.addf %add3A_362, %slice3A_363 : vector<1x1xf32>
      %slice3A_365 = vector.extract_strided_slice %floor3A_355 {offsets = [5, 0], sizes = [1, 1], strides = [1, 1]} : vector<8x1xf32> to vector<1x1xf32>
      %add3A_366 = arith.addf %add3A_364, %slice3A_365 : vector<1x1xf32>
      %slice3A_367 = vector.extract_strided_slice %floor3A_355 {offsets = [6, 0], sizes = [1, 1], strides = [1, 1]} : vector<8x1xf32> to vector<1x1xf32>
      %add3A_368 = arith.addf %add3A_366, %slice3A_367 : vector<1x1xf32>
      %slice3A_369 = vector.extract_strided_slice %floor3A_355 {offsets = [7, 0], sizes = [1, 1], strides = [1, 1]} : vector<8x1xf32> to vector<1x1xf32>
      %add3A_370 = arith.addf %add3A_368, %slice3A_369 : vector<1x1xf32>
      %concatenate3A_371 = tpu.concatenate %slice3A_356, %add3A_358, %add3A_360, %add3A_362, %add3A_364, %add3A_366, %add3A_368, %add3A_370 in 0 : vector<1x1xf32>, vector<1x1xf32>, vector<1x1xf32>, vector<1x1xf32>, vector<1x1xf32>, vector<1x1xf32>, vector<1x1xf32>, vector<1x1xf32> -> vector<8x1xf32>
      %iota3A_372 = tpu.iota {dimensions = array<i32: 1>} : vector<8x128xi32>
      %convert_element_type3A_373 = arith.sitofp %iota3A_372 : vector<8x128xi32> to vector<8x128xf32>
      %ge3A_374 = vector.broadcast %concatenate3A_371 : vector<8x1xf32> to vector<8x128xf32>
      %ge3A_375 = arith.cmpf oge, %convert_element_type3A_373, %ge3A_374 : vector<8x128xf32>
      %jit3A_376 = arith.constant 1.000000e+00 : f32
      %jit3A_377 = arith.constant 0.000000e+00 : f32
      %broadcast_in_dim3A_378 = vector.broadcast %jit3A_376 : f32 to vector<8x128xf32>
      %broadcast_in_dim3A_379 = vector.broadcast %jit3A_377 : f32 to vector<8x128xf32>
      %select_n3A_380 = arith.select %ge3A_375, %broadcast_in_dim3A_378, %broadcast_in_dim3A_379 : vector<8x128xi1>, vector<8x128xf32>
      %reduce_sum3A_381 = arith.constant dense<0.000000e+00> : vector<128xf32>
      %reduce_sum3A_382 = vector.multi_reduction <add>, %select_n3A_380, %reduce_sum3A_381 [0] : vector<8x128xf32> to vector<128xf32>
      %broadcast_in_dim3A_383 = vector.shape_cast %reduce_sum3A_382 : vector<128xf32> to vector<1x128xf32>
      %min3A = arith.constant 7.000000e+00 : f32
      %min3A_384 = vector.broadcast %min3A : f32 to vector<1x128xf32>
      %min3A_385 = arith.minimumf %broadcast_in_dim3A_383, %min3A_384 : vector<1x128xf32>
      %iota3A_386 = tpu.iota {dimensions = array<i32: 0>} : vector<8x128xi32>
      %eq3A_387 = arith.constant 0 : i32
      %eq3A_388 = vector.broadcast %eq3A_387 : i32 to vector<8x128xi32>
      %eq3A_389 = arith.cmpi eq, %iota3A_386, %eq3A_388 : vector<8x128xi32>
      %jit3A_390 = arith.constant 0.000000e+00 : f32
      %broadcast_in_dim3A_391 = vector.shape_cast %min3A_385 : vector<1x128xf32> to vector<1x128xf32>
      %broadcast_in_dim3A_392 = vector.broadcast %broadcast_in_dim3A_391 : vector<1x128xf32> to vector<8x128xf32>
      %broadcast_in_dim3A_393 = vector.broadcast %jit3A_390 : f32 to vector<8x128xf32>
      %select_n3A_394 = arith.select %eq3A_389, %broadcast_in_dim3A_392, %broadcast_in_dim3A_393 : vector<8x128xi1>, vector<8x128xf32>
      %convert_element_type3A_395 = arith.fptosi %select_n3A_394 : vector<8x128xf32> to vector<8x128xi32>
      %swap3A_396 = arith.constant 0 : index
      %swap3A_397 = arith.constant 0 : index
      %swap3A_398 = vector.load %arg7[%swap3A_396, %swap3A_397] : memref<8x128xi32, #tpu.memory_space<vmem>>, vector<8x128xi32>
      tpu.vector_store %arg7[%swap3A_396, %swap3A_397], %convert_element_type3A_395 {strides = array<i32>} : memref<8x128xi32, #tpu.memory_space<vmem>>, vector<8x128xi32>,
    } else {
    }
    return
  }
  func.func @transform_0(%arg0: i32) -> (i32, i32) {
    %c0_i32 = arith.constant 0 : i32
    %c0_i32_0 = arith.constant 0 : i32
    %c0_i32_1 = arith.constant 0 : i32
    return %c0_i32, %c0_i32_0 : i32, i32
  }
  func.func @transform_1(%arg0: i32) -> (i32, i32) {
    %c0_i32 = arith.constant 0 : i32
    %c0_i32_0 = arith.constant 0 : i32
    %c0_i32_1 = arith.constant 0 : i32
    return %c0_i32, %c0_i32_0 : i32, i32
  }
  func.func @transform_2(%arg0: i32) -> (i32, i32) {
    %c0_i32 = arith.constant 0 : i32
    %c0_i32_0 = arith.constant 0 : i32
    %c0_i32_1 = arith.constant 0 : i32
    return %c0_i32, %c0_i32_0 : i32, i32
  }
  func.func @transform_3(%arg0: i32) -> (i32, i32) {
    %c0_i32 = arith.constant 0 : i32
    %c0_i32_0 = arith.constant 0 : i32
    %c0_i32_1 = arith.constant 0 : i32
    return %c0_i32, %c0_i32_0 : i32, i32
  }
  func.func @transform_4(%arg0: i32) -> (i32, i32) {
    %c0_i32 = arith.constant 0 : i32
    %c0_i32_0 = arith.constant 0 : i32
    %c0_i32_1 = arith.constant 0 : i32
    return %c0_i32, %c0_i32_0 : i32, i32
  }
  func.func @transform_5(%arg0: i32) -> (i32, i32) {
    %c0_i32 = arith.constant 0 : i32
    %c0_i32_0 = arith.constant 0 : i32
    %c0_i32_1 = arith.constant 0 : i32
    return %c0_i32, %c0_i32_0 : i32, i32
  }
  func.func @transform_6(%arg0: i32) -> (i32, i32) {
    %c0_i32 = arith.constant 0 : i32
    %c0_i32_0 = arith.constant 0 : i32
    %c0_i32_1 = arith.constant 0 : i32
    return %c0_i32, %c0_i32_0 : i32, i32
  }
  func.func @transform_7(%arg0: i32) -> (i32, i32) {
    %c0_i32 = arith.constant 0 : i32
    %c0_i32_0 = arith.constant 0 : i32
    %c0_i32_1 = arith.constant 0 : i32
    return %c0_i32, %c0_i32_0 : i32, i32
  }
}

module attributes {stable_mosaic.version = 14 : i64} {
  func.func @_routed_body(%arg0: i32, %arg1: memref<23xi32, #tpu.memory_space<smem>>, %arg2: memref<256x1024xf32, #tpu.memory_space<vmem>>, %arg3: memref<256x1xf32, #tpu.memory_space<vmem>>, %arg4: memref<1x1024x1024xf32, #tpu.memory_space<vmem>>, %arg5: memref<1x512x1024xf32, #tpu.memory_space<vmem>>, %arg6: memref<256x1024xf32, #tpu.memory_space<vmem>>) attributes {dimension_semantics = [#tpu.dimension_semantics<arbitrary>], iteration_bounds = array<i64: 23>, scalar_prefetch = 1 : i64, scratch_operands = 0 : i64, tpu.core_type = #tpu.core_type<tc>, window_params = [{transform_indices = @transform_0, window_bounds = array<i64: 256, 1024>}, {transform_indices = @transform_1, window_bounds = array<i64: 256, 1>}, {transform_indices = @transform_2, window_bounds = array<i64: 1, 1024, 1024>}, {transform_indices = @transform_3, window_bounds = array<i64: 1, 512, 1024>}, {transform_indices = @transform_4, window_bounds = array<i64: 256, 1024>}]} {
    %get3A = arith.constant 0 : index
    %get3A_0 = arith.constant 0 : index
    %get3A_1 = vector.load %arg2[%get3A, %get3A_0] : memref<256x1024xf32, #tpu.memory_space<vmem>>, vector<256x1024xf32>
    %get3A_2 = arith.constant 0 : index
    %get3A_3 = arith.constant 0 : index
    %get3A_4 = arith.constant 0 : index
    %get3A_5 = vector.load %arg4[%get3A_2, %get3A_3, %get3A_4] : memref<1x1024x1024xf32, #tpu.memory_space<vmem>>, vector<1x1024x1024xf32>
    %get3A_6 = vector.shape_cast %get3A_5 : vector<1x1024x1024xf32> to vector<1024x1024xf32>
    %dot_general3A = arith.constant dense<0.000000e+00> : vector<256x1024xf32>
    %dot_general3A_7 = tpu.matmul %get3A_1, %get3A_6, %dot_general3A {dimension_numbers = #tpu.dot_dimension_numbers<[1], [0], [0], [1], [0, 0, 1, 1], [], []>, transpose_lhs_hint = false} : vector<256x1024xf32>, vector<1024x1024xf32>, vector<256x1024xf32> -> vector<256x1024xf32>
    %slice3A = vector.extract_strided_slice %dot_general3A_7 {offsets = [0, 0], sizes = [256, 512], strides = [1, 1]} : vector<256x1024xf32> to vector<256x512xf32>
    %logistic3A = arith.negf %slice3A : vector<256x512xf32>
    %logistic3A_8 = math.exp %logistic3A : vector<256x512xf32>
    %logistic3A_9 = arith.constant 1.000000e+00 : f32
    %logistic3A_10 = vector.broadcast %logistic3A_9 : f32 to vector<256x512xf32>
    %logistic3A_11 = arith.addf %logistic3A_10, %logistic3A_8 : vector<256x512xf32>
    %logistic3A_12 = arith.divf %logistic3A_10, %logistic3A_11 : vector<256x512xf32>
    %mul3A = arith.mulf %slice3A, %logistic3A_12 : vector<256x512xf32>
    %slice3A_13 = vector.extract_strided_slice %dot_general3A_7 {offsets = [0, 512], sizes = [256, 512], strides = [1, 1]} : vector<256x1024xf32> to vector<256x512xf32>
    %mul3A_14 = arith.mulf %mul3A, %slice3A_13 : vector<256x512xf32>
    %get3A_15 = arith.constant 0 : index
    %get3A_16 = arith.constant 0 : index
    %get3A_17 = arith.constant 0 : index
    %get3A_18 = vector.load %arg5[%get3A_15, %get3A_16, %get3A_17] : memref<1x512x1024xf32, #tpu.memory_space<vmem>>, vector<1x512x1024xf32>
    %get3A_19 = vector.shape_cast %get3A_18 : vector<1x512x1024xf32> to vector<512x1024xf32>
    %dot_general3A_20 = arith.constant dense<0.000000e+00> : vector<256x1024xf32>
    %dot_general3A_21 = tpu.matmul %mul3A_14, %get3A_19, %dot_general3A_20 {dimension_numbers = #tpu.dot_dimension_numbers<[1], [0], [0], [1], [0, 0, 1, 1], [], []>, transpose_lhs_hint = false} : vector<256x512xf32>, vector<512x1024xf32>, vector<256x1024xf32> -> vector<256x1024xf32>
    %get3A_22 = arith.constant 0 : index
    %get3A_23 = arith.constant 0 : index
    %get3A_24 = vector.load %arg3[%get3A_22, %get3A_23] : memref<256x1xf32, #tpu.memory_space<vmem>>, vector<256x1xf32>
    %mul3A_25 = vector.broadcast %get3A_24 : vector<256x1xf32> to vector<256x1024xf32>
    %mul3A_26 = arith.mulf %dot_general3A_21, %mul3A_25 : vector<256x1024xf32>
    %swap3A = arith.constant 0 : index
    %swap3A_27 = arith.constant 0 : index
    %swap3A_28 = vector.load %arg6[%swap3A, %swap3A_27] : memref<256x1024xf32, #tpu.memory_space<vmem>>, vector<256x1024xf32>
    tpu.vector_store %arg6[%swap3A, %swap3A_27], %mul3A_26 {strides = array<i32>} : memref<256x1024xf32, #tpu.memory_space<vmem>>, vector<256x1024xf32>,
    return
  }
  func.func @transform_0(%arg0: i32, %arg1: memref<23xi32, #tpu.memory_space<smem>>) -> (i32, i32) {
    %c0_i32 = arith.constant 0 : i32
    %c0_i32_0 = arith.constant 0 : i32
    return %arg0, %c0_i32 : i32, i32
  }
  func.func @transform_1(%arg0: i32, %arg1: memref<23xi32, #tpu.memory_space<smem>>) -> (i32, i32) {
    %c0_i32 = arith.constant 0 : i32
    %c0_i32_0 = arith.constant 0 : i32
    return %arg0, %c0_i32 : i32, i32
  }
  func.func @transform_2(%arg0: i32, %arg1: memref<23xi32, #tpu.memory_space<smem>>) -> (i32, i32, i32) {
    %get3A = arith.index_cast %arg0 : i32 to index
    %get3A_0 = memref.load %arg1[%get3A] : memref<23xi32, #tpu.memory_space<smem>>
    %c0_i32 = arith.constant 0 : i32
    %c0_i32_1 = arith.constant 0 : i32
    %c0_i32_2 = arith.constant 0 : i32
    return %get3A_0, %c0_i32, %c0_i32_1 : i32, i32, i32
  }
  func.func @transform_3(%arg0: i32, %arg1: memref<23xi32, #tpu.memory_space<smem>>) -> (i32, i32, i32) {
    %get3A = arith.index_cast %arg0 : i32 to index
    %get3A_0 = memref.load %arg1[%get3A] : memref<23xi32, #tpu.memory_space<smem>>
    %c0_i32 = arith.constant 0 : i32
    %c0_i32_1 = arith.constant 0 : i32
    %c0_i32_2 = arith.constant 0 : i32
    return %get3A_0, %c0_i32, %c0_i32_1 : i32, i32, i32
  }
  func.func @transform_4(%arg0: i32, %arg1: memref<23xi32, #tpu.memory_space<smem>>) -> (i32, i32) {
    %c0_i32 = arith.constant 0 : i32
    %c0_i32_0 = arith.constant 0 : i32
    return %arg0, %c0_i32 : i32, i32
  }
}

</mosaic_0001>

<sc_bundles>
// kernel: kernel.6.cloned.1.call-start
scs
__scs_entry_jumppad:
0x0: {  	(pc) =	sbr.rel $0x88, $3  }
0x1: {  	(tag) =	ssettag $0x0;
	lr =	simm.s32 $0x1  }
0x2: {  	[smem:$0x3F9A] =	sst lr;
	_ =	strace $0xD0000000  }
0x3: {  	_ = 	snop  }
0x4: {  	_ = 	snop  }
0x5: {  	_ = 	snop  }
0x6: {  	_ = 	snop  }
0x7: {  	_ = 	snop  }
__scs_overlays_trampoline_lowered:
0x8: {  	[smem:$0x3FA9] =	sst s0  }
0x9: {  	[smem:$0x3FAA] =	sst s1  }
0xa: {  	[smem:$0x3FAB] =	sst s2  }
0xb: {  	[smem:$0x3FAC] =	sst s3  }
0xc: {  	[smem:$0x3FAD] =	sst s4  }
0xd: {  	[smem:$0x3FAE] =	sst s5  }
0xe: {  	[smem:$0x3FAF] =	sst s6  }
0xf: {  	[smem:$0x3FB0] =	sst s7  }
0x10: {  	[smem:$0x3FB1] =	sst s8  }
0x11: {  	[smem:$0x3FB2] =	sst s9;
	s0 =	simm.s32 @!p0 $0x0  }
0x12: {  	s1 =	sld [smem:$0x3F98];
	s0 =	simm.s32 @p0 $0x1  }
0x13: {  	[smem:$0x3FB3] =	sst s0;
	s0 =	simm.s32 @!p1 $0x0  }
0x14: {  	s2 =	sld [smem:$0x3F97];
	s0 =	simm.s32 @p1 $0x1  }
0x15: {  	[smem:$0x3FB4] =	sst s0;
	s0 =	simm.s32 @!p2 $0x0  }
0x16: {  	s3 =	sld [smem:$0x3FDB];
	s0 =	simm.s32 @p2 $0x1  }
0x17: {  	s4 =	simm.s32 $0x1BF5;
	[smem:$0x3FB6] =	sst s0  }
0x18: {  	s0 =	sld [smem:$0x3F99];
	_ =	swait.ge [sflag:s4], $0x0  }
0x19: {  	s7 =	sld [smem:$0x3F9A]  }
0x1a: {  	s8 =	sadd.s32 $0xFFFFE003, lr  }
0x1b: {  	s9 =	sadd.s32 $0xFFFFFEF7, lr;
	s5 =	simm.s32 $0xFFFFFFFF;
	p2 =	slt.u32 s8, $0xFFFFF086  }
0x1c: {  	p1 =	slt.u32 s9, $0xF7A;
	s5 =	simm.s32 @!p2 $0x0  }
0x1d: {  	s5 =	simm.s32 @p1 $0x1;
	p0 =	seq.s32 s7, s2  }
0x1e: {  	s7 =	smul.u32 @!p0 $0xF7A, s2;
	p2 =	seq.s32 @!p0 s5, $0x0  }
0x1f: {  	s9 =	smul.u32 $0xF7A, s1;
	s8 =	simm.s32 @!p0 $0x1BF5;
	p2 =	por !p2, p0  }
0x20: {  	[sflag:s8] =	ssyncset.s32 @!p0 $0xFFFFF086;
	s6 =	sadd.s32 @!p0 s3, s7;
	s7 =	simm.s32 @!p0 $0x108  }
0x21: {  	s3 =	sadd.s32 s3, s9;
	s6 =	sadd.s32 @!p0 $0x88, s6;
	s7 =	simm.s32 @p2 $0x1082  }
0x22: {  	[simem:s7], [sflag:s8] =	dma.local @!p0 [hbm:s6], $0xF7A  }
0x23: {  	s9 =	sor.u32 $0xD0000000, s2;
	s6 =	simm.s32 $0x108;
	_ =	swait.ge @!p0 [sflag:s8], $0x0  }
0x24: {  	s3 =	sadd.s32 $0x88, s3;
	s6 =	simm.s32 @!p1 $0x1082;
	[sflag:s4] =	ssyncset.s32 $0xFFFFF086  }
0x25: {  	[simem:s6], [sflag:s4] =	dma.local [hbm:s3], $0xF7A  }
0x26: {  	[smem:$0x3F9A] =	sst s1;
	(tag) =	ssettag s2;
	_ =	strace s9  }
0x27: {  	s1 =	sld [smem:$0x3FAA]  }
0x28: {  	s2 =	sld [smem:$0x3FAB]  }
0x29: {  	s4 =	sld [smem:$0x3FAD]  }
0x2a: {  	p0 =	seq.s32 s5, $0x0;
	s5 =	sld [smem:$0x3FAE]  }
0x2b: {  	s6 =	sld [smem:$0x3FAF]  }
0x2c: {  	s7 =	sld [smem:$0x3FB0]  }
0x2d: {  	s3 =	simm.s32 $0x108;
	s8 =	sld [smem:$0x3FB1]  }
0x2e: {  	s3 =	simm.s32 @!p0 $0x1082;
	s9 =	sld [smem:$0x3FB2]  }
0x2f: {  	lr =	sadd.s32 s0, s3;
	s0 =	sld [smem:$0x3FA9]  }
0x30: {  	s3 =	sld [smem:$0x3FAC]  }
0x31: {  	[smem:$0x3FB5] =	sst s10  }
0x32: {  	s10 =	sld [smem:$0x3FB3];
	_ =	sdelay $0x3  }
0x33: {  	p0 =	seq.s32 s10, $0x1;
	s10 =	sld [smem:$0x3FB5];
	_ =	sdelay $0x3  }
0x34: {  	[smem:$0x3FB5] =	sst s10  }
0x35: {  	s10 =	sld [smem:$0x3FB4];
	_ =	sdelay $0x3  }
0x36: {  	p1 =	seq.s32 s10, $0x1;
	s10 =	sld [smem:$0x3FB5];
	_ =	sdelay $0x3  }
0x37: {  	[smem:$0x3FB5] =	sst s10  }
0x38: {  	s10 =	sld [smem:$0x3FB6]  }
0x39: {  	_ = 	snop;
	(pc) =	sbr.ind lr, $3  }
0x3a: {  	_ = 	snop  }
0x3b: {  	_ = 	snop  }
0x3c: {  	p2 =	seq.s32 s10, $0x1;
	s10 =	sld [smem:$0x3FB5]  }
0x3d: {  	_ =	shalt  }
0x3e: {  	_ =	shalt  }
0x3f: {  	_ =	shalt  }
0x40: {  	_ =	shalt  }
0x41: {  	_ =	shalt  }
0x42: {  	_ =	shalt  }
0x43: {  	_ =	shalt  }
0x44: {  	_ =	shalt  }
0x45: {  	_ =	shalt  }
0x46: {  	_ =	shalt  }
0x47: {  	_ =	shalt  }
0x48: {  	_ =	shalt  }
0x49: {  	_ =	shalt  }
0x4a: {  	_ =	shalt  }
0x4b: {  	_ =	shalt  }
0x4c: {  	_ =	shalt  }
0x4d: {  	_ =	shalt  }
0x4e: {  	_ =	shalt  }
0x4f: {  	_ =	shalt  }
0x50: {  	_ =	shalt  }
0x51: {  	_ =	shalt  }
0x52: {  	_ =	shalt  }
0x53: {  	_ =	shalt  }
0x54: {  	_ =	shalt  }
0x55: {  	_ =	shalt  }
0x56: {  	_ =	shalt  }
0x57: {  	_ =	shalt  }
0x58: {  	_ =	shalt  }
0x59: {  	_ =	shalt  }
0x5a: {  	_ =	shalt  }
0x5b: {  	_ =	shalt  }
0x5c: {  	_ =	shalt  }
0x5d: {  	_ =	shalt  }
0x5e: {  	_ =	shalt  }
0x5f: {  	_ =	shalt  }
0x60: {  	_ =	shalt  }
0x61: {  	_ =	shalt  }
0x62: {  	_ =	shalt  }
0x63: {  	_ =	shalt  }
0x64: {  	_ =	shalt  }
0x65: {  	_ =	shalt  }
0x66: {  	_ =	shalt  }
0x67: {  	_ =	shalt  }
0x68: {  	_ =	shalt  }
0x69: {  	_ =	shalt  }
0x6a: {  	_ =	shalt  }
0x6b: {  	_ =	shalt  }
0x6c: {  	_ =	shalt  }
0x6d: {  	_ =	shalt  }
0x6e: {  	_ =	shalt  }
0x6f: {  	_ =	shalt  }
0x70: {  	_ =	shalt  }
0x71: {  	_ =	shalt  }
0x72: {  	_ =	shalt  }
0x73: {  	_ =	shalt  }
0x74: {  	_ =	shalt  }
0x75: {  	_ =	shalt  }
0x76: {  	_ =	shalt  }
0x77: {  	_ =	shalt  }
0x78: {  	_ =	shalt  }
0x79: {  	_ =	shalt  }
0x7a: {  	_ =	shalt  }
0x7b: {  	_ =	shalt  }
0x7c: {  	_ =	shalt  }
0x7d: {  	_ =	shalt  }
0x7e: {  	_ =	shalt  }
0x7f: {  	_ =	shalt  }
0x80: {  	_ =	shalt  }
0x81: {  	_ =	shalt  }
0x82: {  	_ =	shalt  }
0x83: {  	_ =	shalt  }
0x84: {  	_ =	shalt  }
0x85: {  	_ =	shalt  }
0x86: {  	_ =	shalt  }
0x87: {  	_ =	shalt  }
.Lfunc_end0:
.L_simem_size_0:
called_computation_lowered:
.L_overlay_start_0:
0x88: {  	s2 =	sld [smem:$0x3FD9]  }
0x89: {  	s3 =	sld [smem:$0x3FFE];
	_ =	sdelay $0x1  }
0x8a: {  	s1 =	srdreg.scid  }
0x8b: {  	s0 =	sand.u32 $0x1, s1  }
0x8c: {  	s17 =	sshll.u32 s0, $0xA;
	s2 =	sadd.s32 s3, s2  }
0x8d: {  	s2 =	sadd.s32 s2, s17  }
0x8e: {  	[smem:$0x3FC1] =	sst s2  }
0x8f: {  	_ = 	snop  }
0x90: {  	s2 =	sld [smem:$0x3FC9]  }
0x91: {  	s18 =	sld [smem:$0x3FD0];
	(tm) =	ssettm $0x1  }
0x92: {  	s4 =	sld [smem:$0x3FFB];
	_ =	sdelay $0x3  }
0x93: {  	_ =	strace s4  }
0x94: {  	s4 =	sld [smem:$0x3FFC];
	_ =	sdelay $0x3  }
0x95: {  	_ =	strace s4  }
0x96: {  	s4 =	sld [smem:$0x3FFD];
	_ =	sdelay $0x3  }
0x97: {  	_ =	strace s4  }
0x98: {  	_ =	strace $0x8FFFFFFF  }
0x99: {  	s19 =	sld [smem:$0x3FDB];
	_ =	sdelay $0x1  }
0x9a: {  	s5 =	simm.s32 $_scs_section_size  }
0x9b: {  	s6 =	simm.s32 $_size__tile_overlayer_lowered;
	s7 =	simm.s32 $_tile_overlayer_lowered  }
0x9c: {  	s22 =	simm.s32 $0x1BFF;
	s21 =	sshll.u32 s7, $0x1;
	s4 =	sadd.s32 s5, s19  }
0x9d: {  	s8 =	simm.s32 $0x0;
	s20 =	sshll.u32 s6, $0x1;
	s6 =	sadd.s32 s21, s4  }
0x9e: {  	[timem:s8], [sflag:s22] =	dma.local [hbm:s6], s20  }
0x9f: {  	_ =	swait.ge [sflag:s22], s20  }
0xa0: {  	s5 =	ssub.s32 $0x0, s20;
	[sflag:s22] =	ssyncset.done $0x0  }
0xa1: {  	[sflag:s22] =	ssyncadd.s32 s5;
	_ =	sdelay $0x1  }
0xa2: {  	s23 =	simm.s32 $0x1B8B  }
0xa3: {  	_ =	swait.ge [sflag:s23], $0x1  }
0xa4: {  	[sflag:s23] =	ssyncset.done $0x0  }
0xa5: {  	s25 =	simm.s32 $0x1B8E;
	s24 =	sld [smem:$0x3FFE];
	[sflag:s23] =	ssyncadd.s32 $0xFFFFFFFF  }
0xa6: {  	s26 =	simm.s32 $execute0_lowered;
	[smem:$0x3FD2] =	sst s25  }
0xa7: {  	s6 =	sshll.u32 s26, $0x1;
	_ =	strace $0x80000046;
	[dreg:$0x1] =	wrdreg $0xFFFFFFFF  }
0xa8: {  	s28 =	simm.s32 $_size_execute0_lowered;
	s4 =	sadd.s32 s4, s6;
	[dreg:$0x0] =	wrdreg $0x0  }
0xa9: {  	s6 =	sshll.u32 s28, $0x1;
	[dreg:$0x2] =	wrdreg s4  }
0xaa: {  	[dreg:$0x3] =	wrdreg s6  }
0xab: {  	[dreg:$0x4] =	wrdreg $0xC0  }
0xac: {  	_ =	task [dreg:s8], $0x5FFFF  }
0xad: {  	[dreg:$0x1] =	wrdreg $0xFFFFFFFF  }
0xae: {  	[dreg:$0x0] =	wrdreg $0x60  }
0xaf: {  	[dreg:$0x2] =	wrdreg s24  }
0xb0: {  	[dreg:$0x3] =	wrdreg s2  }
0xb1: {  	[dreg:$0x4] =	wrdreg s18  }
0xb2: {  	[dreg:$0x5] =	wrdreg $0x9  }
0xb3: {  	_ =	task.clear_ibuf [dreg:s8], $0x6FFFF;
	_ =	strace $0x90000046  }
0xb4: {  	s29 =	simm.s32 $0x9;
	_ =	strace $0x80000048  }
0xb5: {  	_ =	swait.ge [sflag:s29], $0x1  }
0xb6: {  	[sflag:s29] =	ssyncadd.s32 $0xFFFFFFFF  }
0xb7: {  	_ =	strace $0x90000048  }
0xb8: {  	_ =	sfence  }
0xb9: {  	s30 =	sld [smem:$0x0];
	_ =	sdelay $0x2  }
0xba: {  	s31 =	sshll.u32 s1, $0xD;
	s1 =	sshrl.u32 s1, $0x2  }
0xbb: {  	s3 =	sand.u32 $0x4000, s31;
	s1 =	sadd.s32 s1, s30  }
0xbc: {  	s0 =	sor.u32 s3, s0;
	s1 =	sshll.u32 s1, $0x11  }
0xbd: {  	s0 =	sor.u32 s1, s0  }
0xbe: {  	s0 =	sadd.s32 $0x8F2B, s0  }
0xbf: {  	[sflag:s0] =	ssyncadd.remote.s32 $0x1  }
0xc0: {  	_ =	sfence.sel $0xFFFF  }
0xc1: {  	[dreg:$0x0] =	wrdreg $0xFFFFFFFF;
	(pc) =	sbr.abs _section_cstart, $3  }
0xc2: {  	[dreg:$0x1] =	wrdreg $0xFFFFFFFF  }
0xc3: {  	_ =	task.clear_ibuf [dreg:s8], $0x2FFFF;
	_ =	strace $0x9FFFFFFF  }
0xc4: {  	(tm) =	ssettm $0x7FFFFFFF  }
0xc5: {  	_ =	shalt  }
tec
execute0_lowered:
.L_overlay_start_1:
0x0: {  	(tag) =	ssettag $0x1  }
0x1: {  	s0 =	rddreg [dreg:$0x0];
	s1 =	srdreg.scid  }
0x2: {  	s2 =	rddreg [dreg:$0x1];
	s7 =	stileid.u32  }
0x3: {  	s3 =	simm.s32 $0x0;
	s19 =	simm.s32 $0x10000;
	s20 =	simm.s32 $0x10080  }
0x4: {  	s21 =	simm.s32 $0x10100;
	s9 =	simm.s32 $0x2;
	s22 =	simm.s32 $0x10180  }
0x5: {  	s23 =	simm.s32 $0x10200;
	s24 =	simm.s32 $0x10300;
	s25 =	simm.s32 $0x10280  }
0x6: {  	s26 =	simm.s32 $0x10380;
	s28 =	simm.s32 $0x4800;
	[smem:$0x7FF] =	sst s3  }
0x7: {  	s29 =	simm.s32 $0x5000;
	_ =	strace $0x80000047;
	[dreg:$0x9] =	wrdreg s19  }
0x8: {  	s30 =	simm.s32 $0x5800;
	s31 =	simm.s32 $0x6000;
	[dreg:$0xa] =	wrdreg s20  }
0x9: {  	s10 =	simm.s32 $0x8000;
	s11 =	simm.s32 $0x8800;
	[dreg:$0xb] =	wrdreg s21  }
0xa: {  	s12 =	simm.s32 $0x9000;
	s13 =	simm.s32 $0x9800;
	[dreg:$0xc] =	wrdreg s22  }
0xb: {  	s1 =	sand.u32 $0x1, s1;
	s5 =	sshll.u32 s7, $0x7;
	[dreg:$0xd] =	wrdreg s23  }
0xc: {  	s17 =	sshll.u32 s7, $0xE;
	s7 =	sadd.s32 $0x42500, s0;
	[dreg:$0xe] =	wrdreg s24  }
0xd: {  	s4 =	sshll.u32 s1, $0x3;
	s6 =	ssub.s32 $0x2, s1;
	[dreg:$0xf] =	wrdreg s25  }
0xe: {  	s1 =	sshll.u32 s1, $0xD;
	[dreg:$0x10] =	wrdreg s26;
	s24 =	simm.s32 $0x3000  }
0xf: {  	s25 =	simm.s32 $0x3800;
	s26 =	simm.s32 $0x4000;
	s4 =	sor.u32 s4, s5  }
0x10: {  	s1 =	sadd.s32 s2, s1;
	s18 =	sshrl.u32 s6, $0x1;
	s5 =	sadd.s32 $0x42300, s0  }
0x11: {  	s4 =	sadd.s32 s4, s0;
	s1 =	sadd.s32 s17, s1;
	s2 =	ssub.s32 s6, s18  }
0x12: {  	s6 =	sadd.s32 $0x42400, s0;
	s14 =	sadd.s32 $0x1A00, s4;
	[dreg:$0x8] =	wrdreg s1  }
0x13: {  	s18 =	simm.s32 $0x1;
	s15 =	sadd.s32 $0x1A10, s4;
	[dreg:$0x4] =	wrdreg s14  }
0x14: {  	s17 =	simm.s32 $0xB800;
	s16 =	sadd.s32 $0x1A20, s4;
	[dreg:$0x5] =	wrdreg s15  }
0x15: {  	v2 =	vlaneseq.u32;
	s4 =	sadd.s32 $0x1A30, s4;
	s8 =	smax.u32 s2, $0x1;
	[dreg:$0x6] =	wrdreg s16  }
0x16: {  	vm0 =	vmmov $0xffff;
	v1 =	vshrl.u32 v2, $0x3;
	s2 =	simm.s32 $0x7800;
	[dreg:$0x7] =	wrdreg s4;
	s4 =	sadd.s32 $0x42200, s0  }
0x17: {  	v0 =	vand.u32 $0x7, v2;
	v2 =	vor.u32 $0x8, v2;
	v1 =	vmul.u32 $0x8, v1;
	s14 =	simm.s32 $0xA000;
	s15 =	simm.s32 $0xA800;
	s16 =	simm.s32 $0xB000  }
.LBB2_1:
0x18: {  	s19 =	rddreg [dreg:$0x4]  }
0x19: {  	s20 =	rddreg [dreg:$0x9]  }
0x1a: {  	[tilespmem:s20], [sflag:$0x2] =	stream.linear.gather [hbm4b:s19+s3], $0x40, $0x38;
	[tilespmem:$0x10400] =	vst v63  }
0x1b: {  	_ =	swait.ge [sflag:s9], $0x40  }
0x1c: {  	s20 =	rddreg [dreg:$0x5];
	[sflag:s9] =	ssyncset.done $0x0  }
0x1d: {  	s21 =	rddreg [dreg:$0xa];
	[sflag:s9] =	ssyncadd.s32 $0xFFFFFFC0  }
0x1e: {  	[tilespmem:s21], [sflag:$0x2] =	stream.linear.gather [hbm4b:s20+s3], $0x40, $0x38;
	[tilespmem:$0x10400] =	vst v63  }
0x1f: {  	_ =	swait.ge [sflag:s9], $0x40  }
0x20: {  	s22 =	rddreg [dreg:$0x6];
	[sflag:s9] =	ssyncset.done $0x0  }
0x21: {  	s23 =	rddreg [dreg:$0xb];
	[sflag:s9] =	ssyncadd.s32 $0xFFFFFFC0  }
0x22: {  	[tilespmem:s23], [sflag:$0x2] =	stream.linear.gather [hbm4b:s22+s3], $0x40, $0x38;
	[tilespmem:$0x10400] =	vst v63  }
0x23: {  	_ =	swait.ge [sflag:s9], $0x40  }
0x24: {  	s0 =	rddreg [dreg:$0x7];
	[sflag:s9] =	ssyncset.done $0x0  }
0x25: {  	s1 =	rddreg [dreg:$0xc];
	[sflag:s9] =	ssyncadd.s32 $0xFFFFFFC0  }
0x26: {  	[tilespmem:s1], [sflag:$0x2] =	stream.linear.gather [hbm4b:s0+s3], $0x40, $0x38;
	[tilespmem:$0x10400] =	vst v63  }
0x27: {  	_ =	swait.ge [sflag:s9], $0x40  }
0x28: {  	[sflag:s9] =	ssyncset.done $0x0  }
0x29: {  	s21 =	rddreg [dreg:$0x8];
	[sflag:s9] =	ssyncadd.s32 $0xFFFFFFC0  }
0x2a: {  	[tilespmem:s3], [sflag:$0x2] =	stream.linear.gather [hbm4b:s21+s3], $0x10000, $0x38;
	[tilespmem:$0x10400] =	vst v63  }
0x2b: {  	_ =	swait.ge [sflag:s9], $0x10000  }
0x2c: {  	[sflag:s9] =	ssyncset.done $0x0  }
0x2d: {  	[sflag:s9] =	ssyncadd.s32 $0xFFFF0000  }
0x2e: {  	v3 =	vld [tilespmem:$0x10000]  }
0x2f: {  	v4 =	vld [tilespmem:$0x10080]  }
0x30: {  	v5 =	vld [tilespmem:$0x10100]  }
0x31: {  	v6 =	vld [tilespmem:$0x10180]  }
0x32: {  	v7 =	vld [tilespmem:$0x10010]  }
0x33: {  	v8 =	vld [tilespmem:$0x10090]  }
0x34: {  	v9 =	vld [tilespmem:$0x10110]  }
0x35: {  	v46 =	vld [tilespmem:$0x10190];
	v3 =	vtrunc.f32 v3  }
0x36: {  	v47 =	vld [tilespmem:$0x10120];
	v3 =	vcvt.f32.s32 v3  }
0x37: {  	v50 =	vld [tilespmem:$0x100B0]  }
0x38: {  	v51 =	vld [tilespmem:$0x101A0];
	[tilespmem:$0x10200] =	vst v3  }
0x39: {  	[tilespmem:$0x10300] =	vst v5;
	v44 =	vld [tilespmem:$0x10200]  }
0x3a: {  	v54 =	vld [tilespmem:$0x10130];
	[tilespmem:$0x10380] =	vst v6  }
0x3b: {  	v56 =	vld [tilespmem:$0x101B0];
	[tilespmem:$0x10310] =	vst v9  }
0x3c: {  	[tilespmem:$0x10390] =	vst v46;
	v3 =	vld [tilespmem:$0x100A0]  }
0x3d: {  	v4 =	vtrunc.f32 v4;
	v43 =	vtrunc.f32 v7;
	[tilespmem:$0x10320] =	vst v47  }
0x3e: {  	v10 =	vld [tilespmem:$0x10020];
	v45 =	vtrunc.f32 v8;
	v55 =	vtrunc.f32 v50;
	[tilespmem:$0x103A0] =	vst v51;
	v11 =	vshll.u32 v44, $0x3  }
0x3f: {  	v48 =	vld [tilespmem:$0x10030];
	[tilespmem:$0x10330] =	vst v54;
	v4 =	vcvt.f32.s32 v4;
	v7 =	vand.u32 $0x7, v44;
	v52 =	vand.u32 $0xFFFFFFC0, v11  }
0x40: {  	[tilespmem:$0x103B0] =	vst v56;
	v5 =	vcvt.f32.s32 v45;
	v6 =	vcvt.f32.s32 v55;
	v53 =	vor.u32 v7, v52  }
0x41: {  	[tilespmem:$0x10280] =	vst v4;
	v3 =	vtrunc.f32 v3;
	v7 =	vperm.xlane v53, v0  }
0x42: {  	[tilespmem:$0x10290] =	vst v5;
	v3 =	vcvt.f32.s32 v3  }
0x43: {  	v49 =	vtrunc.f32 v10;
	v4 =	vcvt.f32.s32 v43;
	[tilespmem:$0x102B0] =	vst v6;
	v7 =	vadd.s32 v1, v7  }
0x44: {  	v5 =	vcvt.f32.s32 v49;
	[tilespmem:$0x102A0] =	vst v3;
	v3 =	vtrunc.f32 v48  }
0x45: {  	[tilespmem:$0x10210] =	vst v4;
	v3 =	vcvt.f32.s32 v3  }
0x46: {  	[tilespmem:$0x10220] =	vst v5  }
0x47: {  	[tilespmem:$0x10230] =	vst v3  }
0x48: {  	[hbm4b:s4+s3] =	stream.indirect_vreg.scatter [tilespmem:s3], [sflag:$0x1], $0x80, v7, vm0, $0xb8;
	[tilespmem:$0x10400] =	vst v63  }
0x49: {  	s19 =	simm.s32 $0x800;
	v3 =	vperm.xlane v53, v2  }
0x4a: {  	[hbm4b:s5+s3] =	stream.indirect_vreg.scatter [tilespmem:s19], [sflag:$0x1], $0x80, v7, vm0, $0xb8;
	[tilespmem:$0x10400] =	vst v63  }
0x4b: {  	s20 =	simm.s32 $0x1000;
	v3 =	vadd.s32 v1, v3  }
0x4c: {  	[hbm4b:s6+s3] =	stream.indirect_vreg.scatter [tilespmem:s20], [sflag:$0x1], $0x80, v7, vm0, $0xb8;
	[tilespmem:$0x10400] =	vst v63  }
0x4d: {  	s21 =	simm.s32 $0x1800  }
0x4e: {  	[hbm4b:s7+s3] =	stream.indirect_vreg.scatter [tilespmem:s21], [sflag:$0x1], $0x80, v7, vm0, $0xb8;
	[tilespmem:$0x10400] =	vst v63  }
0x4f: {  	s22 =	simm.s32 $0x2000  }
0x50: {  	[hbm4b:s4+s3] =	stream.indirect_vreg.scatter [tilespmem:s22], [sflag:$0x1], $0x80, v3, vm0, $0xb8;
	[tilespmem:$0x10400] =	vst v63  }
0x51: {  	s23 =	simm.s32 $0x2800  }
0x52: {  	[hbm4b:s5+s3] =	stream.indirect_vreg.scatter [tilespmem:s23], [sflag:$0x1], $0x80, v3, vm0, $0xb8;
	[tilespmem:$0x10400] =	vst v63  }
0x53: {  	_ = 	snop  }
0x54: {  	[hbm4b:s6+s3] =	stream.indirect_vreg.scatter [tilespmem:s24], [sflag:$0x1], $0x80, v3, vm0, $0xb8;
	[tilespmem:$0x10400] =	vst v63  }
0x55: {  	_ = 	snop  }
0x56: {  	[hbm4b:s7+s3] =	stream.indirect_vreg.scatter [tilespmem:s25], [sflag:$0x1], $0x80, v3, vm0, $0xb8;
	[tilespmem:$0x10400] =	vst v63  }
0x57: {  	v3 =	vld [tilespmem:$0x10210];
	_ =	sdelay $0x4  }
0x58: {  	v57 =	vshll.u32 v3, $0x3  }
0x59: {  	v3 =	vand.u32 $0x7, v3;
	v4 =	vand.u32 $0xFFFFFFC0, v57  }
0x5a: {  	v3 =	vor.u32 v3, v4  }
0x5b: {  	v4 =	vperm.xlane v3, v0;
	_ =	sdelay $0x1  }
0x5c: {  	v4 =	vadd.s32 v1, v4;
	_ =	sdelay $0x4  }
0x5d: {  	[hbm4b:s4+s3] =	stream.indirect_vreg.scatter [tilespmem:s26], [sflag:$0x1], $0x80, v4, vm0, $0xb8;
	[tilespmem:$0x10400] =	vst v63  }
0x5e: {  	v3 =	vperm.xlane v3, v2  }
0x5f: {  	[hbm4b:s5+s3] =	stream.indirect_vreg.scatter [tilespmem:s28], [sflag:$0x1], $0x80, v4, vm0, $0xb8;
	[tilespmem:$0x10400] =	vst v63  }
0x60: {  	v3 =	vadd.s32 v1, v3  }
0x61: {  	[hbm4b:s6+s3] =	stream.indirect_vreg.scatter [tilespmem:s29], [sflag:$0x1], $0x80, v4, vm0, $0xb8;
	[tilespmem:$0x10400] =	vst v63  }
0x62: {  	_ = 	snop  }
0x63: {  	[hbm4b:s7+s3] =	stream.indirect_vreg.scatter [tilespmem:s30], [sflag:$0x1], $0x80, v4, vm0, $0xb8;
	[tilespmem:$0x10400] =	vst v63  }
0x64: {  	_ = 	snop  }
0x65: {  	[hbm4b:s4+s3] =	stream.indirect_vreg.scatter [tilespmem:s31], [sflag:$0x1], $0x80, v3, vm0, $0xb8;
	[tilespmem:$0x10400] =	vst v63  }
0x66: {  	s1 =	simm.s32 $0x6800  }
0x67: {  	[hbm4b:s5+s3] =	stream.indirect_vreg.scatter [tilespmem:s1], [sflag:$0x1], $0x80, v3, vm0, $0xb8;
	[tilespmem:$0x10400] =	vst v63  }
0x68: {  	s0 =	simm.s32 $0x7000  }
0x69: {  	[hbm4b:s6+s3] =	stream.indirect_vreg.scatter [tilespmem:s0], [sflag:$0x1], $0x80, v3, vm0, $0xb8;
	[tilespmem:$0x10400] =	vst v63  }
0x6a: {  	_ = 	snop  }
0x6b: {  	[hbm4b:s7+s3] =	stream.indirect_vreg.scatter [tilespmem:s2], [sflag:$0x1], $0x80, v3, vm0, $0xb8;
	[tilespmem:$0x10400] =	vst v63  }
0x6c: {  	v3 =	vld [tilespmem:$0x10220];
	_ =	sdelay $0x4  }
0x6d: {  	v58 =	vshll.u32 v3, $0x3  }
0x6e: {  	v3 =	vand.u32 $0x7, v3;
	v4 =	vand.u32 $0xFFFFFFC0, v58  }
0x6f: {  	v3 =	vor.u32 v3, v4  }
0x70: {  	v4 =	vperm.xlane v3, v0;
	_ =	sdelay $0x1  }
0x71: {  	v4 =	vadd.s32 v1, v4;
	_ =	sdelay $0x4  }
0x72: {  	[hbm4b:s4+s3] =	stream.indirect_vreg.scatter [tilespmem:s10], [sflag:$0x1], $0x80, v4, vm0, $0xb8;
	[tilespmem:$0x10400] =	vst v63  }
0x73: {  	v3 =	vperm.xlane v3, v2  }
0x74: {  	[hbm4b:s5+s3] =	stream.indirect_vreg.scatter [tilespmem:s11], [sflag:$0x1], $0x80, v4, vm0, $0xb8;
	[tilespmem:$0x10400] =	vst v63  }
0x75: {  	v3 =	vadd.s32 v1, v3  }
0x76: {  	[hbm4b:s6+s3] =	stream.indirect_vreg.scatter [tilespmem:s12], [sflag:$0x1], $0x80, v4, vm0, $0xb8;
	[tilespmem:$0x10400] =	vst v63  }
0x77: {  	_ = 	snop  }
0x78: {  	[hbm4b:s7+s3] =	stream.indirect_vreg.scatter [tilespmem:s13], [sflag:$0x1], $0x80, v4, vm0, $0xb8;
	[tilespmem:$0x10400] =	vst v63  }
0x79: {  	_ = 	snop  }
0x7a: {  	[hbm4b:s4+s3] =	stream.indirect_vreg.scatter [tilespmem:s14], [sflag:$0x1], $0x80, v3, vm0, $0xb8;
	[tilespmem:$0x10400] =	vst v63  }
0x7b: {  	_ = 	snop  }
0x7c: {  	[hbm4b:s5+s3] =	stream.indirect_vreg.scatter [tilespmem:s15], [sflag:$0x1], $0x80, v3, vm0, $0xb8;
	[tilespmem:$0x10400] =	vst v63  }
0x7d: {  	_ = 	snop  }
0x7e: {  	[hbm4b:s6+s3] =	stream.indirect_vreg.scatter [tilespmem:s16], [sflag:$0x1], $0x80, v3, vm0, $0xb8;
	[tilespmem:$0x10400] =	vst v63  }
0x7f: {  	_ = 	snop  }
0x80: {  	[hbm4b:s7+s3] =	stream.indirect_vreg.scatter [tilespmem:s17], [sflag:$0x1], $0x80, v3, vm0, $0xb8;
	[tilespmem:$0x10400] =	vst v63  }
0x81: {  	v3 =	vld [tilespmem:$0x10230];
	_ =	sdelay $0x4  }
0x82: {  	v59 =	vshll.u32 v3, $0x3  }
0x83: {  	v3 =	vand.u32 $0x7, v3;
	v4 =	vand.u32 $0xFFFFFFC0, v59  }
0x84: {  	v3 =	vor.u32 v3, v4  }
0x85: {  	v4 =	vperm.xlane v3, v0;
	_ =	sdelay $0x1  }
0x86: {  	v4 =	vadd.s32 v1, v4;
	_ =	sdelay $0x3  }
0x87: {  	s0 =	simm.s32 $0xC000  }
0x88: {  	[hbm4b:s4+s3] =	stream.indirect_vreg.scatter [tilespmem:s0], [sflag:$0x1], $0x80, v4, vm0, $0xb8;
	[tilespmem:$0x10400] =	vst v63  }
0x89: {  	v3 =	vperm.xlane v3, v2;
	s0 =	simm.s32 $0xC800  }
0x8a: {  	[hbm4b:s5+s3] =	stream.indirect_vreg.scatter [tilespmem:s0], [sflag:$0x1], $0x80, v4, vm0, $0xb8;
	[tilespmem:$0x10400] =	vst v63  }
0x8b: {  	v3 =	vadd.s32 v1, v3;
	s0 =	simm.s32 $0xD000  }
0x8c: {  	[hbm4b:s6+s3] =	stream.indirect_vreg.scatter [tilespmem:s0], [sflag:$0x1], $0x80, v4, vm0, $0xb8;
	[tilespmem:$0x10400] =	vst v63  }
0x8d: {  	s0 =	simm.s32 $0xD800  }
0x8e: {  	[hbm4b:s7+s3] =	stream.indirect_vreg.scatter [tilespmem:s0], [sflag:$0x1], $0x80, v4, vm0, $0xb8;
	[tilespmem:$0x10400] =	vst v63  }
0x8f: {  	s0 =	simm.s32 $0xE000  }
0x90: {  	[hbm4b:s4+s3] =	stream.indirect_vreg.scatter [tilespmem:s0], [sflag:$0x1], $0x80, v3, vm0, $0xb8;
	[tilespmem:$0x10400] =	vst v63  }
0x91: {  	s0 =	simm.s32 $0xE800  }
0x92: {  	[hbm4b:s5+s3] =	stream.indirect_vreg.scatter [tilespmem:s0], [sflag:$0x1], $0x80, v3, vm0, $0xb8;
	[tilespmem:$0x10400] =	vst v63  }
0x93: {  	s0 =	simm.s32 $0xF000  }
0x94: {  	[hbm4b:s6+s3] =	stream.indirect_vreg.scatter [tilespmem:s0], [sflag:$0x1], $0x80, v3, vm0, $0xb8;
	[tilespmem:$0x10400] =	vst v63  }
0x95: {  	s0 =	simm.s32 $0xF800  }
0x96: {  	[hbm4b:s7+s3] =	stream.indirect_vreg.scatter [tilespmem:s0], [sflag:$0x1], $0x80, v3, vm0, $0xb8;
	[tilespmem:$0x10400] =	vst v63  }
0x97: {  	v3 =	vld [tilespmem:$0x10280];
	_ =	sdelay $0x4  }
0x98: {  	v60 =	vshll.u32 v3, $0x3  }
0x99: {  	v3 =	vand.u32 $0x7, v3;
	v4 =	vand.u32 $0xFFFFFFC0, v60  }
0x9a: {  	v3 =	vor.u32 v3, v4  }
0x9b: {  	v4 =	vperm.xlane v3, v0;
	_ =	sdelay $0x1  }
0x9c: {  	v4 =	vadd.s32 v1, v4;
	_ =	sdelay $0x4  }
0x9d: {  	[hbm4b:s4+s3] =	stream.indirect_vreg.scatter [tilespmem:s3], [sflag:$0x1], $0x80, v4, vm0, $0xb8;
	[tilespmem:$0x10400] =	vst v63  }
0x9e: {  	v3 =	vperm.xlane v3, v2  }
0x9f: {  	[hbm4b:s5+s3] =	stream.indirect_vreg.scatter [tilespmem:s19], [sflag:$0x1], $0x80, v4, vm0, $0xb8;
	[tilespmem:$0x10400] =	vst v63  }
0xa0: {  	v3 =	vadd.s32 v1, v3  }
0xa1: {  	[hbm4b:s6+s3] =	stream.indirect_vreg.scatter [tilespmem:s20], [sflag:$0x1], $0x80, v4, vm0, $0xb8;
	[tilespmem:$0x10400] =	vst v63  }
0xa2: {  	_ = 	snop  }
0xa3: {  	[hbm4b:s7+s3] =	stream.indirect_vreg.scatter [tilespmem:s21], [sflag:$0x1], $0x80, v4, vm0, $0xb8;
	[tilespmem:$0x10400] =	vst v63  }
0xa4: {  	_ = 	snop  }
0xa5: {  	[hbm4b:s4+s3] =	stream.indirect_vreg.scatter [tilespmem:s22], [sflag:$0x1], $0x80, v3, vm0, $0xb8;
	[tilespmem:$0x10400] =	vst v63  }
0xa6: {  	_ = 	snop  }
0xa7: {  	[hbm4b:s5+s3] =	stream.indirect_vreg.scatter [tilespmem:s23], [sflag:$0x1], $0x80, v3, vm0, $0xb8;
	[tilespmem:$0x10400] =	vst v63  }
0xa8: {  	_ = 	snop  }
0xa9: {  	[hbm4b:s6+s3] =	stream.indirect_vreg.scatter [tilespmem:s24], [sflag:$0x1], $0x80, v3, vm0, $0xb8;
	[tilespmem:$0x10400] =	vst v63  }
0xaa: {  	_ = 	snop  }
0xab: {  	[hbm4b:s7+s3] =	stream.indirect_vreg.scatter [tilespmem:s25], [sflag:$0x1], $0x80, v3, vm0, $0xb8;
	[tilespmem:$0x10400] =	vst v63  }
0xac: {  	v3 =	vld [tilespmem:$0x10290];
	_ =	sdelay $0x4  }
0xad: {  	v61 =	vshll.u32 v3, $0x3  }
0xae: {  	v3 =	vand.u32 $0x7, v3;
	v4 =	vand.u32 $0xFFFFFFC0, v61  }
0xaf: {  	v3 =	vor.u32 v3, v4  }
0xb0: {  	v4 =	vperm.xlane v3, v0;
	_ =	sdelay $0x1  }
0xb1: {  	v4 =	vadd.s32 v1, v4;
	_ =	sdelay $0x4  }
0xb2: {  	[hbm4b:s4+s3] =	stream.indirect_vreg.scatter [tilespmem:s26], [sflag:$0x1], $0x80, v4, vm0, $0xb8;
	[tilespmem:$0x10400] =	vst v63  }
0xb3: {  	v3 =	vperm.xlane v3, v2  }
0xb4: {  	[hbm4b:s5+s3] =	stream.indirect_vreg.scatter [tilespmem:s28], [sflag:$0x1], $0x80, v4, vm0, $0xb8;
	[tilespmem:$0x10400] =	vst v63  }
0xb5: {  	v3 =	vadd.s32 v1, v3  }
0xb6: {  	[hbm4b:s6+s3] =	stream.indirect_vreg.scatter [tilespmem:s29], [sflag:$0x1], $0x80, v4, vm0, $0xb8;
	[tilespmem:$0x10400] =	vst v63  }
0xb7: {  	_ = 	snop  }
0xb8: {  	[hbm4b:s7+s3] =	stream.indirect_vreg.scatter [tilespmem:s30], [sflag:$0x1], $0x80, v4, vm0, $0xb8;
	[tilespmem:$0x10400] =	vst v63  }
0xb9: {  	_ = 	snop  }
0xba: {  	[hbm4b:s4+s3] =	stream.indirect_vreg.scatter [tilespmem:s31], [sflag:$0x1], $0x80, v3, vm0, $0xb8;
	[tilespmem:$0x10400] =	vst v63  }
0xbb: {  	_ = 	snop  }
0xbc: {  	[hbm4b:s5+s3] =	stream.indirect_vreg.scatter [tilespmem:s1], [sflag:$0x1], $0x80, v3, vm0, $0xb8;
	[tilespmem:$0x10400] =	vst v63  }
0xbd: {  	s22 =	simm.s32 $0x7000  }
0xbe: {  	[hbm4b:s6+s3] =	stream.indirect_vreg.scatter [tilespmem:s22], [sflag:$0x1], $0x80, v3, vm0, $0xb8;
	[tilespmem:$0x10400] =	vst v63  }
0xbf: {  	_ = 	snop  }
0xc0: {  	[hbm4b:s7+s3] =	stream.indirect_vreg.scatter [tilespmem:s2], [sflag:$0x1], $0x80, v3, vm0, $0xb8;
	[tilespmem:$0x10400] =	vst v63  }
0xc1: {  	v3 =	vld [tilespmem:$0x102A0];
	_ =	sdelay $0x4  }
0xc2: {  	v62 =	vshll.u32 v3, $0x3  }
0xc3: {  	v3 =	vand.u32 $0x7, v3;
	v4 =	vand.u32 $0xFFFFFFC0, v62  }
0xc4: {  	v3 =	vor.u32 v3, v4  }
0xc5: {  	v4 =	vperm.xlane v3, v0;
	_ =	sdelay $0x1  }
0xc6: {  	v4 =	vadd.s32 v1, v4;
	_ =	sdelay $0x4  }
0xc7: {  	[hbm4b:s4+s3] =	stream.indirect_vreg.scatter [tilespmem:s10], [sflag:$0x1], $0x80, v4, vm0, $0xb8;
	[tilespmem:$0x10400] =	vst v63  }
0xc8: {  	v3 =	vperm.xlane v3, v2  }
0xc9: {  	[hbm4b:s5+s3] =	stream.indirect_vreg.scatter [tilespmem:s11], [sflag:$0x1], $0x80, v4, vm0, $0xb8;
	[tilespmem:$0x10400] =	vst v63  }
0xca: {  	v3 =	vadd.s32 v1, v3  }
0xcb: {  	[hbm4b:s6+s3] =	stream.indirect_vreg.scatter [tilespmem:s12], [sflag:$0x1], $0x80, v4, vm0, $0xb8;
	[tilespmem:$0x10400] =	vst v63  }
0xcc: {  	_ = 	snop  }
0xcd: {  	[hbm4b:s7+s3] =	stream.indirect_vreg.scatter [tilespmem:s13], [sflag:$0x1], $0x80, v4, vm0, $0xb8;
	[tilespmem:$0x10400] =	vst v63  }
0xce: {  	_ = 	snop  }
0xcf: {  	[hbm4b:s4+s3] =	stream.indirect_vreg.scatter [tilespmem:s14], [sflag:$0x1], $0x80, v3, vm0, $0xb8;
	[tilespmem:$0x10400] =	vst v63  }
0xd0: {  	_ = 	snop  }
0xd1: {  	[hbm4b:s5+s3] =	stream.indirect_vreg.scatter [tilespmem:s15], [sflag:$0x1], $0x80, v3, vm0, $0xb8;
	[tilespmem:$0x10400] =	vst v63  }
0xd2: {  	_ = 	snop  }
0xd3: {  	[hbm4b:s6+s3] =	stream.indirect_vreg.scatter [tilespmem:s16], [sflag:$0x1], $0x80, v3, vm0, $0xb8;
	[tilespmem:$0x10400] =	vst v63  }
0xd4: {  	_ = 	snop  }
0xd5: {  	[hbm4b:s7+s3] =	stream.indirect_vreg.scatter [tilespmem:s17], [sflag:$0x1], $0x80, v3, vm0, $0xb8;
	[tilespmem:$0x10400] =	vst v63  }
0xd6: {  	v3 =	vld [tilespmem:$0x102B0];
	_ =	sdelay $0x4  }
0xd7: {  	v63 =	vshll.u32 v3, $0x3  }
0xd8: {  	v3 =	vand.u32 $0x7, v3;
	v4 =	vand.u32 $0xFFFFFFC0, v63  }
0xd9: {  	v3 =	vor.u32 v3, v4  }
0xda: {  	v4 =	vperm.xlane v3, v0;
	_ =	sdelay $0x1  }
0xdb: {  	v4 =	vadd.s32 v1, v4;
	_ =	sdelay $0x3  }
0xdc: {  	s23 =	simm.s32 $0xC000  }
0xdd: {  	[hbm4b:s4+s3] =	stream.indirect_vreg.scatter [tilespmem:s23], [sflag:$0x1], $0x80, v4, vm0, $0xb8;
	[tilespmem:$0x10400] =	vst v63  }
0xde: {  	s19 =	simm.s32 $0xC800;
	v3 =	vperm.xlane v3, v2  }
0xdf: {  	[hbm4b:s5+s3] =	stream.indirect_vreg.scatter [tilespmem:s19], [sflag:$0x1], $0x80, v4, vm0, $0xb8;
	[tilespmem:$0x10400] =	vst v63  }
0xe0: {  	s20 =	simm.s32 $0xD000;
	v3 =	vadd.s32 v1, v3  }
0xe1: {  	[hbm4b:s6+s3] =	stream.indirect_vreg.scatter [tilespmem:s20], [sflag:$0x1], $0x80, v4, vm0, $0xb8;
	[tilespmem:$0x10400] =	vst v63  }
0xe2: {  	s21 =	simm.s32 $0xD800  }
0xe3: {  	[hbm4b:s7+s3] =	stream.indirect_vreg.scatter [tilespmem:s21], [sflag:$0x1], $0x80, v4, vm0, $0xb8;
	[tilespmem:$0x10400] =	vst v63  }
0xe4: {  	s22 =	simm.s32 $0xE000  }
0xe5: {  	[hbm4b:s4+s3] =	stream.indirect_vreg.scatter [tilespmem:s22], [sflag:$0x1], $0x80, v3, vm0, $0xb8;
	[tilespmem:$0x10400] =	vst v63  }
0xe6: {  	s23 =	simm.s32 $0xE800;
	s20 =	rddreg [dreg:$0xd]  }
0xe7: {  	[hbm4b:s5+s3] =	stream.indirect_vreg.scatter [tilespmem:s23], [sflag:$0x1], $0x80, v3, vm0, $0xb8;
	[tilespmem:$0x10400] =	vst v63  }
0xe8: {  	s19 =	simm.s32 $0xF000;
	s21 =	rddreg [dreg:$0xe]  }
0xe9: {  	[hbm4b:s6+s3] =	stream.indirect_vreg.scatter [tilespmem:s19], [sflag:$0x1], $0x80, v3, vm0, $0xb8;
	[tilespmem:$0x10400] =	vst v63  }
0xea: {  	s22 =	rddreg [dreg:$0xf]  }
0xeb: {  	[hbm4b:s7+s3] =	stream.indirect_vreg.scatter [tilespmem:s0], [sflag:$0x1], $0x80, v3, vm0, $0xb8;
	[tilespmem:$0x10400] =	vst v63  }
0xec: {  	s1 =	simm.s32 $0x40;
	s0 =	rddreg [dreg:$0x2]  }
0xed: {  	[hbm4b:s0+s1] =	stream.indirect.scatter [tilespmem:s21], [sflag:$0x1], $0x1, s20, s1, $0xb8;
	[tilespmem:$0x10400] =	vst v63  }
0xee: {  	s23 =	rddreg [dreg:$0x10]  }
0xef: {  	[hbm4b:s0+s1] =	stream.indirect.scatter [tilespmem:s23], [sflag:$0x1], $0x1, s22, s1, $0xb8;
	[tilespmem:$0x10400] =	vst v63  }
0xf0: {  	_ =	swait.ge [sflag:s18], $0x10000  }
0xf1: {  	[sflag:s18] =	ssyncset.done $0x0  }
0xf2: {  	[sflag:s18] =	ssyncadd.s32 $0xFFFF0000  }
0xf3: {  	_ =	swait.ge [sflag:s18], $0x10000  }
0xf4: {  	[sflag:s18] =	ssyncset.done $0x0  }
0xf5: {  	[sflag:s18] =	ssyncadd.s32 $0xFFFF0000  }
0xf6: {  	p0 =	sne.s32 s8, $0x1;
	_ =	swait.ge [sflag:s18], $0x40  }
.Ltmp0:
0xf7: {  	[sflag:s18] =	ssyncset.done $0x0;
	(pc) =	sbr.rel @p0 .LBB2_1-.Ltmp0, $4  }
0xf8: {  	[sflag:s18] =	ssyncadd.s32 $0xFFFFFFC0  }
0xf9: {  	_ =	swait.ge [sflag:s18], $0x40  }
0xfa: {  	[sflag:s18] =	ssyncset.done $0x0  }
0xfb: {  	s8 =	sadd.s32 $0xFFFFFFFF, s8;
	[sflag:s18] =	ssyncadd.s32 $0xFFFFFFC0  }
0xfc: {  	_ =	sfence.sel $0x180000  }
0xfd: {  	[bflag:$0x0] =	sbarrier.arrive $0xFFFF  }
0xfe: {  	_ =	strace $0x90000047  }
0xff: {  	s0 =	stileid.u32;
	[bflag:$0x2] =	sbarrier.arrive $0xFFFF  }
0x100: {  	p0 =	sne.s32 s0, $0x0;
	s0 =	rddreg [dreg:$0x3]  }
0x101: {  	s0 =	sadd.s32 @!p0 $0x100000, s0  }
0x102: {  	[sflag:s0] =	ssyncadd.tile.s32 @!p0 $0x1;
	_ =	shalt  }
.Lfunc_end2:
_tile_overlayer_lowered:
.L_overlay_start_2:
0x103: {  	(tag) =	ssettag $0x2  }
0x104: {  	s0 =	rddreg [dreg:$0x0];
	s2 =	stileid.u32  }
0x105: {  	s1 =	rddreg [dreg:$0x1];
	p0 =	sne.s32 s2, $0x0  }
0x106: {  	s3 =	rddreg [dreg:$0x2];
	[bflag:$0x3] =	sbarrier.arrive $0xFFFF;
	s2 =	simm.s32 @!p0 $0x1C02  }
0x107: {  	[timem:s3], [sflag:s2] =	dma.local @!p0 [hbm:s0], s1  }
0x108: {  	s0 =	simm.s32 @!p0 $0x2  }
0x109: {  	_ =	swait.ge @!p0 [sflag:s0], s1  }
0x10a: {  	s1 =	ssub.s32 @!p0 $0x0, s1;
	[sflag:s0] =	ssyncset.done @!p0 $0x0  }
0x10b: {  	[sflag:s0] =	ssyncadd.s32 @!p0 s1  }
0x10c: {  	[bflag:$0x3] =	sbarrier.arrive $0xFFFF  }
0x10d: {  	_ =	shalt  }

// kernel: kernel.9.cloned.1.call-start
scs
__scs_entry_jumppad:
0x0: {  	(pc) =	sbr.rel $0x88, $3  }
0x1: {  	(tag) =	ssettag $0x0;
	lr =	simm.s32 $0x1  }
0x2: {  	[smem:$0x3F9A] =	sst lr;
	_ =	strace $0xD0000000  }
0x3: {  	_ = 	snop  }
0x4: {  	_ = 	snop  }
0x5: {  	_ = 	snop  }
0x6: {  	_ = 	snop  }
0x7: {  	_ = 	snop  }
__scs_overlays_trampoline_lowered:
0x8: {  	[smem:$0x3FA9] =	sst s0  }
0x9: {  	[smem:$0x3FAA] =	sst s1  }
0xa: {  	[smem:$0x3FAB] =	sst s2  }
0xb: {  	[smem:$0x3FAC] =	sst s3  }
0xc: {  	[smem:$0x3FAD] =	sst s4  }
0xd: {  	[smem:$0x3FAE] =	sst s5  }
0xe: {  	[smem:$0x3FAF] =	sst s6  }
0xf: {  	[smem:$0x3FB0] =	sst s7  }
0x10: {  	[smem:$0x3FB1] =	sst s8  }
0x11: {  	[smem:$0x3FB2] =	sst s9;
	s0 =	simm.s32 @!p0 $0x0  }
0x12: {  	s1 =	sld [smem:$0x3F98];
	s0 =	simm.s32 @p0 $0x1  }
0x13: {  	[smem:$0x3FB3] =	sst s0;
	s0 =	simm.s32 @!p1 $0x0  }
0x14: {  	s2 =	sld [smem:$0x3F97];
	s0 =	simm.s32 @p1 $0x1  }
0x15: {  	[smem:$0x3FB4] =	sst s0;
	s0 =	simm.s32 @!p2 $0x0  }
0x16: {  	s3 =	sld [smem:$0x3FDB];
	s0 =	simm.s32 @p2 $0x1  }
0x17: {  	s4 =	simm.s32 $0x1BF5;
	[smem:$0x3FB6] =	sst s0  }
0x18: {  	s0 =	sld [smem:$0x3F99];
	_ =	swait.ge [sflag:s4], $0x0  }
0x19: {  	s7 =	sld [smem:$0x3F9A]  }
0x1a: {  	s8 =	sadd.s32 $0xFFFFE003, lr  }
0x1b: {  	s9 =	sadd.s32 $0xFFFFFEF7, lr;
	s5 =	simm.s32 $0xFFFFFFFF;
	p2 =	slt.u32 s8, $0xFFFFF086  }
0x1c: {  	p1 =	slt.u32 s9, $0xF7A;
	s5 =	simm.s32 @!p2 $0x0  }
0x1d: {  	s5 =	simm.s32 @p1 $0x1;
	p0 =	seq.s32 s7, s2  }
0x1e: {  	s7 =	smul.u32 @!p0 $0xF7A, s2;
	p2 =	seq.s32 @!p0 s5, $0x0  }
0x1f: {  	s9 =	smul.u32 $0xF7A, s1;
	s8 =	simm.s32 @!p0 $0x1BF5;
	p2 =	por !p2, p0  }
0x20: {  	[sflag:s8] =	ssyncset.s32 @!p0 $0xFFFFF086;
	s6 =	sadd.s32 @!p0 s3, s7;
	s7 =	simm.s32 @!p0 $0x108  }
0x21: {  	s3 =	sadd.s32 s3, s9;
	s6 =	sadd.s32 @!p0 $0x88, s6;
	s7 =	simm.s32 @p2 $0x1082  }
0x22: {  	[simem:s7], [sflag:s8] =	dma.local @!p0 [hbm:s6], $0xF7A  }
0x23: {  	s9 =	sor.u32 $0xD0000000, s2;
	s6 =	simm.s32 $0x108;
	_ =	swait.ge @!p0 [sflag:s8], $0x0  }
0x24: {  	s3 =	sadd.s32 $0x88, s3;
	s6 =	simm.s32 @!p1 $0x1082;
	[sflag:s4] =	ssyncset.s32 $0xFFFFF086  }
0x25: {  	[simem:s6], [sflag:s4] =	dma.local [hbm:s3], $0xF7A  }
0x26: {  	[smem:$0x3F9A] =	sst s1;
	(tag) =	ssettag s2;
	_ =	strace s9  }
0x27: {  	s1 =	sld [smem:$0x3FAA]  }
0x28: {  	s2 =	sld [smem:$0x3FAB]  }
0x29: {  	s4 =	sld [smem:$0x3FAD]  }
0x2a: {  	p0 =	seq.s32 s5, $0x0;
	s5 =	sld [smem:$0x3FAE]  }
0x2b: {  	s6 =	sld [smem:$0x3FAF]  }
0x2c: {  	s7 =	sld [smem:$0x3FB0]  }
0x2d: {  	s3 =	simm.s32 $0x108;
	s8 =	sld [smem:$0x3FB1]  }
0x2e: {  	s3 =	simm.s32 @!p0 $0x1082;
	s9 =	sld [smem:$0x3FB2]  }
0x2f: {  	lr =	sadd.s32 s0, s3;
	s0 =	sld [smem:$0x3FA9]  }
0x30: {  	s3 =	sld [smem:$0x3FAC]  }
0x31: {  	[smem:$0x3FB5] =	sst s10  }
0x32: {  	s10 =	sld [smem:$0x3FB3];
	_ =	sdelay $0x3  }
0x33: {  	p0 =	seq.s32 s10, $0x1;
	s10 =	sld [smem:$0x3FB5];
	_ =	sdelay $0x3  }
0x34: {  	[smem:$0x3FB5] =	sst s10  }
0x35: {  	s10 =	sld [smem:$0x3FB4];
	_ =	sdelay $0x3  }
0x36: {  	p1 =	seq.s32 s10, $0x1;
	s10 =	sld [smem:$0x3FB5];
	_ =	sdelay $0x3  }
0x37: {  	[smem:$0x3FB5] =	sst s10  }
0x38: {  	s10 =	sld [smem:$0x3FB6]  }
0x39: {  	_ = 	snop;
	(pc) =	sbr.ind lr, $3  }
0x3a: {  	_ = 	snop  }
0x3b: {  	_ = 	snop  }
0x3c: {  	p2 =	seq.s32 s10, $0x1;
	s10 =	sld [smem:$0x3FB5]  }
0x3d: {  	_ =	shalt  }
0x3e: {  	_ =	shalt  }
0x3f: {  	_ =	shalt  }
0x40: {  	_ =	shalt  }
0x41: {  	_ =	shalt  }
0x42: {  	_ =	shalt  }
0x43: {  	_ =	shalt  }
0x44: {  	_ =	shalt  }
0x45: {  	_ =	shalt  }
0x46: {  	_ =	shalt  }
0x47: {  	_ =	shalt  }
0x48: {  	_ =	shalt  }
0x49: {  	_ =	shalt  }
0x4a: {  	_ =	shalt  }
0x4b: {  	_ =	shalt  }
0x4c: {  	_ =	shalt  }
0x4d: {  	_ =	shalt  }
0x4e: {  	_ =	shalt  }
0x4f: {  	_ =	shalt  }
0x50: {  	_ =	shalt  }
0x51: {  	_ =	shalt  }
0x52: {  	_ =	shalt  }
0x53: {  	_ =	shalt  }
0x54: {  	_ =	shalt  }
0x55: {  	_ =	shalt  }
0x56: {  	_ =	shalt  }
0x57: {  	_ =	shalt  }
0x58: {  	_ =	shalt  }
0x59: {  	_ =	shalt  }
0x5a: {  	_ =	shalt  }
0x5b: {  	_ =	shalt  }
0x5c: {  	_ =	shalt  }
0x5d: {  	_ =	shalt  }
0x5e: {  	_ =	shalt  }
0x5f: {  	_ =	shalt  }
0x60: {  	_ =	shalt  }
0x61: {  	_ =	shalt  }
0x62: {  	_ =	shalt  }
0x63: {  	_ =	shalt  }
0x64: {  	_ =	shalt  }
0x65: {  	_ =	shalt  }
0x66: {  	_ =	shalt  }
0x67: {  	_ =	shalt  }
0x68: {  	_ =	shalt  }
0x69: {  	_ =	shalt  }
0x6a: {  	_ =	shalt  }
0x6b: {  	_ =	shalt  }
0x6c: {  	_ =	shalt  }
0x6d: {  	_ =	shalt  }
0x6e: {  	_ =	shalt  }
0x6f: {  	_ =	shalt  }
0x70: {  	_ =	shalt  }
0x71: {  	_ =	shalt  }
0x72: {  	_ =	shalt  }
0x73: {  	_ =	shalt  }
0x74: {  	_ =	shalt  }
0x75: {  	_ =	shalt  }
0x76: {  	_ =	shalt  }
0x77: {  	_ =	shalt  }
0x78: {  	_ =	shalt  }
0x79: {  	_ =	shalt  }
0x7a: {  	_ =	shalt  }
0x7b: {  	_ =	shalt  }
0x7c: {  	_ =	shalt  }
0x7d: {  	_ =	shalt  }
0x7e: {  	_ =	shalt  }
0x7f: {  	_ =	shalt  }
0x80: {  	_ =	shalt  }
0x81: {  	_ =	shalt  }
0x82: {  	_ =	shalt  }
0x83: {  	_ =	shalt  }
0x84: {  	_ =	shalt  }
0x85: {  	_ =	shalt  }
0x86: {  	_ =	shalt  }
0x87: {  	_ =	shalt  }
.Lfunc_end0:
.L_simem_size_0:
called_computation.1_lowered:
.L_overlay_start_0:
0x88: {  	s2 =	sld [smem:$0x3FD9]  }
0x89: {  	s3 =	sld [smem:$0x3FFE];
	_ =	sdelay $0x1  }
0x8a: {  	s1 =	srdreg.scid  }
0x8b: {  	s0 =	sand.u32 $0x1, s1  }
0x8c: {  	s17 =	sshll.u32 s0, $0xA;
	s2 =	sadd.s32 s3, s2  }
0x8d: {  	s2 =	sadd.s32 s2, s17  }
0x8e: {  	[smem:$0x3FC1] =	sst s2  }
0x8f: {  	_ = 	snop  }
0x90: {  	s2 =	sld [smem:$0x3FD0];
	(tm) =	ssettm $0x1  }
0x91: {  	s18 =	sld [smem:$0x3FFB];
	_ =	sdelay $0x3  }
0x92: {  	_ =	strace s18  }
0x93: {  	s3 =	sld [smem:$0x3FFC];
	_ =	sdelay $0x3  }
0x94: {  	_ =	strace s3  }
0x95: {  	s3 =	sld [smem:$0x3FFD];
	_ =	sdelay $0x3  }
0x96: {  	_ =	strace s3  }
0x97: {  	_ =	strace $0x8FFFFFFF  }
0x98: {  	s19 =	sld [smem:$0x3FDB];
	_ =	sdelay $0x1  }
0x99: {  	s4 =	simm.s32 $_scs_section_size  }
0x9a: {  	s5 =	simm.s32 $_size__tile_overlayer_lowered;
	s6 =	simm.s32 $_tile_overlayer_lowered  }
0x9b: {  	s22 =	simm.s32 $0x1BFF;
	s21 =	sshll.u32 s6, $0x1;
	s3 =	sadd.s32 s4, s19  }
0x9c: {  	s7 =	simm.s32 $0x0;
	s20 =	sshll.u32 s5, $0x1;
	s5 =	sadd.s32 s21, s3  }
0x9d: {  	[timem:s7], [sflag:s22] =	dma.local [hbm:s5], s20  }
0x9e: {  	_ =	swait.ge [sflag:s22], s20  }
0x9f: {  	s4 =	ssub.s32 $0x0, s20;
	[sflag:s22] =	ssyncset.done $0x0  }
0xa0: {  	[sflag:s22] =	ssyncadd.s32 s4;
	_ =	sdelay $0x1  }
0xa1: {  	s23 =	simm.s32 $0x1B8B  }
0xa2: {  	_ =	swait.ge [sflag:s23], $0x1  }
0xa3: {  	[sflag:s23] =	ssyncset.done $0x0  }
0xa4: {  	s25 =	simm.s32 $0x1B8E;
	s24 =	sld [smem:$0x3FFE];
	[sflag:s23] =	ssyncadd.s32 $0xFFFFFFFF  }
0xa5: {  	s26 =	simm.s32 $execute0_lowered;
	[smem:$0x3FD2] =	sst s25  }
0xa6: {  	s5 =	sshll.u32 s26, $0x1;
	_ =	strace $0x80000049;
	[dreg:$0x1] =	wrdreg $0xFFFFFFFF  }
0xa7: {  	s28 =	simm.s32 $_size_execute0_lowered;
	s3 =	sadd.s32 s3, s5;
	[dreg:$0x0] =	wrdreg $0x0  }
0xa8: {  	s5 =	sshll.u32 s28, $0x1;
	[dreg:$0x2] =	wrdreg s3  }
0xa9: {  	[dreg:$0x3] =	wrdreg s5  }
0xaa: {  	[dreg:$0x4] =	wrdreg $0xC0  }
0xab: {  	_ =	task [dreg:s7], $0x5FFFF  }
0xac: {  	[dreg:$0x1] =	wrdreg $0xFFFFFFFF  }
0xad: {  	[dreg:$0x0] =	wrdreg $0x60  }
0xae: {  	[dreg:$0x2] =	wrdreg s24  }
0xaf: {  	[dreg:$0x3] =	wrdreg s2  }
0xb0: {  	[dreg:$0x4] =	wrdreg $0x9  }
0xb1: {  	_ =	task.clear_ibuf [dreg:s7], $0x5FFFF;
	_ =	strace $0x90000049  }
0xb2: {  	s29 =	simm.s32 $0x9;
	_ =	strace $0x8000004B  }
0xb3: {  	_ =	swait.ge [sflag:s29], $0x1  }
0xb4: {  	[sflag:s29] =	ssyncadd.s32 $0xFFFFFFFF  }
0xb5: {  	_ =	strace $0x9000004B  }
0xb6: {  	_ =	sfence  }
0xb7: {  	s30 =	sld [smem:$0x0];
	_ =	sdelay $0x2  }
0xb8: {  	s31 =	sshll.u32 s1, $0xD;
	s1 =	sshrl.u32 s1, $0x2  }
0xb9: {  	s3 =	sand.u32 $0x4000, s31;
	s1 =	sadd.s32 s1, s30  }
0xba: {  	s0 =	sor.u32 s3, s0;
	s1 =	sshll.u32 s1, $0x11  }
0xbb: {  	s0 =	sor.u32 s1, s0  }
0xbc: {  	s0 =	sadd.s32 $0x8F2B, s0  }
0xbd: {  	[sflag:s0] =	ssyncadd.remote.s32 $0x1  }
0xbe: {  	_ =	sfence.sel $0xFFFF  }
0xbf: {  	[dreg:$0x0] =	wrdreg $0xFFFFFFFF;
	(pc) =	sbr.abs _section_cstart, $3  }
0xc0: {  	[dreg:$0x1] =	wrdreg $0xFFFFFFFF  }
0xc1: {  	_ =	task.clear_ibuf [dreg:s7], $0x2FFFF;
	_ =	strace $0x9FFFFFFF  }
0xc2: {  	(tm) =	ssettm $0x7FFFFFFF  }
0xc3: {  	_ =	shalt  }
tec
execute0_lowered:
.L_overlay_start_1:
0x0: {  	(tag) =	ssettag $0x1  }
0x1: {  	s0 =	rddreg [dreg:$0x0];
	s1 =	srdreg.scid;
	s3 =	simm.s32 $0x0  }
0x2: {  	s8 =	stileid.u32;
	s14 =	simm.s32 $0x2;
	s19 =	simm.s32 $0x2000  }
0x3: {  	s20 =	simm.s32 $0x2800;
	s21 =	simm.s32 $0x3000;
	s22 =	simm.s32 $0x3800  }
0x4: {  	s28 =	simm.s32 $0x6000;
	s29 =	simm.s32 $0x6800;
	s30 =	simm.s32 $0x7000  }
0x5: {  	s31 =	simm.s32 $0x7800;
	s13 =	simm.s32 $0xC000;
	s1 =	sand.u32 $0x1, s1  }
0x6: {  	[smem:$0x7FF] =	sst s3;
	s5 =	sshll.u32 s8, $0xA;
	s4 =	sadd.s32 $0xFA200, s0  }
0x7: {  	s8 =	sshll.u32 s8, $0x7;
	s9 =	sadd.s32 $0xFA300, s0;
	s10 =	sadd.s32 $0xFA400, s0  }
0x8: {  	s11 =	sadd.s32 $0xFA500, s0;
	s2 =	sshll.u32 s1, $0x6;
	s1 =	ssub.s32 $0x2, s1  }
0x9: {  	_ =	strace $0x8000004A;
	s6 =	sor.u32 s2, s5;
	s23 =	sshrl.u32 s1, $0x1  }
0xa: {  	s5 =	sadd.s32 $0x2200, s0;
	s6 =	sshrl.u32 s6, $0x3;
	s1 =	ssub.s32 s1, s23  }
0xb: {  	v0 =	vlaneseq.u32;
	s23 =	simm.s32 $0x4000;
	s7 =	sadd.s32 s6, s0;
	s6 =	sor.u32 s2, s8  }
0xc: {  	v1 =	vand.u32 $0x7, v0;
	v63 =	vshrl.u32 v0, $0x3;
	s26 =	smax.u32 s1, $0x1;
	s0 =	simm.s32 $0x8000;
	s1 =	simm.s32 $0x1  }
0xd: {  	v0 =	vor.u32 $0x8, v0;
	[tilespmem:$0x1FFD0] =	vst v1;
	v1 =	vmul.u32 $0x8, v63;
	s24 =	sadd.s32 $0x1A00, s7;
	s25 =	sadd.s32 $0x1A10, s7;
	[dreg:$0x5] =	wrdreg s26  }
0xe: {  	[tilespmem:$0x1FFF0] =	vst v0;
	s26 =	simm.s32 $0x5800;
	s7 =	simm.s32 $0x0;
	[dreg:$0x3] =	wrdreg s24  }
0xf: {  	vm0 =	vmmov $0xffff;
	[tilespmem:$0x1FFE0] =	vst v1;
	[dreg:$0x4] =	wrdreg s25;
	s24 =	simm.s32 $0x4800;
	s25 =	simm.s32 $0x5000  }
.LBB2_1:
0x10: {  	[dreg:$0x6] =	wrdreg s7  }
0x11: {  	s2 =	rddreg [dreg:$0x3];
	s16 =	simm.s32 $0x10000  }
0x12: {  	[tilespmem:s16], [sflag:$0x2] =	stream.linear.gather [hbm4b:s2+s3], $0x40, $0x38;
	[tilespmem:$0x10200] =	vst v63  }
0x13: {  	_ =	swait.ge [sflag:s14], $0x40  }
0x14: {  	[sflag:s14] =	ssyncset.done $0x0  }
0x15: {  	s18 =	simm.s32 $0x10080;
	s17 =	rddreg [dreg:$0x4];
	[sflag:s14] =	ssyncadd.s32 $0xFFFFFFC0  }
0x16: {  	[tilespmem:s18], [sflag:$0x2] =	stream.linear.gather [hbm4b:s17+s3], $0x40, $0x38;
	[tilespmem:$0x10200] =	vst v63  }
0x17: {  	_ =	swait.ge [sflag:s14], $0x40  }
0x18: {  	[sflag:s14] =	ssyncset.done $0x0  }
0x19: {  	[sflag:s14] =	ssyncadd.s32 $0xFFFFFFC0  }
0x1a: {  	v0 =	vld [tilespmem:$0x10000]  }
0x1b: {  	v1 =	vld [tilespmem:$0x10080]  }
0x1c: {  	v2 =	vld [tilespmem:$0x10010]  }
0x1d: {  	v3 =	vld [tilespmem:$0x10090]  }
0x1e: {  	v4 =	vld [tilespmem:$0x10020]  }
0x1f: {  	v5 =	vld [tilespmem:$0x100A0];
	v0 =	vtrunc.f32 v0  }
0x20: {  	v6 =	vld [tilespmem:$0x10030];
	v1 =	vtrunc.f32 v1;
	v0 =	vcvt.f32.s32 v0  }
0x21: {  	v7 =	vld [tilespmem:$0x100B0];
	v2 =	vtrunc.f32 v2;
	v1 =	vcvt.f32.s32 v1  }
0x22: {  	v54 =	vtrunc.f32 v3;
	v53 =	vcvt.f32.s32 v2;
	[tilespmem:$0x10100] =	vst v0  }
0x23: {  	v56 =	vtrunc.f32 v4;
	v55 =	vcvt.f32.s32 v54;
	[tilespmem:$0x10180] =	vst v1  }
0x24: {  	v58 =	vtrunc.f32 v5;
	v57 =	vcvt.f32.s32 v56;
	[tilespmem:$0x10110] =	vst v53  }
0x25: {  	v60 =	vtrunc.f32 v6;
	v59 =	vcvt.f32.s32 v58;
	[tilespmem:$0x10190] =	vst v55  }
0x26: {  	v62 =	vtrunc.f32 v7;
	v61 =	vcvt.f32.s32 v60;
	[tilespmem:$0x10120] =	vst v57  }
0x27: {  	v63 =	vcvt.f32.s32 v62;
	[tilespmem:$0x101A0] =	vst v59  }
0x28: {  	[tilespmem:$0x10130] =	vst v61  }
0x29: {  	s7 =	simm.s32 $0x0;
	[tilespmem:$0x101B0] =	vst v63  }
.LBB2_2:
0x2a: {  	s2 =	sshll.u32 s7, $0x4  }
0x2b: {  	v0 =	vld [tilespmem:s2+$0x10100];
	_ =	sdelay $0x2  }
0x2c: {  	v2 =	vld [tilespmem:$0x1FFD0];
	_ =	sdelay $0x1  }
0x2d: {  	v3 =	vld [tilespmem:$0x1FFE0];
	v1 =	vshll.u32 v0, $0x3  }
0x2e: {  	v0 =	vand.u32 $0x7, v0;
	v1 =	vand.u32 $0xFFFFFFC0, v1  }
0x2f: {  	v0 =	vor.u32 v0, v1  }
0x30: {  	v1 =	vperm.xlane v0, v2;
	_ =	sdelay $0x1  }
0x31: {  	v1 =	vadd.s32 v3, v1  }
0x32: {  	v4 =	vld [tilespmem:$0x1FFF0];
	_ =	sdelay $0x2  }
0x33: {  	s8 =	simm.s32 $0x0  }
0x34: {  	[tilespmem:s8], [sflag:$0x1] =	stream.indirect_vreg.gather [hbm4b:s4+s8], $0x80, v1, vm0, $0xb8;
	[tilespmem:$0x10200] =	vst v63  }
0x35: {  	s12 =	simm.s32 $0x800;
	v0 =	vperm.xlane v0, v4  }
0x36: {  	[tilespmem:s12], [sflag:$0x1] =	stream.indirect_vreg.gather [hbm4b:s9+s8], $0x80, v1, vm0, $0xb8;
	[tilespmem:$0x10200] =	vst v63  }
0x37: {  	s17 =	simm.s32 $0x1000;
	v0 =	vadd.s32 v3, v0  }
0x38: {  	[tilespmem:s17], [sflag:$0x1] =	stream.indirect_vreg.gather [hbm4b:s10+s8], $0x80, v1, vm0, $0xb8;
	[tilespmem:$0x10200] =	vst v63  }
0x39: {  	s18 =	simm.s32 $0x1800  }
0x3a: {  	[tilespmem:s18], [sflag:$0x1] =	stream.indirect_vreg.gather [hbm4b:s11+s8], $0x80, v1, vm0, $0xb8;
	[tilespmem:$0x10200] =	vst v63  }
0x3b: {  	_ = 	snop  }
0x3c: {  	[tilespmem:s19], [sflag:$0x1] =	stream.indirect_vreg.gather [hbm4b:s4+s8], $0x80, v0, vm0, $0xb8;
	[tilespmem:$0x10200] =	vst v63  }
0x3d: {  	_ = 	snop  }
0x3e: {  	[tilespmem:s20], [sflag:$0x1] =	stream.indirect_vreg.gather [hbm4b:s9+s8], $0x80, v0, vm0, $0xb8;
	[tilespmem:$0x10200] =	vst v63  }
0x3f: {  	_ = 	snop  }
0x40: {  	[tilespmem:s21], [sflag:$0x1] =	stream.indirect_vreg.gather [hbm4b:s10+s8], $0x80, v0, vm0, $0xb8;
	[tilespmem:$0x10200] =	vst v63  }
0x41: {  	_ = 	snop  }
0x42: {  	[tilespmem:s22], [sflag:$0x1] =	stream.indirect_vreg.gather [hbm4b:s11+s8], $0x80, v0, vm0, $0xb8;
	[tilespmem:$0x10200] =	vst v63  }
0x43: {  	v0 =	vld [tilespmem:s2+$0x10180];
	_ =	sdelay $0x4  }
0x44: {  	v63 =	vshll.u32 v0, $0x3  }
0x45: {  	v0 =	vand.u32 $0x7, v0;
	v1 =	vand.u32 $0xFFFFFFC0, v63  }
0x46: {  	v0 =	vor.u32 v0, v1  }
0x47: {  	v1 =	vperm.xlane v0, v2;
	_ =	sdelay $0x1  }
0x48: {  	v1 =	vadd.s32 v3, v1;
	_ =	sdelay $0x4  }
0x49: {  	[tilespmem:s23], [sflag:$0x1] =	stream.indirect_vreg.gather [hbm4b:s4+s8], $0x80, v1, vm0, $0xb8;
	[tilespmem:$0x10200] =	vst v63  }
0x4a: {  	v0 =	vperm.xlane v0, v4  }
0x4b: {  	[tilespmem:s24], [sflag:$0x1] =	stream.indirect_vreg.gather [hbm4b:s9+s8], $0x80, v1, vm0, $0xb8;
	[tilespmem:$0x10200] =	vst v63  }
0x4c: {  	v0 =	vadd.s32 v3, v0  }
0x4d: {  	[tilespmem:s25], [sflag:$0x1] =	stream.indirect_vreg.gather [hbm4b:s10+s8], $0x80, v1, vm0, $0xb8;
	[tilespmem:$0x10200] =	vst v63  }
0x4e: {  	_ = 	snop  }
0x4f: {  	[tilespmem:s26], [sflag:$0x1] =	stream.indirect_vreg.gather [hbm4b:s11+s8], $0x80, v1, vm0, $0xb8;
	[tilespmem:$0x10200] =	vst v63  }
0x50: {  	_ = 	snop  }
0x51: {  	[tilespmem:s28], [sflag:$0x1] =	stream.indirect_vreg.gather [hbm4b:s4+s8], $0x80, v0, vm0, $0xb8;
	[tilespmem:$0x10200] =	vst v63  }
0x52: {  	_ = 	snop  }
0x53: {  	[tilespmem:s29], [sflag:$0x1] =	stream.indirect_vreg.gather [hbm4b:s9+s8], $0x80, v0, vm0, $0xb8;
	[tilespmem:$0x10200] =	vst v63  }
0x54: {  	s2 =	sadd.s32 s6, s2  }
0x55: {  	[tilespmem:s30], [sflag:$0x1] =	stream.indirect_vreg.gather [hbm4b:s10+s8], $0x80, v0, vm0, $0xb8;
	[tilespmem:$0x10200] =	vst v63  }
0x56: {  	s12 =	sshll.u32 s2, $0x7  }
0x57: {  	[tilespmem:s31], [sflag:$0x1] =	stream.indirect_vreg.gather [hbm4b:s11+s8], $0x80, v0, vm0, $0xb8;
	[tilespmem:$0x10200] =	vst v63  }
0x58: {  	s2 =	sadd.s32 s5, s12  }
0x59: {  	[tilespmem:s0], [sflag:$0x1] =	stream.linear.gather [hbm4b:s2+s8], $0x4000, $0x38;
	[tilespmem:$0x10200] =	vst v63  }
0x5a: {  	_ =	swait.ge [sflag:s1], $0x4000  }
0x5b: {  	[sflag:s1] =	ssyncset.done $0x0  }
0x5c: {  	[sflag:s1] =	ssyncadd.s32 $0xFFFFC000  }
0x5d: {  	_ =	swait.ge [sflag:s1], $0x4000  }
0x5e: {  	[sflag:s1] =	ssyncset.done $0x0  }
0x5f: {  	[sflag:s1] =	ssyncadd.s32 $0xFFFFC000  }
0x60: {  	_ =	swait.ge [sflag:s1], $0x4000  }
0x61: {  	s15 =	simm.s32 $0xFFFFC000;
	[sflag:s1] =	ssyncset.done $0x0  }
0x62: {  	s16 =	simm.s32 $0x0;
	s2 =	simm.s32 $0x0;
	[sflag:s1] =	ssyncadd.s32 $0xFFFFC000  }
.LBB2_3:
0x63: {  	s17 =	sadd.s32 $0x4000, s15  }
0x64: {  	s18 =	sand.u32 $0x380, s16;
	s17 =	sand.u32 $0x2000, s17  }
0x65: {  	s17 =	sor.u32 s18, s17  }
0x66: {  	v62 =	vld [tilespmem:s17+$0x8860];
	_ =	sdelay $0x4  }
0x67: {  	[tilespmem:$0x1FCF0] =	vst v62;
	v62 =	vld [tilespmem:s17+$0x870];
	_ =	sdelay $0x4  }
0x68: {  	[tilespmem:$0x1FCE0] =	vst v62;
	v62 =	vld [tilespmem:s17+$0x8870];
	_ =	sdelay $0x4  }
0x69: {  	[tilespmem:$0x1FD20] =	vst v62;
	v62 =	vld [tilespmem:s17+$0xC00];
	_ =	sdelay $0x4  }
0x6a: {  	[tilespmem:$0x1FD00] =	vst v62;
	v62 =	vld [tilespmem:s17+$0x4C00];
	_ =	sdelay $0x4  }
0x6b: {  	[tilespmem:$0x1FD10] =	vst v62;
	v62 =	vld [tilespmem:s17+$0x8C00];
	_ =	sdelay $0x4  }
0x6c: {  	[tilespmem:$0x1FD50] =	vst v62;
	v62 =	vld [tilespmem:s17+$0xC10];
	_ =	sdelay $0x4  }
0x6d: {  	[tilespmem:$0x1FD30] =	vst v62;
	v62 =	vld [tilespmem:s17+$0x4C10];
	_ =	sdelay $0x1  }
0x6e: {  	v3 =	vld [tilespmem:s17+$0x0]  }
0x6f: {  	v7 =	vld [tilespmem:s17+$0x4000]  }
0x70: {  	v19 =	vld [tilespmem:s17+$0x8000]  }
0x71: {  	[tilespmem:$0x1FD40] =	vst v62;
	v62 =	vld [tilespmem:s17+$0x8C10]  }
0x72: {  	v20 =	vld [tilespmem:s17+$0x10]  }
0x73: {  	v30 =	vld [tilespmem:s17+$0x4010]  }
0x74: {  	v43 =	vld [tilespmem:s17+$0x8010]  }
0x75: {  	v47 =	vld [tilespmem:s17+$0x20]  }
0x76: {  	[tilespmem:$0x1FD80] =	vst v62;
	v62 =	vld [tilespmem:s17+$0xC20]  }
0x77: {  	v57 =	vld [tilespmem:s17+$0x4020]  }
0x78: {  	v12 =	vld [tilespmem:s17+$0x8020]  }
0x79: {  	v1 =	vld [tilespmem:s17+$0x30]  }
0x7a: {  	v0 =	vld [tilespmem:s17+$0x4030]  }
0x7b: {  	[tilespmem:$0x1FD60] =	vst v62;
	v62 =	vld [tilespmem:s17+$0x4C20]  }
0x7c: {  	v15 =	vld [tilespmem:s17+$0x8030]  }
0x7d: {  	v4 =	vld [tilespmem:s17+$0x40]  }
0x7e: {  	v2 =	vld [tilespmem:s17+$0x4040]  }
0x7f: {  	v18 =	vld [tilespmem:s17+$0x8040]  }
0x80: {  	[tilespmem:$0x1FD70] =	vst v62;
	v62 =	vld [tilespmem:s17+$0x8C20]  }
0x81: {  	v6 =	vld [tilespmem:s17+$0x50]  }
0x82: {  	v5 =	vld [tilespmem:s17+$0x4050]  }
0x83: {  	v23 =	vld [tilespmem:s17+$0x8050]  }
0x84: {  	v9 =	vld [tilespmem:s17+$0x60]  }
0x85: {  	[tilespmem:$0x1FDB0] =	vst v62;
	v62 =	vld [tilespmem:s17+$0xC30]  }
0x86: {  	v8 =	vld [tilespmem:s17+$0x4060]  }
0x87: {  	v26 =	vld [tilespmem:s17+$0x8060]  }
0x88: {  	v11 =	vld [tilespmem:s17+$0x70]  }
0x89: {  	v10 =	vld [tilespmem:s17+$0x4070]  }
0x8a: {  	[tilespmem:$0x1FD90] =	vst v62;
	v62 =	vld [tilespmem:s17+$0x4C30]  }
0x8b: {  	v29 =	vld [tilespmem:s17+$0x8070]  }
0x8c: {  	v14 =	vld [tilespmem:s17+$0x400]  }
0x8d: {  	v13 =	vld [tilespmem:s17+$0x4400]  }
0x8e: {  	v33 =	vld [tilespmem:s17+$0x8400]  }
0x8f: {  	[tilespmem:$0x1FDA0] =	vst v62;
	v62 =	vld [tilespmem:s17+$0x8C30]  }
0x90: {  	v17 =	vld [tilespmem:s17+$0x410]  }
0x91: {  	v16 =	vld [tilespmem:s17+$0x4410]  }
0x92: {  	v36 =	vld [tilespmem:s17+$0x8410]  }
0x93: {  	v22 =	vld [tilespmem:s17+$0x420]  }
0x94: {  	[tilespmem:$0x1FDE0] =	vst v62;
	v62 =	vld [tilespmem:s17+$0xC40]  }
0x95: {  	v21 =	vld [tilespmem:s17+$0x4420]  }
0x96: {  	v39 =	vld [tilespmem:s17+$0x8420]  }
0x97: {  	v25 =	vld [tilespmem:s17+$0x430]  }
0x98: {  	v24 =	vld [tilespmem:s17+$0x4430]  }
0x99: {  	[tilespmem:$0x1FDC0] =	vst v62;
	v62 =	vld [tilespmem:s17+$0x4C40]  }
0x9a: {  	v42 =	vld [tilespmem:s17+$0x8430]  }
0x9b: {  	v28 =	vld [tilespmem:s17+$0x440]  }
0x9c: {  	v27 =	vld [tilespmem:s17+$0x4440]  }
0x9d: {  	v46 =	vld [tilespmem:s17+$0x8440]  }
0x9e: {  	[tilespmem:$0x1FDD0] =	vst v62;
	v62 =	vld [tilespmem:s17+$0x8C40]  }
0x9f: {  	v32 =	vld [tilespmem:s17+$0x450]  }
0xa0: {  	v31 =	vld [tilespmem:s17+$0x4450]  }
0xa1: {  	v49 =	vld [tilespmem:s17+$0x8450]  }
0xa2: {  	v35 =	vld [tilespmem:s17+$0x460]  }
0xa3: {  	[tilespmem:$0x1FE10] =	vst v62;
	v62 =	vld [tilespmem:s17+$0xC50]  }
0xa4: {  	v34 =	vld [tilespmem:s17+$0x4460]  }
0xa5: {  	v52 =	vld [tilespmem:s17+$0x8460]  }
0xa6: {  	v38 =	vld [tilespmem:s17+$0x470]  }
0xa7: {  	v37 =	vld [tilespmem:s17+$0x4470]  }
0xa8: {  	[tilespmem:$0x1FDF0] =	vst v62;
	v62 =	vld [tilespmem:s17+$0x4C50]  }
0xa9: {  	v55 =	vld [tilespmem:s17+$0x8470]  }
0xaa: {  	v41 =	vld [tilespmem:s17+$0x800]  }
0xab: {  	v40 =	vld [tilespmem:s17+$0x4800]  }
0xac: {  	v60 =	vld [tilespmem:s17+$0x8800]  }
0xad: {  	[tilespmem:$0x1FE00] =	vst v62;
	v62 =	vld [tilespmem:s17+$0x8C50]  }
0xae: {  	v45 =	vld [tilespmem:s17+$0x810]  }
0xaf: {  	v44 =	vld [tilespmem:s17+$0x4810]  }
0xb0: {  	v48 =	vld [tilespmem:s17+$0x8810]  }
0xb1: {  	v50 =	vld [tilespmem:s17+$0x820]  }
0xb2: {  	[tilespmem:$0x1FE40] =	vst v62;
	v62 =	vld [tilespmem:s17+$0xC60]  }
0xb3: {  	v51 =	vld [tilespmem:s17+$0x8820]  }
0xb4: {  	v53 =	vld [tilespmem:s17+$0x830]  }
0xb5: {  	v54 =	vld [tilespmem:s17+$0x8830]  }
0xb6: {  	v56 =	vld [tilespmem:s17+$0x840]  }
0xb7: {  	[tilespmem:$0x1FE20] =	vst v62;
	v62 =	vld [tilespmem:s17+$0x4C60]  }
0xb8: {  	v58 =	vld [tilespmem:s17+$0x8840]  }
0xb9: {  	v59 =	vld [tilespmem:s17+$0x850]  }
0xba: {  	v61 =	vld [tilespmem:s17+$0x8850]  }
0xbb: {  	v63 =	vld [tilespmem:s17+$0x4870]  }
0xbc: {  	[tilespmem:$0x1FE30] =	vst v62;
	v62 =	vld [tilespmem:s17+$0x8C60]  }
0xbd: {  	[tilespmem:$0x1FC80] =	vst v48;
	v48 =	vld [tilespmem:s17+$0x4820]  }
0xbe: {  	[tilespmem:$0x1FC90] =	vst v51;
	v51 =	vld [tilespmem:s17+$0x4830]  }
0xbf: {  	[tilespmem:$0x1FCA0] =	vst v54;
	v54 =	vld [tilespmem:s17+$0x4840]  }
0xc0: {  	[tilespmem:$0x1FCB0] =	vst v58;
	v58 =	vld [tilespmem:s17+$0x4850]  }
0xc1: {  	[tilespmem:$0x1FE70] =	vst v62;
	v62 =	vld [tilespmem:s17+$0xC70]  }
0xc2: {  	[tilespmem:$0x1FCD0] =	vst v61;
	v61 =	vld [tilespmem:s17+$0x860]  }
0xc3: {  	v3 =	vadd.f32 v7, v3;
	v30 =	vadd.f32 v30, v20;
	v20 =	vld [tilespmem:s17+$0x9070]  }
0xc4: {  	v6 =	vadd.f32 v5, v6;
	v5 =	vld [tilespmem:s17+$0x5410]  }
0xc5: {  	v3 =	vadd.f32 v19, v3;
	v19 =	vld [tilespmem:s17+$0x1070]  }
0xc6: {  	[tilespmem:$0x1FE50] =	vst v62;
	v62 =	vld [tilespmem:s17+$0x4C70]  }
0xc7: {  	v47 =	vadd.f32 v57, v47;
	v7 =	vadd.f32 v43, v30;
	v30 =	vld [tilespmem:s17+$0x5070]  }
0xc8: {  	v43 =	vld [tilespmem:s17+$0x1400]  }
0xc9: {  	v8 =	vadd.f32 v8, v9;
	v57 =	vadd.f32 v12, v47;
	v47 =	vld [tilespmem:s17+$0x9400]  }
0xca: {  	v10 =	vadd.f32 v10, v11;
	v9 =	vadd.f32 v23, v6;
	v6 =	vld [tilespmem:s17+$0x1420]  }
0xcb: {  	v11 =	vadd.f32 v26, v8;
	[tilespmem:$0x1FE60] =	vst v62;
	v62 =	vld [tilespmem:s17+$0x8C70]  }
0xcc: {  	v12 =	vadd.f32 v13, v14;
	v13 =	vadd.f32 v29, v10;
	v8 =	vld [tilespmem:s17+$0x5420]  }
0xcd: {  	v14 =	vadd.f32 v16, v17;
	v16 =	vadd.f32 v21, v22;
	v10 =	vld [tilespmem:s17+$0x1430]  }
0xce: {  	v22 =	vadd.f32 v27, v28;
	v28 =	vadd.f32 v37, v38;
	v38 =	vld [tilespmem:$0x1FC90]  }
0xcf: {  	[tilespmem:s17+$0xC020] =	vst v57;
	v57 =	vld [tilespmem:s17+$0x5400]  }
0xd0: {  	[tilespmem:$0x1FEA0] =	vst v62;
	v62 =	vld [tilespmem:s17+$0x1000]  }
0xd1: {  	[tilespmem:s17+$0xC000] =	vst v3;
	v3 =	vld [tilespmem:s17+$0x9410]  }
0xd2: {  	v0 =	vadd.f32 v0, v1;
	[tilespmem:s17+$0xC050] =	vst v9;
	v9 =	vld [tilespmem:s17+$0x9420]  }
0xd3: {  	[tilespmem:s17+$0xC060] =	vst v11;
	v11 =	vld [tilespmem:s17+$0x5430]  }
0xd4: {  	v0 =	vadd.f32 v15, v0;
	v15 =	vadd.f32 v33, v12;
	v12 =	vld [tilespmem:s17+$0x9430]  }
0xd5: {  	[tilespmem:$0x1FE80] =	vst v62;
	v62 =	vld [tilespmem:s17+$0x5000]  }
0xd6: {  	[tilespmem:s17+$0xC070] =	vst v13;
	v13 =	vld [tilespmem:s17+$0x1440]  }
0xd7: {  	v17 =	vadd.f32 v36, v14;
	v14 =	vld [tilespmem:s17+$0x5440]  }
0xd8: {  	v2 =	vadd.f32 v2, v4;
	v36 =	vld [tilespmem:$0x1FC80]  }
0xd9: {  	[tilespmem:s17+$0xC010] =	vst v7;
	v21 =	vadd.f32 v39, v16;
	v16 =	vld [tilespmem:s17+$0x1450]  }
0xda: {  	v7 =	vadd.f32 v18, v2;
	v18 =	vadd.f32 v24, v25;
	[tilespmem:$0x1FE90] =	vst v62;
	v62 =	vld [tilespmem:s17+$0x9000]  }
0xdb: {  	v24 =	vadd.f32 v31, v32;
	v31 =	vadd.f32 v40, v41;
	v40 =	vld [tilespmem:$0x1FCA0]  }
0xdc: {  	v26 =	vadd.f32 v34, v35;
	v33 =	vadd.f32 v44, v45;
	v45 =	vld [tilespmem:$0x1FCD0]  }
0xdd: {  	v25 =	vadd.f32 v46, v22;
	v22 =	vld [tilespmem:s17+$0x5460]  }
0xde: {  	v29 =	vadd.f32 v52, v26;
	v26 =	vld [tilespmem:s17+$0x9470]  }
0xdf: {  	[tilespmem:$0x1FED0] =	vst v62;
	v62 =	vld [tilespmem:s17+$0x1010]  }
0xe0: {  	[tilespmem:$0x1FCC0] =	vst v61;
	v61 =	vld [tilespmem:s17+$0x4860]  }
0xe1: {  	v35 =	vadd.f32 v48, v50;
	v48 =	vld [tilespmem:$0x1FCF0]  }
0xe2: {  	[tilespmem:s17+$0xC040] =	vst v7;
	v7 =	vld [tilespmem:s17+$0x1410]  }
0xe3: {  	[tilespmem:s17+$0xC400] =	vst v15;
	v15 =	vld [tilespmem:s17+$0x9440]  }
0xe4: {  	[tilespmem:$0x1FEB0] =	vst v62;
	v62 =	vld [tilespmem:s17+$0x5010]  }
0xe5: {  	[tilespmem:s17+$0xC410] =	vst v17;
	v17 =	vld [tilespmem:s17+$0x5450]  }
0xe6: {  	v23 =	vadd.f32 v42, v18;
	v42 =	vld [tilespmem:$0x1FCB0]  }
0xe7: {  	v44 =	vld [tilespmem:$0x1FCC0]  }
0xe8: {  	v18 =	vld [tilespmem:s17+$0x9450]  }
0xe9: {  	[tilespmem:$0x1FEC0] =	vst v62;
	v62 =	vld [tilespmem:s17+$0x9010]  }
0xea: {  	v46 =	vld [tilespmem:$0x1FCE0]  }
0xeb: {  	[tilespmem:s17+$0xC420] =	vst v21;
	v21 =	vld [tilespmem:s17+$0x1460]  }
0xec: {  	v27 =	vadd.f32 v49, v24;
	v24 =	vld [tilespmem:s17+$0x1470]  }
0xed: {  	[tilespmem:s17+$0xC440] =	vst v25;
	v25 =	vld [tilespmem:s17+$0x5470]  }
0xee: {  	[tilespmem:$0x1FF00] =	vst v62;
	v62 =	vld [tilespmem:s17+$0x1020]  }
0xef: {  	[tilespmem:s17+$0xC430] =	vst v23;
	v23 =	vld [tilespmem:s17+$0x9460]  }
0xf0: {  	[tilespmem:s17+$0xC450] =	vst v27;
	v27 =	vld [tilespmem:s17+$0x1800]  }
0xf1: {  	v37 =	vadd.f32 v51, v53;
	v51 =	vld [tilespmem:$0x1FD20]  }
0xf2: {  	v49 =	vld [tilespmem:$0x1FD00]  }
0xf3: {  	[tilespmem:$0x1FEE0] =	vst v62;
	v62 =	vld [tilespmem:s17+$0x5020]  }
0xf4: {  	v50 =	vld [tilespmem:$0x1FD10]  }
0xf5: {  	v39 =	vadd.f32 v54, v56;
	v54 =	vld [tilespmem:$0x1FD50]  }
0xf6: {  	v52 =	vld [tilespmem:$0x1FD30]  }
0xf7: {  	[tilespmem:s17+$0xC030] =	vst v0;
	v53 =	vld [tilespmem:$0x1FD40]  }
0xf8: {  	v0 =	vadd.f32 v36, v33;
	[tilespmem:$0x1FEF0] =	vst v62;
	v62 =	vld [tilespmem:s17+$0x9020]  }
0xf9: {  	v41 =	vadd.f32 v58, v59;
	v58 =	vld [tilespmem:$0x1FD80]  }
0xfa: {  	v32 =	vadd.f32 v55, v28;
	[tilespmem:s17+$0xC810] =	vst v0;
	v0 =	vadd.f32 v40, v37;
	v55 =	vld [tilespmem:$0x1FD60]  }
0xfb: {  	v59 =	vld [tilespmem:$0x1FD90]  }
0xfc: {  	v34 =	vadd.f32 v60, v31;
	[tilespmem:s17+$0xC830] =	vst v0;
	v60 =	vld [tilespmem:$0x1FDA0]  }
0xfd: {  	v4 =	vadd.f32 v63, v46;
	v0 =	vadd.f32 v45, v41;
	[tilespmem:$0x1FF30] =	vst v62;
	v62 =	vld [tilespmem:s17+$0x1030]  }
0xfe: {  	[tilespmem:s17+$0xC460] =	vst v29;
	v1 =	vadd.f32 v38, v35;
	v56 =	vld [tilespmem:$0x1FD70]  }
0xff: {  	[tilespmem:s17+$0xC850] =	vst v0;
	v0 =	vadd.f32 v51, v4;
	v29 =	vld [tilespmem:$0x1FDE0]  }
0x100: {  	[tilespmem:s17+$0xC820] =	vst v1;
	v2 =	vadd.f32 v61, v44;
	v4 =	vadd.f32 v53, v52;
	v61 =	vld [tilespmem:$0x1FDB0]  }
0x101: {  	v1 =	vadd.f32 v42, v39;
	[tilespmem:s17+$0xC870] =	vst v0;
	v63 =	vld [tilespmem:$0x1FDC0]  }
0x102: {  	v0 =	vadd.f32 v58, v4;
	v4 =	vadd.f32 v60, v59;
	[tilespmem:$0x1FF10] =	vst v62;
	v62 =	vld [tilespmem:s17+$0x5030]  }
0x103: {  	[tilespmem:s17+$0xC840] =	vst v1;
	v1 =	vadd.f32 v48, v2;
	v28 =	vld [tilespmem:$0x1FDD0]  }
0x104: {  	v2 =	vadd.f32 v50, v49;
	[tilespmem:s17+$0xCC10] =	vst v0;
	v0 =	vadd.f32 v29, v4;
	v29 =	vld [tilespmem:s17+$0x9800]  }
0x105: {  	[tilespmem:s17+$0xC470] =	vst v32;
	v33 =	vld [tilespmem:$0x1FE10]  }
0x106: {  	[tilespmem:s17+$0xC860] =	vst v1;
	v1 =	vadd.f32 v54, v2;
	v2 =	vadd.f32 v56, v55;
	v31 =	vld [tilespmem:$0x1FDF0]  }
0x107: {  	[tilespmem:$0x1FF20] =	vst v62;
	v62 =	vld [tilespmem:s17+$0x9030]  }
0x108: {  	[tilespmem:s17+$0xCC00] =	vst v1;
	v1 =	vadd.f32 v61, v2;
	v2 =	vadd.f32 v28, v63;
	v32 =	vld [tilespmem:$0x1FE00]  }
0x109: {  	v28 =	vld [tilespmem:s17+$0x5800]  }
0x10a: {  	[tilespmem:s17+$0xCC20] =	vst v1;
	v1 =	vadd.f32 v33, v2;
	v33 =	vld [tilespmem:s17+$0x9810]  }
0x10b: {  	v36 =	vld [tilespmem:$0x1FE40]  }
0x10c: {  	[tilespmem:$0x1FF60] =	vst v62;
	v62 =	vld [tilespmem:s17+$0x1040]  }
0x10d: {  	v4 =	vadd.f32 v32, v31;
	v31 =	vld [tilespmem:s17+$0x1810]  }
0x10e: {  	[tilespmem:s17+$0xC800] =	vst v34;
	v34 =	vld [tilespmem:$0x1FE20]  }
0x10f: {  	v35 =	vld [tilespmem:$0x1FE30]  }
0x110: {  	v32 =	vld [tilespmem:s17+$0x5810]  }
0x111: {  	[tilespmem:$0x1FF40] =	vst v62;
	v62 =	vld [tilespmem:s17+$0x5040]  }
0x112: {  	[tilespmem:s17+$0xCC30] =	vst v0;
	v0 =	vadd.f32 v36, v4;
	v36 =	vld [tilespmem:s17+$0x9820]  }
0x113: {  	v39 =	vld [tilespmem:$0x1FE70]  }
0x114: {  	v2 =	vadd.f32 v35, v34;
	v34 =	vld [tilespmem:s17+$0x1820]  }
0x115: {  	v35 =	vld [tilespmem:s17+$0x5820]  }
0x116: {  	[tilespmem:$0x1FF50] =	vst v62;
	v62 =	vld [tilespmem:s17+$0x9040]  }
0x117: {  	v37 =	vld [tilespmem:$0x1FE50]  }
0x118: {  	v40 =	vld [tilespmem:$0x1FE80]  }
0x119: {  	v41 =	vld [tilespmem:$0x1FE90]  }
0x11a: {  	v38 =	vld [tilespmem:$0x1FE60]  }
0x11b: {  	[tilespmem:$0x1FF90] =	vst v62;
	v62 =	vld [tilespmem:s17+$0x1050]  }
0x11c: {  	v42 =	vld [tilespmem:$0x1FEA0]  }
0x11d: {  	v46 =	vld [tilespmem:$0x1FED0]  }
0x11e: {  	[tilespmem:s17+$0xCC40] =	vst v1;
	v1 =	vadd.f32 v39, v2;
	v2 =	vadd.f32 v41, v40;
	v40 =	vld [tilespmem:s17+$0x1830]  }
0x11f: {  	v44 =	vld [tilespmem:$0x1FEB0]  }
0x120: {  	[tilespmem:$0x1FF70] =	vst v62;
	v62 =	vld [tilespmem:s17+$0x5050]  }
0x121: {  	v45 =	vld [tilespmem:$0x1FEC0]  }
0x122: {  	v50 =	vld [tilespmem:$0x1FF00]  }
0x123: {  	v48 =	vld [tilespmem:$0x1FEE0]  }
0x124: {  	v49 =	vld [tilespmem:$0x1FEF0]  }
0x125: {  	[tilespmem:$0x1FF80] =	vst v62;
	v62 =	vld [tilespmem:s17+$0x9050]  }
0x126: {  	v53 =	vld [tilespmem:$0x1FF30]  }
0x127: {  	v51 =	vld [tilespmem:$0x1FF10]  }
0x128: {  	v52 =	vld [tilespmem:$0x1FF20]  }
0x129: {  	v4 =	vadd.f32 v38, v37;
	v54 =	vld [tilespmem:$0x1FF40]  }
0x12a: {  	[tilespmem:$0x1FFC0] =	vst v62;
	v62 =	vld [tilespmem:s17+$0x1060]  }
0x12b: {  	[tilespmem:s17+$0xCC50] =	vst v0;
	v0 =	vadd.f32 v42, v4;
	v4 =	vadd.f32 v45, v44;
	v55 =	vld [tilespmem:$0x1FF50]  }
0x12c: {  	v56 =	vld [tilespmem:$0x1FF60]  }
0x12d: {  	[tilespmem:s17+$0xCC70] =	vst v0;
	v0 =	vadd.f32 v50, v4;
	v4 =	vadd.f32 v52, v51;
	v51 =	vld [tilespmem:s17+$0x1840]  }
0x12e: {  	[tilespmem:s17+$0xCC60] =	vst v1;
	v1 =	vadd.f32 v46, v2;
	v2 =	vadd.f32 v49, v48;
	v60 =	vld [tilespmem:$0x1FF90]  }
0x12f: {  	v42 =	vadd.f32 v30, v19;
	[tilespmem:$0x1FFA0] =	vst v62;
	v62 =	vld [tilespmem:s17+$0x5060]  }
0x130: {  	[tilespmem:s17+$0xD000] =	vst v1;
	v1 =	vadd.f32 v53, v2;
	v2 =	vadd.f32 v55, v54;
	v54 =	vld [tilespmem:s17+$0x5840]  }
0x131: {  	v49 =	vadd.f32 v20, v42;
	v58 =	vld [tilespmem:$0x1FF70]  }
0x132: {  	v46 =	vadd.f32 v57, v43;
	[tilespmem:s17+$0xD010] =	vst v0;
	v59 =	vld [tilespmem:$0x1FF80]  }
0x133: {  	[tilespmem:s17+$0xD070] =	vst v49;
	v41 =	vld [tilespmem:$0x1FFC0]  }
0x134: {  	v50 =	vadd.f32 v5, v7;
	v52 =	vadd.f32 v47, v46;
	v61 =	vld [tilespmem:$0x1FFA0];
	[tilespmem:$0x1FFB0] =	vst v62  }
0x135: {  	v53 =	vadd.f32 v8, v6;
	[tilespmem:s17+$0xD020] =	vst v1;
	v0 =	vadd.f32 v56, v4;
	v63 =	vld [tilespmem:$0x1FFB0]  }
0x136: {  	v57 =	vld [tilespmem:s17+$0x9840];
	[tilespmem:s17+$0xD400] =	vst v52;
	v55 =	vadd.f32 v3, v50;
	v1 =	vadd.f32 v60, v2  }
0x137: {  	[tilespmem:s17+$0xD030] =	vst v0;
	v4 =	vadd.f32 v59, v58;
	v59 =	vadd.f32 v14, v13;
	v62 =	vld [tilespmem:s17+$0x9060]  }
0x138: {  	v44 =	vld [tilespmem:s17+$0x5830];
	v56 =	vadd.f32 v11, v10;
	[tilespmem:s17+$0xD410] =	vst v55;
	v58 =	vadd.f32 v9, v53  }
0x139: {  	v48 =	vld [tilespmem:s17+$0x9830];
	v39 =	vadd.f32 v54, v51;
	[tilespmem:s17+$0xD040] =	vst v1;
	v15 =	vadd.f32 v15, v59  }
0x13a: {  	v60 =	vld [tilespmem:s17+$0x1850];
	[tilespmem:s17+$0xD420] =	vst v58;
	v0 =	vadd.f32 v41, v4;
	v2 =	vadd.f32 v63, v61  }
0x13b: {  	v43 =	vadd.f32 v57, v39;
	[tilespmem:s17+$0xD440] =	vst v15;
	v61 =	vadd.f32 v12, v56;
	v63 =	vld [tilespmem:s17+$0x5850]  }
0x13c: {  	[tilespmem:s17+$0xD050] =	vst v0;
	v45 =	vadd.f32 v62, v2;
	v62 =	vadd.f32 v17, v16;
	v17 =	vld [tilespmem:s17+$0x9850]  }
0x13d: {  	[tilespmem:s17+$0xD840] =	vst v43;
	v16 =	vadd.f32 v22, v21;
	v22 =	vld [tilespmem:s17+$0x1860]  }
0x13e: {  	[tilespmem:s17+$0xD430] =	vst v61;
	v21 =	vadd.f32 v25, v24;
	v25 =	vld [tilespmem:s17+$0x5860];
	v20 =	vadd.f32 v18, v62  }
0x13f: {  	v24 =	vadd.f32 v28, v27;
	v28 =	vld [tilespmem:s17+$0x1870];
	[tilespmem:s17+$0xD060] =	vst v45;
	v23 =	vadd.f32 v23, v16  }
0x140: {  	v27 =	vadd.f32 v32, v31;
	v32 =	vld [tilespmem:s17+$0x5870];
	v26 =	vadd.f32 v26, v21;
	[tilespmem:s17+$0xD450] =	vst v20  }
0x141: {  	v37 =	vld [tilespmem:s17+$0x9860];
	v31 =	vadd.f32 v35, v34;
	v29 =	vadd.f32 v29, v24;
	[tilespmem:s17+$0xD460] =	vst v23  }
0x142: {  	v35 =	vadd.f32 v44, v40;
	v40 =	vld [tilespmem:s17+$0x9870];
	v34 =	vadd.f32 v33, v27;
	[tilespmem:s17+$0xD470] =	vst v26  }
0x143: {  	v38 =	vadd.f32 v36, v31;
	v42 =	vadd.f32 v63, v60;
	[tilespmem:s17+$0xD800] =	vst v29  }
0x144: {  	v41 =	vadd.f32 v48, v35;
	[tilespmem:s17+$0xD810] =	vst v34;
	v44 =	vadd.f32 v25, v22  }
0x145: {  	[tilespmem:s17+$0xD820] =	vst v38;
	v45 =	vadd.f32 v17, v42;
	v46 =	vadd.f32 v32, v28  }
0x146: {  	s18 =	sand.u32 $0x7, s8;
	[tilespmem:s17+$0xD830] =	vst v41;
	v47 =	vadd.f32 v37, v44  }
0x147: {  	s18 =	sshll.u32 s18, $0x7;
	[tilespmem:s17+$0xD850] =	vst v45;
	v48 =	vadd.f32 v40, v46  }
0x148: {  	s18 =	sadd.s32 s18, s2;
	[tilespmem:s17+$0xD860] =	vst v47  }
0x149: {  	[tilespmem:s17+$0xD870] =	vst v48;
	s17 =	sor.u32 $0x1C00, s18  }
0x14a: {  	v0 =	vld [tilespmem:s17+$0x0]  }
0x14b: {  	v1 =	vld [tilespmem:s17+$0x4000];
	_ =	sdelay $0x1  }
0x14c: {  	v49 =	vld [tilespmem:s17+$0x8000];
	_ =	sdelay $0x2  }
0x14d: {  	v0 =	vadd.f32 v1, v0;
	_ =	sdelay $0x1  }
0x14e: {  	v0 =	vadd.f32 v49, v0;
	_ =	sdelay $0x1  }
0x14f: {  	[tilespmem:s17+$0xC000] =	vst v0;
	s17 =	sor.u32 $0x1C10, s18  }
0x150: {  	v0 =	vld [tilespmem:s17+$0x0]  }
0x151: {  	v50 =	vld [tilespmem:s17+$0x4000];
	_ =	sdelay $0x1  }
0x152: {  	v51 =	vld [tilespmem:s17+$0x8000];
	_ =	sdelay $0x2  }
0x153: {  	v0 =	vadd.f32 v50, v0;
	_ =	sdelay $0x1  }
0x154: {  	v0 =	vadd.f32 v51, v0;
	_ =	sdelay $0x1  }
0x155: {  	[tilespmem:s17+$0xC000] =	vst v0;
	s17 =	sor.u32 $0x1C20, s18  }
0x156: {  	v0 =	vld [tilespmem:s17+$0x0]  }
0x157: {  	v52 =	vld [tilespmem:s17+$0x4000];
	_ =	sdelay $0x1  }
0x158: {  	v53 =	vld [tilespmem:s17+$0x8000];
	_ =	sdelay $0x2  }
0x159: {  	v0 =	vadd.f32 v52, v0;
	_ =	sdelay $0x1  }
0x15a: {  	v0 =	vadd.f32 v53, v0;
	_ =	sdelay $0x1  }
0x15b: {  	[tilespmem:s17+$0xC000] =	vst v0;
	s17 =	sor.u32 $0x1C30, s18  }
0x15c: {  	v0 =	vld [tilespmem:s17+$0x0]  }
0x15d: {  	v54 =	vld [tilespmem:s17+$0x4000];
	_ =	sdelay $0x1  }
0x15e: {  	v55 =	vld [tilespmem:s17+$0x8000];
	_ =	sdelay $0x2  }
0x15f: {  	v0 =	vadd.f32 v54, v0;
	_ =	sdelay $0x1  }
0x160: {  	v0 =	vadd.f32 v55, v0;
	_ =	sdelay $0x1  }
0x161: {  	[tilespmem:s17+$0xC000] =	vst v0;
	s17 =	sor.u32 $0x1C40, s18  }
0x162: {  	v0 =	vld [tilespmem:s17+$0x0]  }
0x163: {  	v56 =	vld [tilespmem:s17+$0x4000];
	_ =	sdelay $0x1  }
0x164: {  	v57 =	vld [tilespmem:s17+$0x8000];
	_ =	sdelay $0x2  }
0x165: {  	v0 =	vadd.f32 v56, v0;
	_ =	sdelay $0x1  }
0x166: {  	v0 =	vadd.f32 v57, v0;
	_ =	sdelay $0x1  }
0x167: {  	[tilespmem:s17+$0xC000] =	vst v0;
	s17 =	sor.u32 $0x1C50, s18  }
0x168: {  	v0 =	vld [tilespmem:s17+$0x0]  }
0x169: {  	v58 =	vld [tilespmem:s17+$0x4000];
	_ =	sdelay $0x1  }
0x16a: {  	v59 =	vld [tilespmem:s17+$0x8000];
	_ =	sdelay $0x2  }
0x16b: {  	v0 =	vadd.f32 v58, v0;
	_ =	sdelay $0x1  }
0x16c: {  	v0 =	vadd.f32 v59, v0;
	_ =	sdelay $0x1  }
0x16d: {  	[tilespmem:s17+$0xC000] =	vst v0;
	s17 =	sor.u32 $0x1C60, s18  }
0x16e: {  	v0 =	vld [tilespmem:s17+$0x0]  }
0x16f: {  	v60 =	vld [tilespmem:s17+$0x4000];
	_ =	sdelay $0x1  }
0x170: {  	v61 =	vld [tilespmem:s17+$0x8000];
	_ =	sdelay $0x2  }
0x171: {  	v0 =	vadd.f32 v60, v0;
	_ =	sdelay $0x1  }
0x172: {  	v0 =	vadd.f32 v61, v0;
	_ =	sdelay $0x1  }
0x173: {  	s18 =	sor.u32 $0x1C70, s18;
	[tilespmem:s17+$0xC000] =	vst v0  }
0x174: {  	v0 =	vld [tilespmem:s18+$0x0]  }
0x175: {  	v62 =	vld [tilespmem:s18+$0x4000];
	_ =	sdelay $0x1  }
0x176: {  	v63 =	vld [tilespmem:s18+$0x8000];
	_ =	sdelay $0x1  }
0x177: {  	p0 =	sne.s32 s16, $0x780  }
.Ltmp0:
0x178: {  	v0 =	vadd.f32 v62, v0;
	(pc) =	sbr.rel @p0 .LBB2_3-.Ltmp0, $4  }
0x179: {  	_ = 	snop  }
0x17a: {  	v0 =	vadd.f32 v63, v0  }
0x17b: {  	s15 =	sadd.s32 $0x400, s15  }
0x17c: {  	s16 =	sadd.s32 $0x80, s16;
	s8 =	sadd.s32 $0x1, s8;
	s2 =	sadd.s32 $0x400, s2;
	[tilespmem:s18+$0xC000] =	vst v0  }
0x17d: {  	s7 =	sadd.s32 $0x1, s7  }
0x17e: {  	s2 =	rddreg [dreg:$0x1];
	p0 =	sne.s32 s7, $0x4  }
.Ltmp1:
0x17f: {  	s2 =	sadd.s32 s2, s12;
	(pc) =	sbr.rel @p0 .LBB2_2-.Ltmp1, $4  }
0x180: {  	[hbm4b:s2+s3] =	stream.linear.scatter [tilespmem:s13], [sflag:$0x2], $0x4000, $0x38;
	[tilespmem:$0x10200] =	vst v63  }
0x181: {  	_ =	swait.ge [sflag:s14], $0x4000  }
0x182: {  	[sflag:s14] =	ssyncset.done $0x0  }
0x183: {  	[sflag:s14] =	ssyncadd.s32 $0xFFFFC000  }
0x184: {  	s7 =	rddreg [dreg:$0x6]  }
0x185: {  	s2 =	rddreg [dreg:$0x5];
	s7 =	sadd.s32 $0x1, s7  }
0x186: {  	p0 =	sne.s32 s7, s2  }
.Ltmp2:
0x187: {  	_ = 	snop;
	(pc) =	sbr.rel @p0 .LBB2_1-.Ltmp2, $1  }
0x188: {  	_ =	sdelay $0x3  }
0x189: {  	_ =	sfence.sel $0x180000  }
0x18a: {  	[bflag:$0x0] =	sbarrier.arrive $0xFFFF  }
0x18b: {  	_ =	strace $0x9000004A  }
0x18c: {  	s0 =	stileid.u32;
	[bflag:$0x2] =	sbarrier.arrive $0xFFFF  }
0x18d: {  	p0 =	sne.s32 s0, $0x0;
	s0 =	rddreg [dreg:$0x2]  }
0x18e: {  	s0 =	sadd.s32 @!p0 $0x100000, s0  }
0x18f: {  	[sflag:s0] =	ssyncadd.tile.s32 @!p0 $0x1;
	_ =	shalt  }
.Lfunc_end2:
_tile_overlayer_lowered:
.L_overlay_start_2:
0x190: {  	(tag) =	ssettag $0x2  }
0x191: {  	s0 =	rddreg [dreg:$0x0];
	s2 =	stileid.u32  }
0x192: {  	s1 =	rddreg [dreg:$0x1];
	p0 =	sne.s32 s2, $0x0  }
0x193: {  	s3 =	rddreg [dreg:$0x2];
	[bflag:$0x3] =	sbarrier.arrive $0xFFFF;
	s2 =	simm.s32 @!p0 $0x1C02  }
0x194: {  	[timem:s3], [sflag:s2] =	dma.local @!p0 [hbm:s0], s1  }
0x195: {  	s0 =	simm.s32 @!p0 $0x2  }
0x196: {  	_ =	swait.ge @!p0 [sflag:s0], s1  }
0x197: {  	s1 =	ssub.s32 @!p0 $0x0, s1;
	[sflag:s0] =	ssyncset.done @!p0 $0x0  }
0x198: {  	[sflag:s0] =	ssyncadd.s32 @!p0 s1  }
0x199: {  	[bflag:$0x3] =	sbarrier.arrive $0xFFFF  }
0x19a: {  	_ =	shalt  }

</sc_bundles>
